<compile_context>
chip_gen: v7x
topology: tpu7x:2x2x1
jax: 0.10.2.dev20260603
libtpu: 0.0.44.dev20260713+nightly
codegen_flags: <defaults>
</compile_context>

<pallas_src>
import functools

import jax
import jax.numpy as jnp
from jax import lax
from jax.experimental import pallas as pl
from jax.experimental.pallas import tpu as pltpu
from jax.experimental.pallas import tpu_sc as plsc

BATCH = 16384
EMBED_DIM = 32

_info = plsc.get_sparse_core_info()
_NC, _NS = _info.num_cores, _info.num_subcores
_NW = _NC * _NS
_B_PER_W = BATCH // _NW
_CHUNK = 256
_GRP = 8


def _gather_body(user_tab, movie_tab, user_idx, movie_idx, u_out, m_out,
                 idx_uv, idx_mv, idx_shu, idx_shm, idx_us, idx_ms,
                 rows_u, rows_m, sem_u, sem_m):
    wid = lax.axis_index("s") * _NC + lax.axis_index("c")
    base = wid * _B_PER_W
    pltpu.sync_copy(user_idx.at[pl.ds(base, _B_PER_W)], idx_uv)
    pltpu.sync_copy(movie_idx.at[pl.ds(base, _B_PER_W)], idx_mv)
    pltpu.sync_copy(idx_uv, idx_shu.at[wid])
    pltpu.sync_copy(idx_mv, idx_shm.at[wid])
    pltpu.sync_copy(idx_shu.at[wid], idx_us)
    pltpu.sync_copy(idx_shm.at[wid], idx_ms)

    def fire_grp(g, off):
        for j in range(_GRP):
            i = g * _GRP + j
            pltpu.async_copy(user_tab.at[pl.ds(idx_us[off + i], 1)],
                             rows_u.at[pl.ds(i, 1)], sem_u)
            pltpu.async_copy(movie_tab.at[pl.ds(idx_ms[off + i], 1)],
                             rows_m.at[pl.ds(i, 1)], sem_m)

    def drain_grp():
        for _ in range(_GRP):
            pltpu.make_async_copy(user_tab.at[pl.ds(0, 1)],
                                  rows_u.at[pl.ds(0, 1)], sem_u).wait()
            pltpu.make_async_copy(movie_tab.at[pl.ds(0, 1)],
                                  rows_m.at[pl.ds(0, 1)], sem_m).wait()

    n_grp = _CHUNK // _GRP
    for c in range(_B_PER_W // _CHUNK):
        off = c * _CHUNK
        fire_grp(0, off)

        def step(g, carry):
            fire_grp(g, off)
            drain_grp()
            return carry

        lax.fori_loop(1, n_grp, step, 0)
        drain_grp()
        pltpu.sync_copy(rows_u, u_out.at[pl.ds(base + off, _CHUNK)])
        pltpu.sync_copy(rows_m, m_out.at[pl.ds(base + off, _CHUNK)])


_sc_gather = functools.partial(
    pl.kernel,
    out_type=(
        jax.ShapeDtypeStruct((BATCH, EMBED_DIM), jnp.float32),
        jax.ShapeDtypeStruct((BATCH, EMBED_DIM), jnp.float32),
    ),
    mesh=plsc.VectorSubcoreMesh(core_axis_name="c", subcore_axis_name="s"),
    scratch_types=[
        pltpu.VMEM((_B_PER_W,), jnp.int32),
        pltpu.VMEM((_B_PER_W,), jnp.int32),
        pltpu.VMEM_SHARED((_NW, _B_PER_W), jnp.int32),
        pltpu.VMEM_SHARED((_NW, _B_PER_W), jnp.int32),
        pltpu.SMEM((_B_PER_W,), jnp.int32),
        pltpu.SMEM((_B_PER_W,), jnp.int32),
        pltpu.VMEM((_CHUNK, EMBED_DIM), jnp.float32),
        pltpu.VMEM((_CHUNK, EMBED_DIM), jnp.float32),
        pltpu.SemaphoreType.DMA,
        pltpu.SemaphoreType.DMA,
    ],
    compiler_params=pltpu.CompilerParams(use_tc_tiling_on_sc=True),
)(_gather_body)


_BLK = 1024


def _mlp_body(u_ref, m_ref, w1u_ref, w1m_ref, b1_ref, w2_ref, b2_ref,
              w3_ref, b3_ref, out_ref):
    h = jnp.dot(u_ref[:], w1u_ref[:], preferred_element_type=jnp.float32)
    h += jnp.dot(m_ref[:], w1m_ref[:], preferred_element_type=jnp.float32)
    h = jnp.maximum(h + b1_ref[:], 0.0)
    h = jnp.dot(h, w2_ref[:], preferred_element_type=jnp.float32)
    h = jnp.maximum(h + b2_ref[:], 0.0)
    out_ref[:] = jnp.sum(h * w3_ref[:], axis=1) + b3_ref[0, 0]


def _mlp(u, m, W1, b1, W2, b2, W3, b3):
    grid = (BATCH // _BLK,)
    full = lambda i: (0, 0)
    return pl.pallas_call(
        _mlp_body,
        grid=grid,
        in_specs=[
            pl.BlockSpec((_BLK, EMBED_DIM), lambda i: (i, 0)),
            pl.BlockSpec((_BLK, EMBED_DIM), lambda i: (i, 0)),
            pl.BlockSpec((EMBED_DIM, 64), full),
            pl.BlockSpec((EMBED_DIM, 64), full),
            pl.BlockSpec((1, 64), full),
            pl.BlockSpec((64, 32), full),
            pl.BlockSpec((1, 32), full),
            pl.BlockSpec((1, 32), full),
            pl.BlockSpec((1, 1), full),
        ],
        out_specs=pl.BlockSpec((_BLK,), lambda i: (i,)),
        out_shape=jax.ShapeDtypeStruct((BATCH,), jnp.float32),
    )(u, m, W1[:EMBED_DIM], W1[EMBED_DIM:], b1.reshape(1, 64), W2,
      b2.reshape(1, 32), W3.reshape(1, 32), b3.reshape(1, 1))


@jax.jit
def kernel(user, movie, user_table, movie_table, W1, b1, W2, b2, W3, b3):
    u_rows, m_rows = _sc_gather(user_table, movie_table,
                                user.astype(jnp.int32),
                                movie.astype(jnp.int32))
    return _mlp(u_rows, m_rows, W1, b1, W2, b2, W3, b3)

# --- scband reference (transcript-rebuilt; emitter-appended) ---
"""Pipeline reference for scband-neural-cf-86543591015163 (READ-ONLY COPY).

The authoritative reference and input builder live on the scoring server;
editing this copy changes nothing except your own understanding.
"""

import jax, jax.numpy as jnp
import numpy as np

NUM_USERS = 1000000
NUM_MOVIES = 100000
EMBED_DIM = 32
BATCH = 16384


def setup_inputs(seed: int = 0) -> dict:
    key = jax.random.key(seed)
    ks = jax.random.split(key, 10)
    user = jax.random.randint(ks[0], (BATCH,), 0, NUM_USERS, dtype=jnp.int64 if jax.config.jax_enable_x64 else jnp.int32)
    movie = jax.random.randint(ks[1], (BATCH,), 0, NUM_MOVIES, dtype=jnp.int64 if jax.config.jax_enable_x64 else jnp.int32)
    user_table = jax.random.normal(ks[2], (NUM_USERS, EMBED_DIM), dtype=jnp.float32)
    movie_table = jax.random.normal(ks[3], (NUM_MOVIES, EMBED_DIM), dtype=jnp.float32)
    # fc layers: Linear(64->64), Linear(64->32), Linear(32->1)
    d_in = EMBED_DIM * 2
    lim1 = 1.0 / np.sqrt(d_in)
    W1 = jax.random.uniform(ks[4], (d_in, 64), minval=-lim1, maxval=lim1, dtype=jnp.float32)
    b1 = jax.random.uniform(ks[5], (64,), minval=-lim1, maxval=lim1, dtype=jnp.float32)
    lim2 = 1.0 / np.sqrt(64)
    W2 = jax.random.uniform(ks[6], (64, 32), minval=-lim2, maxval=lim2, dtype=jnp.float32)
    b2 = jax.random.uniform(ks[7], (32,), minval=-lim2, maxval=lim2, dtype=jnp.float32)
    lim3 = 1.0 / np.sqrt(32)
    W3 = jax.random.uniform(ks[8], (32, 1), minval=-lim3, maxval=lim3, dtype=jnp.float32)
    b3 = jax.random.uniform(ks[9], (1,), minval=-lim3, maxval=lim3, dtype=jnp.float32)
    return {"user": user, "movie": movie, "user_table": user_table, "movie_table": movie_table,
            "W1": W1, "b1": b1, "W2": W2, "b2": b2, "W3": W3, "b3": b3}


def reference(user, movie, user_table, movie_table, W1, b1, W2, b2, W3, b3):
    u = jnp.take(user_table, user, axis=0)
    m = jnp.take(movie_table, movie, axis=0)
    x = jnp.concatenate([u, m], axis=-1)
    h = jax.nn.relu(x @ W1 + b1)
    h = jax.nn.relu(h @ W2 + b2)
    out = h @ W3 + b3
    return jnp.squeeze(out)

if __name__ == "__main__":
    import jax
    _d = setup_inputs()
    print(jax.jit(kernel)(*tuple(_d.values())))

</pallas_src>

<mosaic_0001>
#map = affine_map<(d0, d1) -> (0, 0)>
#map1 = affine_map<(d0, d1) -> (0)>
module attributes {stable_mosaic.version = 14 : i64} {
  func.func @_gather_body(%arg0: i32, %arg1: i32, %arg2: memref<1000000x32xf32, #tpu.memory_space<hbm>>, %arg3: memref<100000x32xf32, #tpu.memory_space<hbm>>, %arg4: memref<16384xi32, #tpu.memory_space<hbm>>, %arg5: memref<16384xi32, #tpu.memory_space<hbm>>, %arg6: memref<16384x32xf32, #tpu.memory_space<hbm>>, %arg7: memref<16384x32xf32, #tpu.memory_space<hbm>>, %arg8: memref<512xi32, #tpu.memory_space<vmem>>, %arg9: memref<512xi32, #tpu.memory_space<vmem>>, %arg10: memref<32x512xi32, #tpu.memory_space<vmem_shared>>, %arg11: memref<32x512xi32, #tpu.memory_space<vmem_shared>>, %arg12: memref<512xi32, #tpu.memory_space<smem>>, %arg13: memref<512xi32, #tpu.memory_space<smem>>, %arg14: memref<256x32xf32, #tpu.memory_space<vmem>>, %arg15: memref<256x32xf32, #tpu.memory_space<vmem>>, %arg16: memref<!tpu.dma_semaphore, #tpu.memory_space<semaphore_mem>>, %arg17: memref<!tpu.dma_semaphore, #tpu.memory_space<semaphore_mem>>) attributes {dimension_semantics = [#tpu.dimension_semantics<core_parallel>, #tpu.dimension_semantics<subcore_parallel>], iteration_bounds = array<i64: 2, 16>, scalar_prefetch = 0 : i64, scratch_operands = 10 : i64, tpu.core_type = #tpu.core_type<sc_vector_subcore>, window_params = [{transform_indices = #map}, {transform_indices = #map}, {transform_indices = #map1}, {transform_indices = #map1}, {transform_indices = #map}, {transform_indices = #map}]} {
    %mul3A = arith.constant 2 : i32
    %mul3A_0 = arith.muli %arg1, %mul3A : i32
    %add3A = arith.addi %mul3A_0, %arg0 : i32
    %mul3A_1 = arith.constant 512 : i32
    %mul3A_2 = arith.muli %add3A, %mul3A_1 : i32
    "tpu.region"() ({
      %run_scoped3A = tpu.sem_alloc : memref<!tpu.dma_semaphore, #tpu.memory_space<semaphore_mem>>
      %dma_start3A_819 = tpu.memref_slice %arg4[%mul3A_2] : memref<16384xi32, #tpu.memory_space<hbm>> -> memref<512xi32, #tpu.memory_space<hbm>>
      %dma_start3A_820 = tpu.memref_slice %arg4[%mul3A_2] : memref<16384xi32, #tpu.memory_space<hbm>> -> memref<512xi32, #tpu.memory_space<hbm>>
      tpu.enqueue_dma source(%dma_start3A_820 : memref<512xi32, #tpu.memory_space<hbm>>) target(%arg8 : memref<512xi32, #tpu.memory_space<vmem>>) target_semaphore(%run_scoped3A : memref<!tpu.dma_semaphore, #tpu.memory_space<semaphore_mem>>)
      %dma_wait3A_821 = tpu.memref_slice %arg4[%mul3A_2] : memref<16384xi32, #tpu.memory_space<hbm>> -> memref<512xi32, #tpu.memory_space<hbm>>
      %dma_wait3A_822 = tpu.memref_slice %arg4[%mul3A_2] : memref<16384xi32, #tpu.memory_space<hbm>> -> memref<512xi32, #tpu.memory_space<hbm>>
      tpu.wait_dma2 semaphore(%run_scoped3A : memref<!tpu.dma_semaphore, #tpu.memory_space<semaphore_mem>>) src(%dma_wait3A_822 : memref<512xi32, #tpu.memory_space<hbm>>) dst(%arg8 : memref<512xi32, #tpu.memory_space<vmem>>)
      tpu.yield
    }) : () -> ()
    "tpu.region"() ({
      %run_scoped3A = tpu.sem_alloc : memref<!tpu.dma_semaphore, #tpu.memory_space<semaphore_mem>>
      %dma_start3A_819 = tpu.memref_slice %arg5[%mul3A_2] : memref<16384xi32, #tpu.memory_space<hbm>> -> memref<512xi32, #tpu.memory_space<hbm>>
      %dma_start3A_820 = tpu.memref_slice %arg5[%mul3A_2] : memref<16384xi32, #tpu.memory_space<hbm>> -> memref<512xi32, #tpu.memory_space<hbm>>
      tpu.enqueue_dma source(%dma_start3A_820 : memref<512xi32, #tpu.memory_space<hbm>>) target(%arg9 : memref<512xi32, #tpu.memory_space<vmem>>) target_semaphore(%run_scoped3A : memref<!tpu.dma_semaphore, #tpu.memory_space<semaphore_mem>>)
      %dma_wait3A_821 = tpu.memref_slice %arg5[%mul3A_2] : memref<16384xi32, #tpu.memory_space<hbm>> -> memref<512xi32, #tpu.memory_space<hbm>>
      %dma_wait3A_822 = tpu.memref_slice %arg5[%mul3A_2] : memref<16384xi32, #tpu.memory_space<hbm>> -> memref<512xi32, #tpu.memory_space<hbm>>
      tpu.wait_dma2 semaphore(%run_scoped3A : memref<!tpu.dma_semaphore, #tpu.memory_space<semaphore_mem>>) src(%dma_wait3A_822 : memref<512xi32, #tpu.memory_space<hbm>>) dst(%arg9 : memref<512xi32, #tpu.memory_space<vmem>>)
      tpu.yield
    }) : () -> ()
    "tpu.region"() ({
      %run_scoped3A = tpu.sem_alloc : memref<!tpu.dma_semaphore, #tpu.memory_space<semaphore_mem>>
      %dma_start3A_819 = arith.constant 0 : i32
      %dma_start3A_820 = tpu.memref_slice %arg10[%add3A, %dma_start3A_819] : memref<32x512xi32, #tpu.memory_space<vmem_shared>> -> memref<1x512xi32, #tpu.memory_space<vmem_shared>>
      %dma_start3A_821 = tpu.memref_squeeze %dma_start3A_820 : memref<1x512xi32, #tpu.memory_space<vmem_shared>> -> memref<512xi32, #tpu.memory_space<vmem_shared>>
      %dma_start3A_822 = arith.constant 0 : i32
      %dma_start3A_823 = tpu.memref_slice %arg10[%add3A, %dma_start3A_822] : memref<32x512xi32, #tpu.memory_space<vmem_shared>> -> memref<1x512xi32, #tpu.memory_space<vmem_shared>>
      %dma_start3A_824 = tpu.memref_squeeze %dma_start3A_823 : memref<1x512xi32, #tpu.memory_space<vmem_shared>> -> memref<512xi32, #tpu.memory_space<vmem_shared>>
      tpu.enqueue_dma source(%arg8 : memref<512xi32, #tpu.memory_space<vmem>>) target(%dma_start3A_824 : memref<512xi32, #tpu.memory_space<vmem_shared>>) target_semaphore(%run_scoped3A : memref<!tpu.dma_semaphore, #tpu.memory_space<semaphore_mem>>)
      %dma_wait3A_825 = arith.constant 0 : i32
      %dma_wait3A_826 = tpu.memref_slice %arg10[%add3A, %dma_wait3A_825] : memref<32x512xi32, #tpu.memory_space<vmem_shared>> -> memref<1x512xi32, #tpu.memory_space<vmem_shared>>
      %dma_wait3A_827 = tpu.memref_squeeze %dma_wait3A_826 : memref<1x512xi32, #tpu.memory_space<vmem_shared>> -> memref<512xi32, #tpu.memory_space<vmem_shared>>
      %dma_wait3A_828 = arith.constant 0 : i32
      %dma_wait3A_829 = tpu.memref_slice %arg10[%add3A, %dma_wait3A_828] : memref<32x512xi32, #tpu.memory_space<vmem_shared>> -> memref<1x512xi32, #tpu.memory_space<vmem_shared>>
      %dma_wait3A_830 = tpu.memref_squeeze %dma_wait3A_829 : memref<1x512xi32, #tpu.memory_space<vmem_shared>> -> memref<512xi32, #tpu.memory_space<vmem_shared>>
      tpu.wait_dma2 semaphore(%run_scoped3A : memref<!tpu.dma_semaphore, #tpu.memory_space<semaphore_mem>>) src(%arg8 : memref<512xi32, #tpu.memory_space<vmem>>) dst(%dma_wait3A_830 : memref<512xi32, #tpu.memory_space<vmem_shared>>)
      tpu.yield
    }) : () -> ()
    "tpu.region"() ({
      %run_scoped3A = tpu.sem_alloc : memref<!tpu.dma_semaphore, #tpu.memory_space<semaphore_mem>>
      %dma_start3A_819 = arith.constant 0 : i32
      %dma_start3A_820 = tpu.memref_slice %arg11[%add3A, %dma_start3A_819] : memref<32x512xi32, #tpu.memory_space<vmem_shared>> -> memref<1x512xi32, #tpu.memory_space<vmem_shared>>
      %dma_start3A_821 = tpu.memref_squeeze %dma_start3A_820 : memref<1x512xi32, #tpu.memory_space<vmem_shared>> -> memref<512xi32, #tpu.memory_space<vmem_shared>>
      %dma_start3A_822 = arith.constant 0 : i32
      %dma_start3A_823 = tpu.memref_slice %arg11[%add3A, %dma_start3A_822] : memref<32x512xi32, #tpu.memory_space<vmem_shared>> -> memref<1x512xi32, #tpu.memory_space<vmem_shared>>
      %dma_start3A_824 = tpu.memref_squeeze %dma_start3A_823 : memref<1x512xi32, #tpu.memory_space<vmem_shared>> -> memref<512xi32, #tpu.memory_space<vmem_shared>>
      tpu.enqueue_dma source(%arg9 : memref<512xi32, #tpu.memory_space<vmem>>) target(%dma_start3A_824 : memref<512xi32, #tpu.memory_space<vmem_shared>>) target_semaphore(%run_scoped3A : memref<!tpu.dma_semaphore, #tpu.memory_space<semaphore_mem>>)
      %dma_wait3A_825 = arith.constant 0 : i32
      %dma_wait3A_826 = tpu.memref_slice %arg11[%add3A, %dma_wait3A_825] : memref<32x512xi32, #tpu.memory_space<vmem_shared>> -> memref<1x512xi32, #tpu.memory_space<vmem_shared>>
      %dma_wait3A_827 = tpu.memref_squeeze %dma_wait3A_826 : memref<1x512xi32, #tpu.memory_space<vmem_shared>> -> memref<512xi32, #tpu.memory_space<vmem_shared>>
      %dma_wait3A_828 = arith.constant 0 : i32
      %dma_wait3A_829 = tpu.memref_slice %arg11[%add3A, %dma_wait3A_828] : memref<32x512xi32, #tpu.memory_space<vmem_shared>> -> memref<1x512xi32, #tpu.memory_space<vmem_shared>>
      %dma_wait3A_830 = tpu.memref_squeeze %dma_wait3A_829 : memref<1x512xi32, #tpu.memory_space<vmem_shared>> -> memref<512xi32, #tpu.memory_space<vmem_shared>>
      tpu.wait_dma2 semaphore(%run_scoped3A : memref<!tpu.dma_semaphore, #tpu.memory_space<semaphore_mem>>) src(%arg9 : memref<512xi32, #tpu.memory_space<vmem>>) dst(%dma_wait3A_830 : memref<512xi32, #tpu.memory_space<vmem_shared>>)
      tpu.yield
    }) : () -> ()
    "tpu.region"() ({
      %run_scoped3A = tpu.sem_alloc : memref<!tpu.dma_semaphore, #tpu.memory_space<semaphore_mem>>
      %dma_start3A_819 = arith.constant 0 : i32
      %dma_start3A_820 = tpu.memref_slice %arg10[%add3A, %dma_start3A_819] : memref<32x512xi32, #tpu.memory_space<vmem_shared>> -> memref<1x512xi32, #tpu.memory_space<vmem_shared>>
      %dma_start3A_821 = tpu.memref_squeeze %dma_start3A_820 : memref<1x512xi32, #tpu.memory_space<vmem_shared>> -> memref<512xi32, #tpu.memory_space<vmem_shared>>
      tpu.enqueue_dma source(%dma_start3A_821 : memref<512xi32, #tpu.memory_space<vmem_shared>>) target(%arg12 : memref<512xi32, #tpu.memory_space<smem>>) target_semaphore(%run_scoped3A : memref<!tpu.dma_semaphore, #tpu.memory_space<semaphore_mem>>)
      %dma_wait3A_822 = arith.constant 0 : i32
      %dma_wait3A_823 = tpu.memref_slice %arg10[%add3A, %dma_wait3A_822] : memref<32x512xi32, #tpu.memory_space<vmem_shared>> -> memref<1x512xi32, #tpu.memory_space<vmem_shared>>
      %dma_wait3A_824 = tpu.memref_squeeze %dma_wait3A_823 : memref<1x512xi32, #tpu.memory_space<vmem_shared>> -> memref<512xi32, #tpu.memory_space<vmem_shared>>
      tpu.wait_dma2 semaphore(%run_scoped3A : memref<!tpu.dma_semaphore, #tpu.memory_space<semaphore_mem>>) src(%dma_wait3A_824 : memref<512xi32, #tpu.memory_space<vmem_shared>>) dst(%arg12 : memref<512xi32, #tpu.memory_space<smem>>)
      tpu.yield
    }) : () -> ()
    "tpu.region"() ({
      %run_scoped3A = tpu.sem_alloc : memref<!tpu.dma_semaphore, #tpu.memory_space<semaphore_mem>>
      %dma_start3A_819 = arith.constant 0 : i32
      %dma_start3A_820 = tpu.memref_slice %arg11[%add3A, %dma_start3A_819] : memref<32x512xi32, #tpu.memory_space<vmem_shared>> -> memref<1x512xi32, #tpu.memory_space<vmem_shared>>
      %dma_start3A_821 = tpu.memref_squeeze %dma_start3A_820 : memref<1x512xi32, #tpu.memory_space<vmem_shared>> -> memref<512xi32, #tpu.memory_space<vmem_shared>>
      tpu.enqueue_dma source(%dma_start3A_821 : memref<512xi32, #tpu.memory_space<vmem_shared>>) target(%arg13 : memref<512xi32, #tpu.memory_space<smem>>) target_semaphore(%run_scoped3A : memref<!tpu.dma_semaphore, #tpu.memory_space<semaphore_mem>>)
      %dma_wait3A_822 = arith.constant 0 : i32
      %dma_wait3A_823 = tpu.memref_slice %arg11[%add3A, %dma_wait3A_822] : memref<32x512xi32, #tpu.memory_space<vmem_shared>> -> memref<1x512xi32, #tpu.memory_space<vmem_shared>>
      %dma_wait3A_824 = tpu.memref_squeeze %dma_wait3A_823 : memref<1x512xi32, #tpu.memory_space<vmem_shared>> -> memref<512xi32, #tpu.memory_space<vmem_shared>>
      tpu.wait_dma2 semaphore(%run_scoped3A : memref<!tpu.dma_semaphore, #tpu.memory_space<semaphore_mem>>) src(%dma_wait3A_824 : memref<512xi32, #tpu.memory_space<vmem_shared>>) dst(%arg13 : memref<512xi32, #tpu.memory_space<smem>>)
      tpu.yield
    }) : () -> ()
    %get3A = arith.constant 0 : i32
    %get3A_3 = arith.index_cast %get3A : i32 to index
    %get3A_4 = memref.load %arg12[%get3A_3] : memref<512xi32, #tpu.memory_space<smem>>
    %dma_start3A = arith.constant 0 : i32
    %dma_start3A_5 = arith.constant 0 : i32
    %dma_start3A_6 = tpu.memref_slice %arg14[%dma_start3A, %dma_start3A_5] : memref<256x32xf32, #tpu.memory_space<vmem>> -> memref<1x32xf32, #tpu.memory_space<vmem>>
    %dma_start3A_7 = arith.constant 0 : i32
    %dma_start3A_8 = tpu.memref_slice %arg2[%get3A_4, %dma_start3A_7] : memref<1000000x32xf32, #tpu.memory_space<hbm>> -> memref<1x32xf32, #tpu.memory_space<hbm>>
    %dma_start3A_9 = arith.constant 0 : i32
    %dma_start3A_10 = arith.constant 0 : i32
    %dma_start3A_11 = tpu.memref_slice %arg14[%dma_start3A_9, %dma_start3A_10] : memref<256x32xf32, #tpu.memory_space<vmem>> -> memref<1x32xf32, #tpu.memory_space<vmem>>
    %dma_start3A_12 = arith.constant 0 : i32
    %dma_start3A_13 = tpu.memref_slice %arg2[%get3A_4, %dma_start3A_12] : memref<1000000x32xf32, #tpu.memory_space<hbm>> -> memref<1x32xf32, #tpu.memory_space<hbm>>
    tpu.enqueue_dma source(%dma_start3A_13 : memref<1x32xf32, #tpu.memory_space<hbm>>) target(%dma_start3A_11 : memref<1x32xf32, #tpu.memory_space<vmem>>) target_semaphore(%arg16 : memref<!tpu.dma_semaphore, #tpu.memory_space<semaphore_mem>>)
    %get3A_14 = arith.constant 0 : i32
    %get3A_15 = arith.index_cast %get3A_14 : i32 to index
    %get3A_16 = memref.load %arg13[%get3A_15] : memref<512xi32, #tpu.memory_space<smem>>
    %dma_start3A_17 = arith.constant 0 : i32
    %dma_start3A_18 = arith.constant 0 : i32
    %dma_start3A_19 = tpu.memref_slice %arg15[%dma_start3A_17, %dma_start3A_18] : memref<256x32xf32, #tpu.memory_space<vmem>> -> memref<1x32xf32, #tpu.memory_space<vmem>>
    %dma_start3A_20 = arith.constant 0 : i32
    %dma_start3A_21 = tpu.memref_slice %arg3[%get3A_16, %dma_start3A_20] : memref<100000x32xf32, #tpu.memory_space<hbm>> -> memref<1x32xf32, #tpu.memory_space<hbm>>
    %dma_start3A_22 = arith.constant 0 : i32
    %dma_start3A_23 = arith.constant 0 : i32
    %dma_start3A_24 = tpu.memref_slice %arg15[%dma_start3A_22, %dma_start3A_23] : memref<256x32xf32, #tpu.memory_space<vmem>> -> memref<1x32xf32, #tpu.memory_space<vmem>>
    %dma_start3A_25 = arith.constant 0 : i32
    %dma_start3A_26 = tpu.memref_slice %arg3[%get3A_16, %dma_start3A_25] : memref<100000x32xf32, #tpu.memory_space<hbm>> -> memref<1x32xf32, #tpu.memory_space<hbm>>
    tpu.enqueue_dma source(%dma_start3A_26 : memref<1x32xf32, #tpu.memory_space<hbm>>) target(%dma_start3A_24 : memref<1x32xf32, #tpu.memory_space<vmem>>) target_semaphore(%arg17 : memref<!tpu.dma_semaphore, #tpu.memory_space<semaphore_mem>>)
    %get3A_27 = arith.constant 1 : i32
    %get3A_28 = arith.index_cast %get3A_27 : i32 to index
    %get3A_29 = memref.load %arg12[%get3A_28] : memref<512xi32, #tpu.memory_space<smem>>
    %dma_start3A_30 = arith.constant 1 : i32
    %dma_start3A_31 = arith.constant 0 : i32
    %dma_start3A_32 = tpu.memref_slice %arg14[%dma_start3A_30, %dma_start3A_31] : memref<256x32xf32, #tpu.memory_space<vmem>> -> memref<1x32xf32, #tpu.memory_space<vmem>>
    %dma_start3A_33 = arith.constant 0 : i32
    %dma_start3A_34 = tpu.memref_slice %arg2[%get3A_29, %dma_start3A_33] : memref<1000000x32xf32, #tpu.memory_space<hbm>> -> memref<1x32xf32, #tpu.memory_space<hbm>>
    %dma_start3A_35 = arith.constant 1 : i32
    %dma_start3A_36 = arith.constant 0 : i32
    %dma_start3A_37 = tpu.memref_slice %arg14[%dma_start3A_35, %dma_start3A_36] : memref<256x32xf32, #tpu.memory_space<vmem>> -> memref<1x32xf32, #tpu.memory_space<vmem>>
    %dma_start3A_38 = arith.constant 0 : i32
    %dma_start3A_39 = tpu.memref_slice %arg2[%get3A_29, %dma_start3A_38] : memref<1000000x32xf32, #tpu.memory_space<hbm>> -> memref<1x32xf32, #tpu.memory_space<hbm>>
    tpu.enqueue_dma source(%dma_start3A_39 : memref<1x32xf32, #tpu.memory_space<hbm>>) target(%dma_start3A_37 : memref<1x32xf32, #tpu.memory_space<vmem>>) target_semaphore(%arg16 : memref<!tpu.dma_semaphore, #tpu.memory_space<semaphore_mem>>)
    %get3A_40 = arith.constant 1 : i32
    %get3A_41 = arith.index_cast %get3A_40 : i32 to index
    %get3A_42 = memref.load %arg13[%get3A_41] : memref<512xi32, #tpu.memory_space<smem>>
    %dma_start3A_43 = arith.constant 1 : i32
    %dma_start3A_44 = arith.constant 0 : i32
    %dma_start3A_45 = tpu.memref_slice %arg15[%dma_start3A_43, %dma_start3A_44] : memref<256x32xf32, #tpu.memory_space<vmem>> -> memref<1x32xf32, #tpu.memory_space<vmem>>
    %dma_start3A_46 = arith.constant 0 : i32
    %dma_start3A_47 = tpu.memref_slice %arg3[%get3A_42, %dma_start3A_46] : memref<100000x32xf32, #tpu.memory_space<hbm>> -> memref<1x32xf32, #tpu.memory_space<hbm>>
    %dma_start3A_48 = arith.constant 1 : i32
    %dma_start3A_49 = arith.constant 0 : i32
    %dma_start3A_50 = tpu.memref_slice %arg15[%dma_start3A_48, %dma_start3A_49] : memref<256x32xf32, #tpu.memory_space<vmem>> -> memref<1x32xf32, #tpu.memory_space<vmem>>
    %dma_start3A_51 = arith.constant 0 : i32
    %dma_start3A_52 = tpu.memref_slice %arg3[%get3A_42, %dma_start3A_51] : memref<100000x32xf32, #tpu.memory_space<hbm>> -> memref<1x32xf32, #tpu.memory_space<hbm>>
    tpu.enqueue_dma source(%dma_start3A_52 : memref<1x32xf32, #tpu.memory_space<hbm>>) target(%dma_start3A_50 : memref<1x32xf32, #tpu.memory_space<vmem>>) target_semaphore(%arg17 : memref<!tpu.dma_semaphore, #tpu.memory_space<semaphore_mem>>)
    %get3A_53 = arith.constant 2 : i32
    %get3A_54 = arith.index_cast %get3A_53 : i32 to index
    %get3A_55 = memref.load %arg12[%get3A_54] : memref<512xi32, #tpu.memory_space<smem>>
    %dma_start3A_56 = arith.constant 2 : i32
    %dma_start3A_57 = arith.constant 0 : i32
    %dma_start3A_58 = tpu.memref_slice %arg14[%dma_start3A_56, %dma_start3A_57] : memref<256x32xf32, #tpu.memory_space<vmem>> -> memref<1x32xf32, #tpu.memory_space<vmem>>
    %dma_start3A_59 = arith.constant 0 : i32
    %dma_start3A_60 = tpu.memref_slice %arg2[%get3A_55, %dma_start3A_59] : memref<1000000x32xf32, #tpu.memory_space<hbm>> -> memref<1x32xf32, #tpu.memory_space<hbm>>
    %dma_start3A_61 = arith.constant 2 : i32
    %dma_start3A_62 = arith.constant 0 : i32
    %dma_start3A_63 = tpu.memref_slice %arg14[%dma_start3A_61, %dma_start3A_62] : memref<256x32xf32, #tpu.memory_space<vmem>> -> memref<1x32xf32, #tpu.memory_space<vmem>>
    %dma_start3A_64 = arith.constant 0 : i32
    %dma_start3A_65 = tpu.memref_slice %arg2[%get3A_55, %dma_start3A_64] : memref<1000000x32xf32, #tpu.memory_space<hbm>> -> memref<1x32xf32, #tpu.memory_space<hbm>>
    tpu.enqueue_dma source(%dma_start3A_65 : memref<1x32xf32, #tpu.memory_space<hbm>>) target(%dma_start3A_63 : memref<1x32xf32, #tpu.memory_space<vmem>>) target_semaphore(%arg16 : memref<!tpu.dma_semaphore, #tpu.memory_space<semaphore_mem>>)
    %get3A_66 = arith.constant 2 : i32
    %get3A_67 = arith.index_cast %get3A_66 : i32 to index
    %get3A_68 = memref.load %arg13[%get3A_67] : memref<512xi32, #tpu.memory_space<smem>>
    %dma_start3A_69 = arith.constant 2 : i32
    %dma_start3A_70 = arith.constant 0 : i32
    %dma_start3A_71 = tpu.memref_slice %arg15[%dma_start3A_69, %dma_start3A_70] : memref<256x32xf32, #tpu.memory_space<vmem>> -> memref<1x32xf32, #tpu.memory_space<vmem>>
    %dma_start3A_72 = arith.constant 0 : i32
    %dma_start3A_73 = tpu.memref_slice %arg3[%get3A_68, %dma_start3A_72] : memref<100000x32xf32, #tpu.memory_space<hbm>> -> memref<1x32xf32, #tpu.memory_space<hbm>>
    %dma_start3A_74 = arith.constant 2 : i32
    %dma_start3A_75 = arith.constant 0 : i32
    %dma_start3A_76 = tpu.memref_slice %arg15[%dma_start3A_74, %dma_start3A_75] : memref<256x32xf32, #tpu.memory_space<vmem>> -> memref<1x32xf32, #tpu.memory_space<vmem>>
    %dma_start3A_77 = arith.constant 0 : i32
    %dma_start3A_78 = tpu.memref_slice %arg3[%get3A_68, %dma_start3A_77] : memref<100000x32xf32, #tpu.memory_space<hbm>> -> memref<1x32xf32, #tpu.memory_space<hbm>>
    tpu.enqueue_dma source(%dma_start3A_78 : memref<1x32xf32, #tpu.memory_space<hbm>>) target(%dma_start3A_76 : memref<1x32xf32, #tpu.memory_space<vmem>>) target_semaphore(%arg17 : memref<!tpu.dma_semaphore, #tpu.memory_space<semaphore_mem>>)
    %get3A_79 = arith.constant 3 : i32
    %get3A_80 = arith.index_cast %get3A_79 : i32 to index
    %get3A_81 = memref.load %arg12[%get3A_80] : memref<512xi32, #tpu.memory_space<smem>>
    %dma_start3A_82 = arith.constant 3 : i32
    %dma_start3A_83 = arith.constant 0 : i32
    %dma_start3A_84 = tpu.memref_slice %arg14[%dma_start3A_82, %dma_start3A_83] : memref<256x32xf32, #tpu.memory_space<vmem>> -> memref<1x32xf32, #tpu.memory_space<vmem>>
    %dma_start3A_85 = arith.constant 0 : i32
    %dma_start3A_86 = tpu.memref_slice %arg2[%get3A_81, %dma_start3A_85] : memref<1000000x32xf32, #tpu.memory_space<hbm>> -> memref<1x32xf32, #tpu.memory_space<hbm>>
    %dma_start3A_87 = arith.constant 3 : i32
    %dma_start3A_88 = arith.constant 0 : i32
    %dma_start3A_89 = tpu.memref_slice %arg14[%dma_start3A_87, %dma_start3A_88] : memref<256x32xf32, #tpu.memory_space<vmem>> -> memref<1x32xf32, #tpu.memory_space<vmem>>
    %dma_start3A_90 = arith.constant 0 : i32
    %dma_start3A_91 = tpu.memref_slice %arg2[%get3A_81, %dma_start3A_90] : memref<1000000x32xf32, #tpu.memory_space<hbm>> -> memref<1x32xf32, #tpu.memory_space<hbm>>
    tpu.enqueue_dma source(%dma_start3A_91 : memref<1x32xf32, #tpu.memory_space<hbm>>) target(%dma_start3A_89 : memref<1x32xf32, #tpu.memory_space<vmem>>) target_semaphore(%arg16 : memref<!tpu.dma_semaphore, #tpu.memory_space<semaphore_mem>>)
    %get3A_92 = arith.constant 3 : i32
    %get3A_93 = arith.index_cast %get3A_92 : i32 to index
    %get3A_94 = memref.load %arg13[%get3A_93] : memref<512xi32, #tpu.memory_space<smem>>
    %dma_start3A_95 = arith.constant 3 : i32
    %dma_start3A_96 = arith.constant 0 : i32
    %dma_start3A_97 = tpu.memref_slice %arg15[%dma_start3A_95, %dma_start3A_96] : memref<256x32xf32, #tpu.memory_space<vmem>> -> memref<1x32xf32, #tpu.memory_space<vmem>>
    %dma_start3A_98 = arith.constant 0 : i32
    %dma_start3A_99 = tpu.memref_slice %arg3[%get3A_94, %dma_start3A_98] : memref<100000x32xf32, #tpu.memory_space<hbm>> -> memref<1x32xf32, #tpu.memory_space<hbm>>
    %dma_start3A_100 = arith.constant 3 : i32
    %dma_start3A_101 = arith.constant 0 : i32
    %dma_start3A_102 = tpu.memref_slice %arg15[%dma_start3A_100, %dma_start3A_101] : memref<256x32xf32, #tpu.memory_space<vmem>> -> memref<1x32xf32, #tpu.memory_space<vmem>>
    %dma_start3A_103 = arith.constant 0 : i32
    %dma_start3A_104 = tpu.memref_slice %arg3[%get3A_94, %dma_start3A_103] : memref<100000x32xf32, #tpu.memory_space<hbm>> -> memref<1x32xf32, #tpu.memory_space<hbm>>
    tpu.enqueue_dma source(%dma_start3A_104 : memref<1x32xf32, #tpu.memory_space<hbm>>) target(%dma_start3A_102 : memref<1x32xf32, #tpu.memory_space<vmem>>) target_semaphore(%arg17 : memref<!tpu.dma_semaphore, #tpu.memory_space<semaphore_mem>>)
    %get3A_105 = arith.constant 4 : i32
    %get3A_106 = arith.index_cast %get3A_105 : i32 to index
    %get3A_107 = memref.load %arg12[%get3A_106] : memref<512xi32, #tpu.memory_space<smem>>
    %dma_start3A_108 = arith.constant 4 : i32
    %dma_start3A_109 = arith.constant 0 : i32
    %dma_start3A_110 = tpu.memref_slice %arg14[%dma_start3A_108, %dma_start3A_109] : memref<256x32xf32, #tpu.memory_space<vmem>> -> memref<1x32xf32, #tpu.memory_space<vmem>>
    %dma_start3A_111 = arith.constant 0 : i32
    %dma_start3A_112 = tpu.memref_slice %arg2[%get3A_107, %dma_start3A_111] : memref<1000000x32xf32, #tpu.memory_space<hbm>> -> memref<1x32xf32, #tpu.memory_space<hbm>>
    %dma_start3A_113 = arith.constant 4 : i32
    %dma_start3A_114 = arith.constant 0 : i32
    %dma_start3A_115 = tpu.memref_slice %arg14[%dma_start3A_113, %dma_start3A_114] : memref<256x32xf32, #tpu.memory_space<vmem>> -> memref<1x32xf32, #tpu.memory_space<vmem>>
    %dma_start3A_116 = arith.constant 0 : i32
    %dma_start3A_117 = tpu.memref_slice %arg2[%get3A_107, %dma_start3A_116] : memref<1000000x32xf32, #tpu.memory_space<hbm>> -> memref<1x32xf32, #tpu.memory_space<hbm>>
    tpu.enqueue_dma source(%dma_start3A_117 : memref<1x32xf32, #tpu.memory_space<hbm>>) target(%dma_start3A_115 : memref<1x32xf32, #tpu.memory_space<vmem>>) target_semaphore(%arg16 : memref<!tpu.dma_semaphore, #tpu.memory_space<semaphore_mem>>)
    %get3A_118 = arith.constant 4 : i32
    %get3A_119 = arith.index_cast %get3A_118 : i32 to index
    %get3A_120 = memref.load %arg13[%get3A_119] : memref<512xi32, #tpu.memory_space<smem>>
    %dma_start3A_121 = arith.constant 4 : i32
    %dma_start3A_122 = arith.constant 0 : i32
    %dma_start3A_123 = tpu.memref_slice %arg15[%dma_start3A_121, %dma_start3A_122] : memref<256x32xf32, #tpu.memory_space<vmem>> -> memref<1x32xf32, #tpu.memory_space<vmem>>
    %dma_start3A_124 = arith.constant 0 : i32
    %dma_start3A_125 = tpu.memref_slice %arg3[%get3A_120, %dma_start3A_124] : memref<100000x32xf32, #tpu.memory_space<hbm>> -> memref<1x32xf32, #tpu.memory_space<hbm>>
    %dma_start3A_126 = arith.constant 4 : i32
    %dma_start3A_127 = arith.constant 0 : i32
    %dma_start3A_128 = tpu.memref_slice %arg15[%dma_start3A_126, %dma_start3A_127] : memref<256x32xf32, #tpu.memory_space<vmem>> -> memref<1x32xf32, #tpu.memory_space<vmem>>
    %dma_start3A_129 = arith.constant 0 : i32
    %dma_start3A_130 = tpu.memref_slice %arg3[%get3A_120, %dma_start3A_129] : memref<100000x32xf32, #tpu.memory_space<hbm>> -> memref<1x32xf32, #tpu.memory_space<hbm>>
    tpu.enqueue_dma source(%dma_start3A_130 : memref<1x32xf32, #tpu.memory_space<hbm>>) target(%dma_start3A_128 : memref<1x32xf32, #tpu.memory_space<vmem>>) target_semaphore(%arg17 : memref<!tpu.dma_semaphore, #tpu.memory_space<semaphore_mem>>)
    %get3A_131 = arith.constant 5 : i32
    %get3A_132 = arith.index_cast %get3A_131 : i32 to index
    %get3A_133 = memref.load %arg12[%get3A_132] : memref<512xi32, #tpu.memory_space<smem>>
    %dma_start3A_134 = arith.constant 5 : i32
    %dma_start3A_135 = arith.constant 0 : i32
    %dma_start3A_136 = tpu.memref_slice %arg14[%dma_start3A_134, %dma_start3A_135] : memref<256x32xf32, #tpu.memory_space<vmem>> -> memref<1x32xf32, #tpu.memory_space<vmem>>
    %dma_start3A_137 = arith.constant 0 : i32
    %dma_start3A_138 = tpu.memref_slice %arg2[%get3A_133, %dma_start3A_137] : memref<1000000x32xf32, #tpu.memory_space<hbm>> -> memref<1x32xf32, #tpu.memory_space<hbm>>
    %dma_start3A_139 = arith.constant 5 : i32
    %dma_start3A_140 = arith.constant 0 : i32
    %dma_start3A_141 = tpu.memref_slice %arg14[%dma_start3A_139, %dma_start3A_140] : memref<256x32xf32, #tpu.memory_space<vmem>> -> memref<1x32xf32, #tpu.memory_space<vmem>>
    %dma_start3A_142 = arith.constant 0 : i32
    %dma_start3A_143 = tpu.memref_slice %arg2[%get3A_133, %dma_start3A_142] : memref<1000000x32xf32, #tpu.memory_space<hbm>> -> memref<1x32xf32, #tpu.memory_space<hbm>>
    tpu.enqueue_dma source(%dma_start3A_143 : memref<1x32xf32, #tpu.memory_space<hbm>>) target(%dma_start3A_141 : memref<1x32xf32, #tpu.memory_space<vmem>>) target_semaphore(%arg16 : memref<!tpu.dma_semaphore, #tpu.memory_space<semaphore_mem>>)
    %get3A_144 = arith.constant 5 : i32
    %get3A_145 = arith.index_cast %get3A_144 : i32 to index
    %get3A_146 = memref.load %arg13[%get3A_145] : memref<512xi32, #tpu.memory_space<smem>>
    %dma_start3A_147 = arith.constant 5 : i32
    %dma_start3A_148 = arith.constant 0 : i32
    %dma_start3A_149 = tpu.memref_slice %arg15[%dma_start3A_147, %dma_start3A_148] : memref<256x32xf32, #tpu.memory_space<vmem>> -> memref<1x32xf32, #tpu.memory_space<vmem>>
    %dma_start3A_150 = arith.constant 0 : i32
    %dma_start3A_151 = tpu.memref_slice %arg3[%get3A_146, %dma_start3A_150] : memref<100000x32xf32, #tpu.memory_space<hbm>> -> memref<1x32xf32, #tpu.memory_space<hbm>>
    %dma_start3A_152 = arith.constant 5 : i32
    %dma_start3A_153 = arith.constant 0 : i32
    %dma_start3A_154 = tpu.memref_slice %arg15[%dma_start3A_152, %dma_start3A_153] : memref<256x32xf32, #tpu.memory_space<vmem>> -> memref<1x32xf32, #tpu.memory_space<vmem>>
    %dma_start3A_155 = arith.constant 0 : i32
    %dma_start3A_156 = tpu.memref_slice %arg3[%get3A_146, %dma_start3A_155] : memref<100000x32xf32, #tpu.memory_space<hbm>> -> memref<1x32xf32, #tpu.memory_space<hbm>>
    tpu.enqueue_dma source(%dma_start3A_156 : memref<1x32xf32, #tpu.memory_space<hbm>>) target(%dma_start3A_154 : memref<1x32xf32, #tpu.memory_space<vmem>>) target_semaphore(%arg17 : memref<!tpu.dma_semaphore, #tpu.memory_space<semaphore_mem>>)
    %get3A_157 = arith.constant 6 : i32
    %get3A_158 = arith.index_cast %get3A_157 : i32 to index
    %get3A_159 = memref.load %arg12[%get3A_158] : memref<512xi32, #tpu.memory_space<smem>>
    %dma_start3A_160 = arith.constant 6 : i32
    %dma_start3A_161 = arith.constant 0 : i32
    %dma_start3A_162 = tpu.memref_slice %arg14[%dma_start3A_160, %dma_start3A_161] : memref<256x32xf32, #tpu.memory_space<vmem>> -> memref<1x32xf32, #tpu.memory_space<vmem>>
    %dma_start3A_163 = arith.constant 0 : i32
    %dma_start3A_164 = tpu.memref_slice %arg2[%get3A_159, %dma_start3A_163] : memref<1000000x32xf32, #tpu.memory_space<hbm>> -> memref<1x32xf32, #tpu.memory_space<hbm>>
    %dma_start3A_165 = arith.constant 6 : i32
    %dma_start3A_166 = arith.constant 0 : i32
    %dma_start3A_167 = tpu.memref_slice %arg14[%dma_start3A_165, %dma_start3A_166] : memref<256x32xf32, #tpu.memory_space<vmem>> -> memref<1x32xf32, #tpu.memory_space<vmem>>
    %dma_start3A_168 = arith.constant 0 : i32
    %dma_start3A_169 = tpu.memref_slice %arg2[%get3A_159, %dma_start3A_168] : memref<1000000x32xf32, #tpu.memory_space<hbm>> -> memref<1x32xf32, #tpu.memory_space<hbm>>
    tpu.enqueue_dma source(%dma_start3A_169 : memref<1x32xf32, #tpu.memory_space<hbm>>) target(%dma_start3A_167 : memref<1x32xf32, #tpu.memory_space<vmem>>) target_semaphore(%arg16 : memref<!tpu.dma_semaphore, #tpu.memory_space<semaphore_mem>>)
    %get3A_170 = arith.constant 6 : i32
    %get3A_171 = arith.index_cast %get3A_170 : i32 to index
    %get3A_172 = memref.load %arg13[%get3A_171] : memref<512xi32, #tpu.memory_space<smem>>
    %dma_start3A_173 = arith.constant 6 : i32
    %dma_start3A_174 = arith.constant 0 : i32
    %dma_start3A_175 = tpu.memref_slice %arg15[%dma_start3A_173, %dma_start3A_174] : memref<256x32xf32, #tpu.memory_space<vmem>> -> memref<1x32xf32, #tpu.memory_space<vmem>>
    %dma_start3A_176 = arith.constant 0 : i32
    %dma_start3A_177 = tpu.memref_slice %arg3[%get3A_172, %dma_start3A_176] : memref<100000x32xf32, #tpu.memory_space<hbm>> -> memref<1x32xf32, #tpu.memory_space<hbm>>
    %dma_start3A_178 = arith.constant 6 : i32
    %dma_start3A_179 = arith.constant 0 : i32
    %dma_start3A_180 = tpu.memref_slice %arg15[%dma_start3A_178, %dma_start3A_179] : memref<256x32xf32, #tpu.memory_space<vmem>> -> memref<1x32xf32, #tpu.memory_space<vmem>>
    %dma_start3A_181 = arith.constant 0 : i32
    %dma_start3A_182 = tpu.memref_slice %arg3[%get3A_172, %dma_start3A_181] : memref<100000x32xf32, #tpu.memory_space<hbm>> -> memref<1x32xf32, #tpu.memory_space<hbm>>
    tpu.enqueue_dma source(%dma_start3A_182 : memref<1x32xf32, #tpu.memory_space<hbm>>) target(%dma_start3A_180 : memref<1x32xf32, #tpu.memory_space<vmem>>) target_semaphore(%arg17 : memref<!tpu.dma_semaphore, #tpu.memory_space<semaphore_mem>>)
    %get3A_183 = arith.constant 7 : i32
    %get3A_184 = arith.index_cast %get3A_183 : i32 to index
    %get3A_185 = memref.load %arg12[%get3A_184] : memref<512xi32, #tpu.memory_space<smem>>
    %dma_start3A_186 = arith.constant 7 : i32
    %dma_start3A_187 = arith.constant 0 : i32
    %dma_start3A_188 = tpu.memref_slice %arg14[%dma_start3A_186, %dma_start3A_187] : memref<256x32xf32, #tpu.memory_space<vmem>> -> memref<1x32xf32, #tpu.memory_space<vmem>>
    %dma_start3A_189 = arith.constant 0 : i32
    %dma_start3A_190 = tpu.memref_slice %arg2[%get3A_185, %dma_start3A_189] : memref<1000000x32xf32, #tpu.memory_space<hbm>> -> memref<1x32xf32, #tpu.memory_space<hbm>>
    %dma_start3A_191 = arith.constant 7 : i32
    %dma_start3A_192 = arith.constant 0 : i32
    %dma_start3A_193 = tpu.memref_slice %arg14[%dma_start3A_191, %dma_start3A_192] : memref<256x32xf32, #tpu.memory_space<vmem>> -> memref<1x32xf32, #tpu.memory_space<vmem>>
    %dma_start3A_194 = arith.constant 0 : i32
    %dma_start3A_195 = tpu.memref_slice %arg2[%get3A_185, %dma_start3A_194] : memref<1000000x32xf32, #tpu.memory_space<hbm>> -> memref<1x32xf32, #tpu.memory_space<hbm>>
    tpu.enqueue_dma source(%dma_start3A_195 : memref<1x32xf32, #tpu.memory_space<hbm>>) target(%dma_start3A_193 : memref<1x32xf32, #tpu.memory_space<vmem>>) target_semaphore(%arg16 : memref<!tpu.dma_semaphore, #tpu.memory_space<semaphore_mem>>)
    %get3A_196 = arith.constant 7 : i32
    %get3A_197 = arith.index_cast %get3A_196 : i32 to index
    %get3A_198 = memref.load %arg13[%get3A_197] : memref<512xi32, #tpu.memory_space<smem>>
    %dma_start3A_199 = arith.constant 7 : i32
    %dma_start3A_200 = arith.constant 0 : i32
    %dma_start3A_201 = tpu.memref_slice %arg15[%dma_start3A_199, %dma_start3A_200] : memref<256x32xf32, #tpu.memory_space<vmem>> -> memref<1x32xf32, #tpu.memory_space<vmem>>
    %dma_start3A_202 = arith.constant 0 : i32
    %dma_start3A_203 = tpu.memref_slice %arg3[%get3A_198, %dma_start3A_202] : memref<100000x32xf32, #tpu.memory_space<hbm>> -> memref<1x32xf32, #tpu.memory_space<hbm>>
    %dma_start3A_204 = arith.constant 7 : i32
    %dma_start3A_205 = arith.constant 0 : i32
    %dma_start3A_206 = tpu.memref_slice %arg15[%dma_start3A_204, %dma_start3A_205] : memref<256x32xf32, #tpu.memory_space<vmem>> -> memref<1x32xf32, #tpu.memory_space<vmem>>
    %dma_start3A_207 = arith.constant 0 : i32
    %dma_start3A_208 = tpu.memref_slice %arg3[%get3A_198, %dma_start3A_207] : memref<100000x32xf32, #tpu.memory_space<hbm>> -> memref<1x32xf32, #tpu.memory_space<hbm>>
    tpu.enqueue_dma source(%dma_start3A_208 : memref<1x32xf32, #tpu.memory_space<hbm>>) target(%dma_start3A_206 : memref<1x32xf32, #tpu.memory_space<vmem>>) target_semaphore(%arg17 : memref<!tpu.dma_semaphore, #tpu.memory_space<semaphore_mem>>)
    %scan3A = arith.constant 0 : i32
    %scan3A_209 = arith.constant 1 : i32
    %scan3A_210 = arith.constant 31 : i32
    %scan3A_211 = arith.addi %scan3A_209, %scan3A_210 : i32
    %scan3A_212 = arith.constant 1 : i32
    scf.for %scan3A_819 = %scan3A_209 to %scan3A_211 step %scan3A_212  : i32 {
      %mul3A_820 = arith.constant 8 : i32
      %mul3A_821 = arith.muli %scan3A_819, %mul3A_820 : i32
      %add3A_822 = arith.constant 0 : i32
      %add3A_823 = arith.addi %mul3A_821, %add3A_822 : i32
      %add3A_824 = arith.constant 0 : i32
      %add3A_825 = arith.addi %add3A_824, %add3A_823 : i32
      %get3A_826 = arith.index_cast %add3A_825 : i32 to index
      %get3A_827 = memref.load %arg12[%get3A_826] : memref<512xi32, #tpu.memory_space<smem>>
      %dma_start3A_828 = arith.constant 0 : i32
      %dma_start3A_829 = tpu.memref_slice %arg14[%add3A_823, %dma_start3A_828] : memref<256x32xf32, #tpu.memory_space<vmem>> -> memref<1x32xf32, #tpu.memory_space<vmem>>
      %dma_start3A_830 = arith.constant 0 : i32
      %dma_start3A_831 = tpu.memref_slice %arg2[%get3A_827, %dma_start3A_830] : memref<1000000x32xf32, #tpu.memory_space<hbm>> -> memref<1x32xf32, #tpu.memory_space<hbm>>
      %dma_start3A_832 = arith.constant 0 : i32
      %dma_start3A_833 = tpu.memref_slice %arg14[%add3A_823, %dma_start3A_832] : memref<256x32xf32, #tpu.memory_space<vmem>> -> memref<1x32xf32, #tpu.memory_space<vmem>>
      %dma_start3A_834 = arith.constant 0 : i32
      %dma_start3A_835 = tpu.memref_slice %arg2[%get3A_827, %dma_start3A_834] : memref<1000000x32xf32, #tpu.memory_space<hbm>> -> memref<1x32xf32, #tpu.memory_space<hbm>>
      tpu.enqueue_dma source(%dma_start3A_835 : memref<1x32xf32, #tpu.memory_space<hbm>>) target(%dma_start3A_833 : memref<1x32xf32, #tpu.memory_space<vmem>>) target_semaphore(%arg16 : memref<!tpu.dma_semaphore, #tpu.memory_space<semaphore_mem>>)
      %add3A_836 = arith.constant 0 : i32
      %add3A_837 = arith.addi %add3A_836, %add3A_823 : i32
      %get3A_838 = arith.index_cast %add3A_837 : i32 to index
      %get3A_839 = memref.load %arg13[%get3A_838] : memref<512xi32, #tpu.memory_space<smem>>
      %dma_start3A_840 = arith.constant 0 : i32
      %dma_start3A_841 = tpu.memref_slice %arg15[%add3A_823, %dma_start3A_840] : memref<256x32xf32, #tpu.memory_space<vmem>> -> memref<1x32xf32, #tpu.memory_space<vmem>>
      %dma_start3A_842 = arith.constant 0 : i32
      %dma_start3A_843 = tpu.memref_slice %arg3[%get3A_839, %dma_start3A_842] : memref<100000x32xf32, #tpu.memory_space<hbm>> -> memref<1x32xf32, #tpu.memory_space<hbm>>
      %dma_start3A_844 = arith.constant 0 : i32
      %dma_start3A_845 = tpu.memref_slice %arg15[%add3A_823, %dma_start3A_844] : memref<256x32xf32, #tpu.memory_space<vmem>> -> memref<1x32xf32, #tpu.memory_space<vmem>>
      %dma_start3A_846 = arith.constant 0 : i32
      %dma_start3A_847 = tpu.memref_slice %arg3[%get3A_839, %dma_start3A_846] : memref<100000x32xf32, #tpu.memory_space<hbm>> -> memref<1x32xf32, #tpu.memory_space<hbm>>
      tpu.enqueue_dma source(%dma_start3A_847 : memref<1x32xf32, #tpu.memory_space<hbm>>) target(%dma_start3A_845 : memref<1x32xf32, #tpu.memory_space<vmem>>) target_semaphore(%arg17 : memref<!tpu.dma_semaphore, #tpu.memory_space<semaphore_mem>>)
      %mul3A_848 = arith.constant 8 : i32
      %mul3A_849 = arith.muli %scan3A_819, %mul3A_848 : i32
      %add3A_850 = arith.constant 1 : i32
      %add3A_851 = arith.addi %mul3A_849, %add3A_850 : i32
      %add3A_852 = arith.constant 0 : i32
      %add3A_853 = arith.addi %add3A_852, %add3A_851 : i32
      %get3A_854 = arith.index_cast %add3A_853 : i32 to index
      %get3A_855 = memref.load %arg12[%get3A_854] : memref<512xi32, #tpu.memory_space<smem>>
      %dma_start3A_856 = arith.constant 0 : i32
      %dma_start3A_857 = tpu.memref_slice %arg14[%add3A_851, %dma_start3A_856] : memref<256x32xf32, #tpu.memory_space<vmem>> -> memref<1x32xf32, #tpu.memory_space<vmem>>
      %dma_start3A_858 = arith.constant 0 : i32
      %dma_start3A_859 = tpu.memref_slice %arg2[%get3A_855, %dma_start3A_858] : memref<1000000x32xf32, #tpu.memory_space<hbm>> -> memref<1x32xf32, #tpu.memory_space<hbm>>
      %dma_start3A_860 = arith.constant 0 : i32
      %dma_start3A_861 = tpu.memref_slice %arg14[%add3A_851, %dma_start3A_860] : memref<256x32xf32, #tpu.memory_space<vmem>> -> memref<1x32xf32, #tpu.memory_space<vmem>>
      %dma_start3A_862 = arith.constant 0 : i32
      %dma_start3A_863 = tpu.memref_slice %arg2[%get3A_855, %dma_start3A_862] : memref<1000000x32xf32, #tpu.memory_space<hbm>> -> memref<1x32xf32, #tpu.memory_space<hbm>>
      tpu.enqueue_dma source(%dma_start3A_863 : memref<1x32xf32, #tpu.memory_space<hbm>>) target(%dma_start3A_861 : memref<1x32xf32, #tpu.memory_space<vmem>>) target_semaphore(%arg16 : memref<!tpu.dma_semaphore, #tpu.memory_space<semaphore_mem>>)
      %add3A_864 = arith.constant 0 : i32
      %add3A_865 = arith.addi %add3A_864, %add3A_851 : i32
      %get3A_866 = arith.index_cast %add3A_865 : i32 to index
      %get3A_867 = memref.load %arg13[%get3A_866] : memref<512xi32, #tpu.memory_space<smem>>
      %dma_start3A_868 = arith.constant 0 : i32
      %dma_start3A_869 = tpu.memref_slice %arg15[%add3A_851, %dma_start3A_868] : memref<256x32xf32, #tpu.memory_space<vmem>> -> memref<1x32xf32, #tpu.memory_space<vmem>>
      %dma_start3A_870 = arith.constant 0 : i32
      %dma_start3A_871 = tpu.memref_slice %arg3[%get3A_867, %dma_start3A_870] : memref<100000x32xf32, #tpu.memory_space<hbm>> -> memref<1x32xf32, #tpu.memory_space<hbm>>
      %dma_start3A_872 = arith.constant 0 : i32
      %dma_start3A_873 = tpu.memref_slice %arg15[%add3A_851, %dma_start3A_872] : memref<256x32xf32, #tpu.memory_space<vmem>> -> memref<1x32xf32, #tpu.memory_space<vmem>>
      %dma_start3A_874 = arith.constant 0 : i32
      %dma_start3A_875 = tpu.memref_slice %arg3[%get3A_867, %dma_start3A_874] : memref<100000x32xf32, #tpu.memory_space<hbm>> -> memref<1x32xf32, #tpu.memory_space<hbm>>
      tpu.enqueue_dma source(%dma_start3A_875 : memref<1x32xf32, #tpu.memory_space<hbm>>) target(%dma_start3A_873 : memref<1x32xf32, #tpu.memory_space<vmem>>) target_semaphore(%arg17 : memref<!tpu.dma_semaphore, #tpu.memory_space<semaphore_mem>>)
      %mul3A_876 = arith.constant 8 : i32
      %mul3A_877 = arith.muli %scan3A_819, %mul3A_876 : i32
      %add3A_878 = arith.constant 2 : i32
      %add3A_879 = arith.addi %mul3A_877, %add3A_878 : i32
      %add3A_880 = arith.constant 0 : i32
      %add3A_881 = arith.addi %add3A_880, %add3A_879 : i32
      %get3A_882 = arith.index_cast %add3A_881 : i32 to index
      %get3A_883 = memref.load %arg12[%get3A_882] : memref<512xi32, #tpu.memory_space<smem>>
      %dma_start3A_884 = arith.constant 0 : i32
      %dma_start3A_885 = tpu.memref_slice %arg14[%add3A_879, %dma_start3A_884] : memref<256x32xf32, #tpu.memory_space<vmem>> -> memref<1x32xf32, #tpu.memory_space<vmem>>
      %dma_start3A_886 = arith.constant 0 : i32
      %dma_start3A_887 = tpu.memref_slice %arg2[%get3A_883, %dma_start3A_886] : memref<1000000x32xf32, #tpu.memory_space<hbm>> -> memref<1x32xf32, #tpu.memory_space<hbm>>
      %dma_start3A_888 = arith.constant 0 : i32
      %dma_start3A_889 = tpu.memref_slice %arg14[%add3A_879, %dma_start3A_888] : memref<256x32xf32, #tpu.memory_space<vmem>> -> memref<1x32xf32, #tpu.memory_space<vmem>>
      %dma_start3A_890 = arith.constant 0 : i32
      %dma_start3A_891 = tpu.memref_slice %arg2[%get3A_883, %dma_start3A_890] : memref<1000000x32xf32, #tpu.memory_space<hbm>> -> memref<1x32xf32, #tpu.memory_space<hbm>>
      tpu.enqueue_dma source(%dma_start3A_891 : memref<1x32xf32, #tpu.memory_space<hbm>>) target(%dma_start3A_889 : memref<1x32xf32, #tpu.memory_space<vmem>>) target_semaphore(%arg16 : memref<!tpu.dma_semaphore, #tpu.memory_space<semaphore_mem>>)
      %add3A_892 = arith.constant 0 : i32
      %add3A_893 = arith.addi %add3A_892, %add3A_879 : i32
      %get3A_894 = arith.index_cast %add3A_893 : i32 to index
      %get3A_895 = memref.load %arg13[%get3A_894] : memref<512xi32, #tpu.memory_space<smem>>
      %dma_start3A_896 = arith.constant 0 : i32
      %dma_start3A_897 = tpu.memref_slice %arg15[%add3A_879, %dma_start3A_896] : memref<256x32xf32, #tpu.memory_space<vmem>> -> memref<1x32xf32, #tpu.memory_space<vmem>>
      %dma_start3A_898 = arith.constant 0 : i32
      %dma_start3A_899 = tpu.memref_slice %arg3[%get3A_895, %dma_start3A_898] : memref<100000x32xf32, #tpu.memory_space<hbm>> -> memref<1x32xf32, #tpu.memory_space<hbm>>
      %dma_start3A_900 = arith.constant 0 : i32
      %dma_start3A_901 = tpu.memref_slice %arg15[%add3A_879, %dma_start3A_900] : memref<256x32xf32, #tpu.memory_space<vmem>> -> memref<1x32xf32, #tpu.memory_space<vmem>>
      %dma_start3A_902 = arith.constant 0 : i32
      %dma_start3A_903 = tpu.memref_slice %arg3[%get3A_895, %dma_start3A_902] : memref<100000x32xf32, #tpu.memory_space<hbm>> -> memref<1x32xf32, #tpu.memory_space<hbm>>
      tpu.enqueue_dma source(%dma_start3A_903 : memref<1x32xf32, #tpu.memory_space<hbm>>) target(%dma_start3A_901 : memref<1x32xf32, #tpu.memory_space<vmem>>) target_semaphore(%arg17 : memref<!tpu.dma_semaphore, #tpu.memory_space<semaphore_mem>>)
      %mul3A_904 = arith.constant 8 : i32
      %mul3A_905 = arith.muli %scan3A_819, %mul3A_904 : i32
      %add3A_906 = arith.constant 3 : i32
      %add3A_907 = arith.addi %mul3A_905, %add3A_906 : i32
      %add3A_908 = arith.constant 0 : i32
      %add3A_909 = arith.addi %add3A_908, %add3A_907 : i32
      %get3A_910 = arith.index_cast %add3A_909 : i32 to index
      %get3A_911 = memref.load %arg12[%get3A_910] : memref<512xi32, #tpu.memory_space<smem>>
      %dma_start3A_912 = arith.constant 0 : i32
      %dma_start3A_913 = tpu.memref_slice %arg14[%add3A_907, %dma_start3A_912] : memref<256x32xf32, #tpu.memory_space<vmem>> -> memref<1x32xf32, #tpu.memory_space<vmem>>
      %dma_start3A_914 = arith.constant 0 : i32
      %dma_start3A_915 = tpu.memref_slice %arg2[%get3A_911, %dma_start3A_914] : memref<1000000x32xf32, #tpu.memory_space<hbm>> -> memref<1x32xf32, #tpu.memory_space<hbm>>
      %dma_start3A_916 = arith.constant 0 : i32
      %dma_start3A_917 = tpu.memref_slice %arg14[%add3A_907, %dma_start3A_916] : memref<256x32xf32, #tpu.memory_space<vmem>> -> memref<1x32xf32, #tpu.memory_space<vmem>>
      %dma_start3A_918 = arith.constant 0 : i32
      %dma_start3A_919 = tpu.memref_slice %arg2[%get3A_911, %dma_start3A_918] : memref<1000000x32xf32, #tpu.memory_space<hbm>> -> memref<1x32xf32, #tpu.memory_space<hbm>>
      tpu.enqueue_dma source(%dma_start3A_919 : memref<1x32xf32, #tpu.memory_space<hbm>>) target(%dma_start3A_917 : memref<1x32xf32, #tpu.memory_space<vmem>>) target_semaphore(%arg16 : memref<!tpu.dma_semaphore, #tpu.memory_space<semaphore_mem>>)
      %add3A_920 = arith.constant 0 : i32
      %add3A_921 = arith.addi %add3A_920, %add3A_907 : i32
      %get3A_922 = arith.index_cast %add3A_921 : i32 to index
      %get3A_923 = memref.load %arg13[%get3A_922] : memref<512xi32, #tpu.memory_space<smem>>
      %dma_start3A_924 = arith.constant 0 : i32
      %dma_start3A_925 = tpu.memref_slice %arg15[%add3A_907, %dma_start3A_924] : memref<256x32xf32, #tpu.memory_space<vmem>> -> memref<1x32xf32, #tpu.memory_space<vmem>>
      %dma_start3A_926 = arith.constant 0 : i32
      %dma_start3A_927 = tpu.memref_slice %arg3[%get3A_923, %dma_start3A_926] : memref<100000x32xf32, #tpu.memory_space<hbm>> -> memref<1x32xf32, #tpu.memory_space<hbm>>
      %dma_start3A_928 = arith.constant 0 : i32
      %dma_start3A_929 = tpu.memref_slice %arg15[%add3A_907, %dma_start3A_928] : memref<256x32xf32, #tpu.memory_space<vmem>> -> memref<1x32xf32, #tpu.memory_space<vmem>>
      %dma_start3A_930 = arith.constant 0 : i32
      %dma_start3A_931 = tpu.memref_slice %arg3[%get3A_923, %dma_start3A_930] : memref<100000x32xf32, #tpu.memory_space<hbm>> -> memref<1x32xf32, #tpu.memory_space<hbm>>
      tpu.enqueue_dma source(%dma_start3A_931 : memref<1x32xf32, #tpu.memory_space<hbm>>) target(%dma_start3A_929 : memref<1x32xf32, #tpu.memory_space<vmem>>) target_semaphore(%arg17 : memref<!tpu.dma_semaphore, #tpu.memory_space<semaphore_mem>>)
      %mul3A_932 = arith.constant 8 : i32
      %mul3A_933 = arith.muli %scan3A_819, %mul3A_932 : i32
      %add3A_934 = arith.constant 4 : i32
      %add3A_935 = arith.addi %mul3A_933, %add3A_934 : i32
      %add3A_936 = arith.constant 0 : i32
      %add3A_937 = arith.addi %add3A_936, %add3A_935 : i32
      %get3A_938 = arith.index_cast %add3A_937 : i32 to index
      %get3A_939 = memref.load %arg12[%get3A_938] : memref<512xi32, #tpu.memory_space<smem>>
      %dma_start3A_940 = arith.constant 0 : i32
      %dma_start3A_941 = tpu.memref_slice %arg14[%add3A_935, %dma_start3A_940] : memref<256x32xf32, #tpu.memory_space<vmem>> -> memref<1x32xf32, #tpu.memory_space<vmem>>
      %dma_start3A_942 = arith.constant 0 : i32
      %dma_start3A_943 = tpu.memref_slice %arg2[%get3A_939, %dma_start3A_942] : memref<1000000x32xf32, #tpu.memory_space<hbm>> -> memref<1x32xf32, #tpu.memory_space<hbm>>
      %dma_start3A_944 = arith.constant 0 : i32
      %dma_start3A_945 = tpu.memref_slice %arg14[%add3A_935, %dma_start3A_944] : memref<256x32xf32, #tpu.memory_space<vmem>> -> memref<1x32xf32, #tpu.memory_space<vmem>>
      %dma_start3A_946 = arith.constant 0 : i32
      %dma_start3A_947 = tpu.memref_slice %arg2[%get3A_939, %dma_start3A_946] : memref<1000000x32xf32, #tpu.memory_space<hbm>> -> memref<1x32xf32, #tpu.memory_space<hbm>>
      tpu.enqueue_dma source(%dma_start3A_947 : memref<1x32xf32, #tpu.memory_space<hbm>>) target(%dma_start3A_945 : memref<1x32xf32, #tpu.memory_space<vmem>>) target_semaphore(%arg16 : memref<!tpu.dma_semaphore, #tpu.memory_space<semaphore_mem>>)
      %add3A_948 = arith.constant 0 : i32
      %add3A_949 = arith.addi %add3A_948, %add3A_935 : i32
      %get3A_950 = arith.index_cast %add3A_949 : i32 to index
      %get3A_951 = memref.load %arg13[%get3A_950] : memref<512xi32, #tpu.memory_space<smem>>
      %dma_start3A_952 = arith.constant 0 : i32
      %dma_start3A_953 = tpu.memref_slice %arg15[%add3A_935, %dma_start3A_952] : memref<256x32xf32, #tpu.memory_space<vmem>> -> memref<1x32xf32, #tpu.memory_space<vmem>>
      %dma_start3A_954 = arith.constant 0 : i32
      %dma_start3A_955 = tpu.memref_slice %arg3[%get3A_951, %dma_start3A_954] : memref<100000x32xf32, #tpu.memory_space<hbm>> -> memref<1x32xf32, #tpu.memory_space<hbm>>
      %dma_start3A_956 = arith.constant 0 : i32
      %dma_start3A_957 = tpu.memref_slice %arg15[%add3A_935, %dma_start3A_956] : memref<256x32xf32, #tpu.memory_space<vmem>> -> memref<1x32xf32, #tpu.memory_space<vmem>>
      %dma_start3A_958 = arith.constant 0 : i32
      %dma_start3A_959 = tpu.memref_slice %arg3[%get3A_951, %dma_start3A_958] : memref<100000x32xf32, #tpu.memory_space<hbm>> -> memref<1x32xf32, #tpu.memory_space<hbm>>
      tpu.enqueue_dma source(%dma_start3A_959 : memref<1x32xf32, #tpu.memory_space<hbm>>) target(%dma_start3A_957 : memref<1x32xf32, #tpu.memory_space<vmem>>) target_semaphore(%arg17 : memref<!tpu.dma_semaphore, #tpu.memory_space<semaphore_mem>>)
      %mul3A_960 = arith.constant 8 : i32
      %mul3A_961 = arith.muli %scan3A_819, %mul3A_960 : i32
      %add3A_962 = arith.constant 5 : i32
      %add3A_963 = arith.addi %mul3A_961, %add3A_962 : i32
      %add3A_964 = arith.constant 0 : i32
      %add3A_965 = arith.addi %add3A_964, %add3A_963 : i32
      %get3A_966 = arith.index_cast %add3A_965 : i32 to index
      %get3A_967 = memref.load %arg12[%get3A_966] : memref<512xi32, #tpu.memory_space<smem>>
      %dma_start3A_968 = arith.constant 0 : i32
      %dma_start3A_969 = tpu.memref_slice %arg14[%add3A_963, %dma_start3A_968] : memref<256x32xf32, #tpu.memory_space<vmem>> -> memref<1x32xf32, #tpu.memory_space<vmem>>
      %dma_start3A_970 = arith.constant 0 : i32
      %dma_start3A_971 = tpu.memref_slice %arg2[%get3A_967, %dma_start3A_970] : memref<1000000x32xf32, #tpu.memory_space<hbm>> -> memref<1x32xf32, #tpu.memory_space<hbm>>
      %dma_start3A_972 = arith.constant 0 : i32
      %dma_start3A_973 = tpu.memref_slice %arg14[%add3A_963, %dma_start3A_972] : memref<256x32xf32, #tpu.memory_space<vmem>> -> memref<1x32xf32, #tpu.memory_space<vmem>>
      %dma_start3A_974 = arith.constant 0 : i32
      %dma_start3A_975 = tpu.memref_slice %arg2[%get3A_967, %dma_start3A_974] : memref<1000000x32xf32, #tpu.memory_space<hbm>> -> memref<1x32xf32, #tpu.memory_space<hbm>>
      tpu.enqueue_dma source(%dma_start3A_975 : memref<1x32xf32, #tpu.memory_space<hbm>>) target(%dma_start3A_973 : memref<1x32xf32, #tpu.memory_space<vmem>>) target_semaphore(%arg16 : memref<!tpu.dma_semaphore, #tpu.memory_space<semaphore_mem>>)
      %add3A_976 = arith.constant 0 : i32
      %add3A_977 = arith.addi %add3A_976, %add3A_963 : i32
      %get3A_978 = arith.index_cast %add3A_977 : i32 to index
      %get3A_979 = memref.load %arg13[%get3A_978] : memref<512xi32, #tpu.memory_space<smem>>
      %dma_start3A_980 = arith.constant 0 : i32
      %dma_start3A_981 = tpu.memref_slice %arg15[%add3A_963, %dma_start3A_980] : memref<256x32xf32, #tpu.memory_space<vmem>> -> memref<1x32xf32, #tpu.memory_space<vmem>>
      %dma_start3A_982 = arith.constant 0 : i32
      %dma_start3A_983 = tpu.memref_slice %arg3[%get3A_979, %dma_start3A_982] : memref<100000x32xf32, #tpu.memory_space<hbm>> -> memref<1x32xf32, #tpu.memory_space<hbm>>
      %dma_start3A_984 = arith.constant 0 : i32
      %dma_start3A_985 = tpu.memref_slice %arg15[%add3A_963, %dma_start3A_984] : memref<256x32xf32, #tpu.memory_space<vmem>> -> memref<1x32xf32, #tpu.memory_space<vmem>>
      %dma_start3A_986 = arith.constant 0 : i32
      %dma_start3A_987 = tpu.memref_slice %arg3[%get3A_979, %dma_start3A_986] : memref<100000x32xf32, #tpu.memory_space<hbm>> -> memref<1x32xf32, #tpu.memory_space<hbm>>
      tpu.enqueue_dma source(%dma_start3A_987 : memref<1x32xf32, #tpu.memory_space<hbm>>) target(%dma_start3A_985 : memref<1x32xf32, #tpu.memory_space<vmem>>) target_semaphore(%arg17 : memref<!tpu.dma_semaphore, #tpu.memory_space<semaphore_mem>>)
      %mul3A_988 = arith.constant 8 : i32
      %mul3A_989 = arith.muli %scan3A_819, %mul3A_988 : i32
      %add3A_990 = arith.constant 6 : i32
      %add3A_991 = arith.addi %mul3A_989, %add3A_990 : i32
      %add3A_992 = arith.constant 0 : i32
      %add3A_993 = arith.addi %add3A_992, %add3A_991 : i32
      %get3A_994 = arith.index_cast %add3A_993 : i32 to index
      %get3A_995 = memref.load %arg12[%get3A_994] : memref<512xi32, #tpu.memory_space<smem>>
      %dma_start3A_996 = arith.constant 0 : i32
      %dma_start3A_997 = tpu.memref_slice %arg14[%add3A_991, %dma_start3A_996] : memref<256x32xf32, #tpu.memory_space<vmem>> -> memref<1x32xf32, #tpu.memory_space<vmem>>
      %dma_start3A_998 = arith.constant 0 : i32
      %dma_start3A_999 = tpu.memref_slice %arg2[%get3A_995, %dma_start3A_998] : memref<1000000x32xf32, #tpu.memory_space<hbm>> -> memref<1x32xf32, #tpu.memory_space<hbm>>
      %dma_start3A_1000 = arith.constant 0 : i32
      %dma_start3A_1001 = tpu.memref_slice %arg14[%add3A_991, %dma_start3A_1000] : memref<256x32xf32, #tpu.memory_space<vmem>> -> memref<1x32xf32, #tpu.memory_space<vmem>>
      %dma_start3A_1002 = arith.constant 0 : i32
      %dma_start3A_1003 = tpu.memref_slice %arg2[%get3A_995, %dma_start3A_1002] : memref<1000000x32xf32, #tpu.memory_space<hbm>> -> memref<1x32xf32, #tpu.memory_space<hbm>>
      tpu.enqueue_dma source(%dma_start3A_1003 : memref<1x32xf32, #tpu.memory_space<hbm>>) target(%dma_start3A_1001 : memref<1x32xf32, #tpu.memory_space<vmem>>) target_semaphore(%arg16 : memref<!tpu.dma_semaphore, #tpu.memory_space<semaphore_mem>>)
      %add3A_1004 = arith.constant 0 : i32
      %add3A_1005 = arith.addi %add3A_1004, %add3A_991 : i32
      %get3A_1006 = arith.index_cast %add3A_1005 : i32 to index
      %get3A_1007 = memref.load %arg13[%get3A_1006] : memref<512xi32, #tpu.memory_space<smem>>
      %dma_start3A_1008 = arith.constant 0 : i32
      %dma_start3A_1009 = tpu.memref_slice %arg15[%add3A_991, %dma_start3A_1008] : memref<256x32xf32, #tpu.memory_space<vmem>> -> memref<1x32xf32, #tpu.memory_space<vmem>>
      %dma_start3A_1010 = arith.constant 0 : i32
      %dma_start3A_1011 = tpu.memref_slice %arg3[%get3A_1007, %dma_start3A_1010] : memref<100000x32xf32, #tpu.memory_space<hbm>> -> memref<1x32xf32, #tpu.memory_space<hbm>>
      %dma_start3A_1012 = arith.constant 0 : i32
      %dma_start3A_1013 = tpu.memref_slice %arg15[%add3A_991, %dma_start3A_1012] : memref<256x32xf32, #tpu.memory_space<vmem>> -> memref<1x32xf32, #tpu.memory_space<vmem>>
      %dma_start3A_1014 = arith.constant 0 : i32
      %dma_start3A_1015 = tpu.memref_slice %arg3[%get3A_1007, %dma_start3A_1014] : memref<100000x32xf32, #tpu.memory_space<hbm>> -> memref<1x32xf32, #tpu.memory_space<hbm>>
      tpu.enqueue_dma source(%dma_start3A_1015 : memref<1x32xf32, #tpu.memory_space<hbm>>) target(%dma_start3A_1013 : memref<1x32xf32, #tpu.memory_space<vmem>>) target_semaphore(%arg17 : memref<!tpu.dma_semaphore, #tpu.memory_space<semaphore_mem>>)
      %mul3A_1016 = arith.constant 8 : i32
      %mul3A_1017 = arith.muli %scan3A_819, %mul3A_1016 : i32
      %add3A_1018 = arith.constant 7 : i32
      %add3A_1019 = arith.addi %mul3A_1017, %add3A_1018 : i32
      %add3A_1020 = arith.constant 0 : i32
      %add3A_1021 = arith.addi %add3A_1020, %add3A_1019 : i32
      %get3A_1022 = arith.index_cast %add3A_1021 : i32 to index
      %get3A_1023 = memref.load %arg12[%get3A_1022] : memref<512xi32, #tpu.memory_space<smem>>
      %dma_start3A_1024 = arith.constant 0 : i32
      %dma_start3A_1025 = tpu.memref_slice %arg14[%add3A_1019, %dma_start3A_1024] : memref<256x32xf32, #tpu.memory_space<vmem>> -> memref<1x32xf32, #tpu.memory_space<vmem>>
      %dma_start3A_1026 = arith.constant 0 : i32
      %dma_start3A_1027 = tpu.memref_slice %arg2[%get3A_1023, %dma_start3A_1026] : memref<1000000x32xf32, #tpu.memory_space<hbm>> -> memref<1x32xf32, #tpu.memory_space<hbm>>
      %dma_start3A_1028 = arith.constant 0 : i32
      %dma_start3A_1029 = tpu.memref_slice %arg14[%add3A_1019, %dma_start3A_1028] : memref<256x32xf32, #tpu.memory_space<vmem>> -> memref<1x32xf32, #tpu.memory_space<vmem>>
      %dma_start3A_1030 = arith.constant 0 : i32
      %dma_start3A_1031 = tpu.memref_slice %arg2[%get3A_1023, %dma_start3A_1030] : memref<1000000x32xf32, #tpu.memory_space<hbm>> -> memref<1x32xf32, #tpu.memory_space<hbm>>
      tpu.enqueue_dma source(%dma_start3A_1031 : memref<1x32xf32, #tpu.memory_space<hbm>>) target(%dma_start3A_1029 : memref<1x32xf32, #tpu.memory_space<vmem>>) target_semaphore(%arg16 : memref<!tpu.dma_semaphore, #tpu.memory_space<semaphore_mem>>)
      %add3A_1032 = arith.constant 0 : i32
      %add3A_1033 = arith.addi %add3A_1032, %add3A_1019 : i32
      %get3A_1034 = arith.index_cast %add3A_1033 : i32 to index
      %get3A_1035 = memref.load %arg13[%get3A_1034] : memref<512xi32, #tpu.memory_space<smem>>
      %dma_start3A_1036 = arith.constant 0 : i32
      %dma_start3A_1037 = tpu.memref_slice %arg15[%add3A_1019, %dma_start3A_1036] : memref<256x32xf32, #tpu.memory_space<vmem>> -> memref<1x32xf32, #tpu.memory_space<vmem>>
      %dma_start3A_1038 = arith.constant 0 : i32
      %dma_start3A_1039 = tpu.memref_slice %arg3[%get3A_1035, %dma_start3A_1038] : memref<100000x32xf32, #tpu.memory_space<hbm>> -> memref<1x32xf32, #tpu.memory_space<hbm>>
      %dma_start3A_1040 = arith.constant 0 : i32
      %dma_start3A_1041 = tpu.memref_slice %arg15[%add3A_1019, %dma_start3A_1040] : memref<256x32xf32, #tpu.memory_space<vmem>> -> memref<1x32xf32, #tpu.memory_space<vmem>>
      %dma_start3A_1042 = arith.constant 0 : i32
      %dma_start3A_1043 = tpu.memref_slice %arg3[%get3A_1035, %dma_start3A_1042] : memref<100000x32xf32, #tpu.memory_space<hbm>> -> memref<1x32xf32, #tpu.memory_space<hbm>>
      tpu.enqueue_dma source(%dma_start3A_1043 : memref<1x32xf32, #tpu.memory_space<hbm>>) target(%dma_start3A_1041 : memref<1x32xf32, #tpu.memory_space<vmem>>) target_semaphore(%arg17 : memref<!tpu.dma_semaphore, #tpu.memory_space<semaphore_mem>>)
      %dma_wait3A_1044 = arith.constant 0 : i32
      %dma_wait3A_1045 = arith.constant 0 : i32
      %dma_wait3A_1046 = tpu.memref_slice %arg14[%dma_wait3A_1044, %dma_wait3A_1045] : memref<256x32xf32, #tpu.memory_space<vmem>> -> memref<1x32xf32, #tpu.memory_space<vmem>>
      %dma_wait3A_1047 = arith.constant 0 : i32
      %dma_wait3A_1048 = arith.constant 0 : i32
      %dma_wait3A_1049 = tpu.memref_slice %arg2[%dma_wait3A_1047, %dma_wait3A_1048] : memref<1000000x32xf32, #tpu.memory_space<hbm>> -> memref<1x32xf32, #tpu.memory_space<hbm>>
      %dma_wait3A_1050 = arith.constant 0 : i32
      %dma_wait3A_1051 = arith.constant 0 : i32
      %dma_wait3A_1052 = tpu.memref_slice %arg14[%dma_wait3A_1050, %dma_wait3A_1051] : memref<256x32xf32, #tpu.memory_space<vmem>> -> memref<1x32xf32, #tpu.memory_space<vmem>>
      %dma_wait3A_1053 = arith.constant 0 : i32
      %dma_wait3A_1054 = arith.constant 0 : i32
      %dma_wait3A_1055 = tpu.memref_slice %arg2[%dma_wait3A_1053, %dma_wait3A_1054] : memref<1000000x32xf32, #tpu.memory_space<hbm>> -> memref<1x32xf32, #tpu.memory_space<hbm>>
      tpu.wait_dma2 semaphore(%arg16 : memref<!tpu.dma_semaphore, #tpu.memory_space<semaphore_mem>>) src(%dma_wait3A_1055 : memref<1x32xf32, #tpu.memory_space<hbm>>) dst(%dma_wait3A_1052 : memref<1x32xf32, #tpu.memory_space<vmem>>)
      %dma_wait3A_1056 = arith.constant 0 : i32
      %dma_wait3A_1057 = arith.constant 0 : i32
      %dma_wait3A_1058 = tpu.memref_slice %arg15[%dma_wait3A_1056, %dma_wait3A_1057] : memref<256x32xf32, #tpu.memory_space<vmem>> -> memref<1x32xf32, #tpu.memory_space<vmem>>
      %dma_wait3A_1059 = arith.constant 0 : i32
      %dma_wait3A_1060 = arith.constant 0 : i32
      %dma_wait3A_1061 = tpu.memref_slice %arg3[%dma_wait3A_1059, %dma_wait3A_1060] : memref<100000x32xf32, #tpu.memory_space<hbm>> -> memref<1x32xf32, #tpu.memory_space<hbm>>
      %dma_wait3A_1062 = arith.constant 0 : i32
      %dma_wait3A_1063 = arith.constant 0 : i32
      %dma_wait3A_1064 = tpu.memref_slice %arg15[%dma_wait3A_1062, %dma_wait3A_1063] : memref<256x32xf32, #tpu.memory_space<vmem>> -> memref<1x32xf32, #tpu.memory_space<vmem>>
      %dma_wait3A_1065 = arith.constant 0 : i32
      %dma_wait3A_1066 = arith.constant 0 : i32
      %dma_wait3A_1067 = tpu.memref_slice %arg3[%dma_wait3A_1065, %dma_wait3A_1066] : memref<100000x32xf32, #tpu.memory_space<hbm>> -> memref<1x32xf32, #tpu.memory_space<hbm>>
      tpu.wait_dma2 semaphore(%arg17 : memref<!tpu.dma_semaphore, #tpu.memory_space<semaphore_mem>>) src(%dma_wait3A_1067 : memref<1x32xf32, #tpu.memory_space<hbm>>) dst(%dma_wait3A_1064 : memref<1x32xf32, #tpu.memory_space<vmem>>)
      %dma_wait3A_1068 = arith.constant 0 : i32
      %dma_wait3A_1069 = arith.constant 0 : i32
      %dma_wait3A_1070 = tpu.memref_slice %arg14[%dma_wait3A_1068, %dma_wait3A_1069] : memref<256x32xf32, #tpu.memory_space<vmem>> -> memref<1x32xf32, #tpu.memory_space<vmem>>
      %dma_wait3A_1071 = arith.constant 0 : i32
      %dma_wait3A_1072 = arith.constant 0 : i32
      %dma_wait3A_1073 = tpu.memref_slice %arg2[%dma_wait3A_1071, %dma_wait3A_1072] : memref<1000000x32xf32, #tpu.memory_space<hbm>> -> memref<1x32xf32, #tpu.memory_space<hbm>>
      %dma_wait3A_1074 = arith.constant 0 : i32
      %dma_wait3A_1075 = arith.constant 0 : i32
      %dma_wait3A_1076 = tpu.memref_slice %arg14[%dma_wait3A_1074, %dma_wait3A_1075] : memref<256x32xf32, #tpu.memory_space<vmem>> -> memref<1x32xf32, #tpu.memory_space<vmem>>
      %dma_wait3A_1077 = arith.constant 0 : i32
      %dma_wait3A_1078 = arith.constant 0 : i32
      %dma_wait3A_1079 = tpu.memref_slice %arg2[%dma_wait3A_1077, %dma_wait3A_1078] : memref<1000000x32xf32, #tpu.memory_space<hbm>> -> memref<1x32xf32, #tpu.memory_space<hbm>>
      tpu.wait_dma2 semaphore(%arg16 : memref<!tpu.dma_semaphore, #tpu.memory_space<semaphore_mem>>) src(%dma_wait3A_1079 : memref<1x32xf32, #tpu.memory_space<hbm>>) dst(%dma_wait3A_1076 : memref<1x32xf32, #tpu.memory_space<vmem>>)
      %dma_wait3A_1080 = arith.constant 0 : i32
      %dma_wait3A_1081 = arith.constant 0 : i32
      %dma_wait3A_1082 = tpu.memref_slice %arg15[%dma_wait3A_1080, %dma_wait3A_1081] : memref<256x32xf32, #tpu.memory_space<vmem>> -> memref<1x32xf32, #tpu.memory_space<vmem>>
      %dma_wait3A_1083 = arith.constant 0 : i32
      %dma_wait3A_1084 = arith.constant 0 : i32
      %dma_wait3A_1085 = tpu.memref_slice %arg3[%dma_wait3A_1083, %dma_wait3A_1084] : memref<100000x32xf32, #tpu.memory_space<hbm>> -> memref<1x32xf32, #tpu.memory_space<hbm>>
      %dma_wait3A_1086 = arith.constant 0 : i32
      %dma_wait3A_1087 = arith.constant 0 : i32
      %dma_wait3A_1088 = tpu.memref_slice %arg15[%dma_wait3A_1086, %dma_wait3A_1087] : memref<256x32xf32, #tpu.memory_space<vmem>> -> memref<1x32xf32, #tpu.memory_space<vmem>>
      %dma_wait3A_1089 = arith.constant 0 : i32
      %dma_wait3A_1090 = arith.constant 0 : i32
      %dma_wait3A_1091 = tpu.memref_slice %arg3[%dma_wait3A_1089, %dma_wait3A_1090] : memref<100000x32xf32, #tpu.memory_space<hbm>> -> memref<1x32xf32, #tpu.memory_space<hbm>>
      tpu.wait_dma2 semaphore(%arg17 : memref<!tpu.dma_semaphore, #tpu.memory_space<semaphore_mem>>) src(%dma_wait3A_1091 : memref<1x32xf32, #tpu.memory_space<hbm>>) dst(%dma_wait3A_1088 : memref<1x32xf32, #tpu.memory_space<vmem>>)
      %dma_wait3A_1092 = arith.constant 0 : i32
      %dma_wait3A_1093 = arith.constant 0 : i32
      %dma_wait3A_1094 = tpu.memref_slice %arg14[%dma_wait3A_1092, %dma_wait3A_1093] : memref<256x32xf32, #tpu.memory_space<vmem>> -> memref<1x32xf32, #tpu.memory_space<vmem>>
      %dma_wait3A_1095 = arith.constant 0 : i32
      %dma_wait3A_1096 = arith.constant 0 : i32
      %dma_wait3A_1097 = tpu.memref_slice %arg2[%dma_wait3A_1095, %dma_wait3A_1096] : memref<1000000x32xf32, #tpu.memory_space<hbm>> -> memref<1x32xf32, #tpu.memory_space<hbm>>
      %dma_wait3A_1098 = arith.constant 0 : i32
      %dma_wait3A_1099 = arith.constant 0 : i32
      %dma_wait3A_1100 = tpu.memref_slice %arg14[%dma_wait3A_1098, %dma_wait3A_1099] : memref<256x32xf32, #tpu.memory_space<vmem>> -> memref<1x32xf32, #tpu.memory_space<vmem>>
      %dma_wait3A_1101 = arith.constant 0 : i32
      %dma_wait3A_1102 = arith.constant 0 : i32
      %dma_wait3A_1103 = tpu.memref_slice %arg2[%dma_wait3A_1101, %dma_wait3A_1102] : memref<1000000x32xf32, #tpu.memory_space<hbm>> -> memref<1x32xf32, #tpu.memory_space<hbm>>
      tpu.wait_dma2 semaphore(%arg16 : memref<!tpu.dma_semaphore, #tpu.memory_space<semaphore_mem>>) src(%dma_wait3A_1103 : memref<1x32xf32, #tpu.memory_space<hbm>>) dst(%dma_wait3A_1100 : memref<1x32xf32, #tpu.memory_space<vmem>>)
      %dma_wait3A_1104 = arith.constant 0 : i32
      %dma_wait3A_1105 = arith.constant 0 : i32
      %dma_wait3A_1106 = tpu.memref_slice %arg15[%dma_wait3A_1104, %dma_wait3A_1105] : memref<256x32xf32, #tpu.memory_space<vmem>> -> memref<1x32xf32, #tpu.memory_space<vmem>>
      %dma_wait3A_1107 = arith.constant 0 : i32
      %dma_wait3A_1108 = arith.constant 0 : i32
      %dma_wait3A_1109 = tpu.memref_slice %arg3[%dma_wait3A_1107, %dma_wait3A_1108] : memref<100000x32xf32, #tpu.memory_space<hbm>> -> memref<1x32xf32, #tpu.memory_space<hbm>>
      %dma_wait3A_1110 = arith.constant 0 : i32
      %dma_wait3A_1111 = arith.constant 0 : i32
      %dma_wait3A_1112 = tpu.memref_slice %arg15[%dma_wait3A_1110, %dma_wait3A_1111] : memref<256x32xf32, #tpu.memory_space<vmem>> -> memref<1x32xf32, #tpu.memory_space<vmem>>
      %dma_wait3A_1113 = arith.constant 0 : i32
      %dma_wait3A_1114 = arith.constant 0 : i32
      %dma_wait3A_1115 = tpu.memref_slice %arg3[%dma_wait3A_1113, %dma_wait3A_1114] : memref<100000x32xf32, #tpu.memory_space<hbm>> -> memref<1x32xf32, #tpu.memory_space<hbm>>
      tpu.wait_dma2 semaphore(%arg17 : memref<!tpu.dma_semaphore, #tpu.memory_space<semaphore_mem>>) src(%dma_wait3A_1115 : memref<1x32xf32, #tpu.memory_space<hbm>>) dst(%dma_wait3A_1112 : memref<1x32xf32, #tpu.memory_space<vmem>>)
      %dma_wait3A_1116 = arith.constant 0 : i32
      %dma_wait3A_1117 = arith.constant 0 : i32
      %dma_wait3A_1118 = tpu.memref_slice %arg14[%dma_wait3A_1116, %dma_wait3A_1117] : memref<256x32xf32, #tpu.memory_space<vmem>> -> memref<1x32xf32, #tpu.memory_space<vmem>>
      %dma_wait3A_1119 = arith.constant 0 : i32
      %dma_wait3A_1120 = arith.constant 0 : i32
      %dma_wait3A_1121 = tpu.memref_slice %arg2[%dma_wait3A_1119, %dma_wait3A_1120] : memref<1000000x32xf32, #tpu.memory_space<hbm>> -> memref<1x32xf32, #tpu.memory_space<hbm>>
      %dma_wait3A_1122 = arith.constant 0 : i32
      %dma_wait3A_1123 = arith.constant 0 : i32
      %dma_wait3A_1124 = tpu.memref_slice %arg14[%dma_wait3A_1122, %dma_wait3A_1123] : memref<256x32xf32, #tpu.memory_space<vmem>> -> memref<1x32xf32, #tpu.memory_space<vmem>>
      %dma_wait3A_1125 = arith.constant 0 : i32
      %dma_wait3A_1126 = arith.constant 0 : i32
      %dma_wait3A_1127 = tpu.memref_slice %arg2[%dma_wait3A_1125, %dma_wait3A_1126] : memref<1000000x32xf32, #tpu.memory_space<hbm>> -> memref<1x32xf32, #tpu.memory_space<hbm>>
      tpu.wait_dma2 semaphore(%arg16 : memref<!tpu.dma_semaphore, #tpu.memory_space<semaphore_mem>>) src(%dma_wait3A_1127 : memref<1x32xf32, #tpu.memory_space<hbm>>) dst(%dma_wait3A_1124 : memref<1x32xf32, #tpu.memory_space<vmem>>)
      %dma_wait3A_1128 = arith.constant 0 : i32
      %dma_wait3A_1129 = arith.constant 0 : i32
      %dma_wait3A_1130 = tpu.memref_slice %arg15[%dma_wait3A_1128, %dma_wait3A_1129] : memref<256x32xf32, #tpu.memory_space<vmem>> -> memref<1x32xf32, #tpu.memory_space<vmem>>
      %dma_wait3A_1131 = arith.constant 0 : i32
      %dma_wait3A_1132 = arith.constant 0 : i32
      %dma_wait3A_1133 = tpu.memref_slice %arg3[%dma_wait3A_1131, %dma_wait3A_1132] : memref<100000x32xf32, #tpu.memory_space<hbm>> -> memref<1x32xf32, #tpu.memory_space<hbm>>
      %dma_wait3A_1134 = arith.constant 0 : i32
      %dma_wait3A_1135 = arith.constant 0 : i32
      %dma_wait3A_1136 = tpu.memref_slice %arg15[%dma_wait3A_1134, %dma_wait3A_1135] : memref<256x32xf32, #tpu.memory_space<vmem>> -> memref<1x32xf32, #tpu.memory_space<vmem>>
      %dma_wait3A_1137 = arith.constant 0 : i32
      %dma_wait3A_1138 = arith.constant 0 : i32
      %dma_wait3A_1139 = tpu.memref_slice %arg3[%dma_wait3A_1137, %dma_wait3A_1138] : memref<100000x32xf32, #tpu.memory_space<hbm>> -> memref<1x32xf32, #tpu.memory_space<hbm>>
      tpu.wait_dma2 semaphore(%arg17 : memref<!tpu.dma_semaphore, #tpu.memory_space<semaphore_mem>>) src(%dma_wait3A_1139 : memref<1x32xf32, #tpu.memory_space<hbm>>) dst(%dma_wait3A_1136 : memref<1x32xf32, #tpu.memory_space<vmem>>)
      %dma_wait3A_1140 = arith.constant 0 : i32
      %dma_wait3A_1141 = arith.constant 0 : i32
      %dma_wait3A_1142 = tpu.memref_slice %arg14[%dma_wait3A_1140, %dma_wait3A_1141] : memref<256x32xf32, #tpu.memory_space<vmem>> -> memref<1x32xf32, #tpu.memory_space<vmem>>
      %dma_wait3A_1143 = arith.constant 0 : i32
      %dma_wait3A_1144 = arith.constant 0 : i32
      %dma_wait3A_1145 = tpu.memref_slice %arg2[%dma_wait3A_1143, %dma_wait3A_1144] : memref<1000000x32xf32, #tpu.memory_space<hbm>> -> memref<1x32xf32, #tpu.memory_space<hbm>>
      %dma_wait3A_1146 = arith.constant 0 : i32
      %dma_wait3A_1147 = arith.constant 0 : i32
      %dma_wait3A_1148 = tpu.memref_slice %arg14[%dma_wait3A_1146, %dma_wait3A_1147] : memref<256x32xf32, #tpu.memory_space<vmem>> -> memref<1x32xf32, #tpu.memory_space<vmem>>
      %dma_wait3A_1149 = arith.constant 0 : i32
      %dma_wait3A_1150 = arith.constant 0 : i32
      %dma_wait3A_1151 = tpu.memref_slice %arg2[%dma_wait3A_1149, %dma_wait3A_1150] : memref<1000000x32xf32, #tpu.memory_space<hbm>> -> memref<1x32xf32, #tpu.memory_space<hbm>>
      tpu.wait_dma2 semaphore(%arg16 : memref<!tpu.dma_semaphore, #tpu.memory_space<semaphore_mem>>) src(%dma_wait3A_1151 : memref<1x32xf32, #tpu.memory_space<hbm>>) dst(%dma_wait3A_1148 : memref<1x32xf32, #tpu.memory_space<vmem>>)
      %dma_wait3A_1152 = arith.constant 0 : i32
      %dma_wait3A_1153 = arith.constant 0 : i32
      %dma_wait3A_1154 = tpu.memref_slice %arg15[%dma_wait3A_1152, %dma_wait3A_1153] : memref<256x32xf32, #tpu.memory_space<vmem>> -> memref<1x32xf32, #tpu.memory_space<vmem>>
      %dma_wait3A_1155 = arith.constant 0 : i32
      %dma_wait3A_1156 = arith.constant 0 : i32
      %dma_wait3A_1157 = tpu.memref_slice %arg3[%dma_wait3A_1155, %dma_wait3A_1156] : memref<100000x32xf32, #tpu.memory_space<hbm>> -> memref<1x32xf32, #tpu.memory_space<hbm>>
      %dma_wait3A_1158 = arith.constant 0 : i32
      %dma_wait3A_1159 = arith.constant 0 : i32
      %dma_wait3A_1160 = tpu.memref_slice %arg15[%dma_wait3A_1158, %dma_wait3A_1159] : memref<256x32xf32, #tpu.memory_space<vmem>> -> memref<1x32xf32, #tpu.memory_space<vmem>>
      %dma_wait3A_1161 = arith.constant 0 : i32
      %dma_wait3A_1162 = arith.constant 0 : i32
      %dma_wait3A_1163 = tpu.memref_slice %arg3[%dma_wait3A_1161, %dma_wait3A_1162] : memref<100000x32xf32, #tpu.memory_space<hbm>> -> memref<1x32xf32, #tpu.memory_space<hbm>>
      tpu.wait_dma2 semaphore(%arg17 : memref<!tpu.dma_semaphore, #tpu.memory_space<semaphore_mem>>) src(%dma_wait3A_1163 : memref<1x32xf32, #tpu.memory_space<hbm>>) dst(%dma_wait3A_1160 : memref<1x32xf32, #tpu.memory_space<vmem>>)
      %dma_wait3A_1164 = arith.constant 0 : i32
      %dma_wait3A_1165 = arith.constant 0 : i32
      %dma_wait3A_1166 = tpu.memref_slice %arg14[%dma_wait3A_1164, %dma_wait3A_1165] : memref<256x32xf32, #tpu.memory_space<vmem>> -> memref<1x32xf32, #tpu.memory_space<vmem>>
      %dma_wait3A_1167 = arith.constant 0 : i32
      %dma_wait3A_1168 = arith.constant 0 : i32
      %dma_wait3A_1169 = tpu.memref_slice %arg2[%dma_wait3A_1167, %dma_wait3A_1168] : memref<1000000x32xf32, #tpu.memory_space<hbm>> -> memref<1x32xf32, #tpu.memory_space<hbm>>
      %dma_wait3A_1170 = arith.constant 0 : i32
      %dma_wait3A_1171 = arith.constant 0 : i32
      %dma_wait3A_1172 = tpu.memref_slice %arg14[%dma_wait3A_1170, %dma_wait3A_1171] : memref<256x32xf32, #tpu.memory_space<vmem>> -> memref<1x32xf32, #tpu.memory_space<vmem>>
      %dma_wait3A_1173 = arith.constant 0 : i32
      %dma_wait3A_1174 = arith.constant 0 : i32
      %dma_wait3A_1175 = tpu.memref_slice %arg2[%dma_wait3A_1173, %dma_wait3A_1174] : memref<1000000x32xf32, #tpu.memory_space<hbm>> -> memref<1x32xf32, #tpu.memory_space<hbm>>
      tpu.wait_dma2 semaphore(%arg16 : memref<!tpu.dma_semaphore, #tpu.memory_space<semaphore_mem>>) src(%dma_wait3A_1175 : memref<1x32xf32, #tpu.memory_space<hbm>>) dst(%dma_wait3A_1172 : memref<1x32xf32, #tpu.memory_space<vmem>>)
      %dma_wait3A_1176 = arith.constant 0 : i32
      %dma_wait3A_1177 = arith.constant 0 : i32
      %dma_wait3A_1178 = tpu.memref_slice %arg15[%dma_wait3A_1176, %dma_wait3A_1177] : memref<256x32xf32, #tpu.memory_space<vmem>> -> memref<1x32xf32, #tpu.memory_space<vmem>>
      %dma_wait3A_1179 = arith.constant 0 : i32
      %dma_wait3A_1180 = arith.constant 0 : i32
      %dma_wait3A_1181 = tpu.memref_slice %arg3[%dma_wait3A_1179, %dma_wait3A_1180] : memref<100000x32xf32, #tpu.memory_space<hbm>> -> memref<1x32xf32, #tpu.memory_space<hbm>>
      %dma_wait3A_1182 = arith.constant 0 : i32
      %dma_wait3A_1183 = arith.constant 0 : i32
      %dma_wait3A_1184 = tpu.memref_slice %arg15[%dma_wait3A_1182, %dma_wait3A_1183] : memref<256x32xf32, #tpu.memory_space<vmem>> -> memref<1x32xf32, #tpu.memory_space<vmem>>
      %dma_wait3A_1185 = arith.constant 0 : i32
      %dma_wait3A_1186 = arith.constant 0 : i32
      %dma_wait3A_1187 = tpu.memref_slice %arg3[%dma_wait3A_1185, %dma_wait3A_1186] : memref<100000x32xf32, #tpu.memory_space<hbm>> -> memref<1x32xf32, #tpu.memory_space<hbm>>
      tpu.wait_dma2 semaphore(%arg17 : memref<!tpu.dma_semaphore, #tpu.memory_space<semaphore_mem>>) src(%dma_wait3A_1187 : memref<1x32xf32, #tpu.memory_space<hbm>>) dst(%dma_wait3A_1184 : memref<1x32xf32, #tpu.memory_space<vmem>>)
      %dma_wait3A_1188 = arith.constant 0 : i32
      %dma_wait3A_1189 = arith.constant 0 : i32
      %dma_wait3A_1190 = tpu.memref_slice %arg14[%dma_wait3A_1188, %dma_wait3A_1189] : memref<256x32xf32, #tpu.memory_space<vmem>> -> memref<1x32xf32, #tpu.memory_space<vmem>>
      %dma_wait3A_1191 = arith.constant 0 : i32
      %dma_wait3A_1192 = arith.constant 0 : i32
      %dma_wait3A_1193 = tpu.memref_slice %arg2[%dma_wait3A_1191, %dma_wait3A_1192] : memref<1000000x32xf32, #tpu.memory_space<hbm>> -> memref<1x32xf32, #tpu.memory_space<hbm>>
      %dma_wait3A_1194 = arith.constant 0 : i32
      %dma_wait3A_1195 = arith.constant 0 : i32
      %dma_wait3A_1196 = tpu.memref_slice %arg14[%dma_wait3A_1194, %dma_wait3A_1195] : memref<256x32xf32, #tpu.memory_space<vmem>> -> memref<1x32xf32, #tpu.memory_space<vmem>>
      %dma_wait3A_1197 = arith.constant 0 : i32
      %dma_wait3A_1198 = arith.constant 0 : i32
      %dma_wait3A_1199 = tpu.memref_slice %arg2[%dma_wait3A_1197, %dma_wait3A_1198] : memref<1000000x32xf32, #tpu.memory_space<hbm>> -> memref<1x32xf32, #tpu.memory_space<hbm>>
      tpu.wait_dma2 semaphore(%arg16 : memref<!tpu.dma_semaphore, #tpu.memory_space<semaphore_mem>>) src(%dma_wait3A_1199 : memref<1x32xf32, #tpu.memory_space<hbm>>) dst(%dma_wait3A_1196 : memref<1x32xf32, #tpu.memory_space<vmem>>)
      %dma_wait3A_1200 = arith.constant 0 : i32
      %dma_wait3A_1201 = arith.constant 0 : i32
      %dma_wait3A_1202 = tpu.memref_slice %arg15[%dma_wait3A_1200, %dma_wait3A_1201] : memref<256x32xf32, #tpu.memory_space<vmem>> -> memref<1x32xf32, #tpu.memory_space<vmem>>
      %dma_wait3A_1203 = arith.constant 0 : i32
      %dma_wait3A_1204 = arith.constant 0 : i32
      %dma_wait3A_1205 = tpu.memref_slice %arg3[%dma_wait3A_1203, %dma_wait3A_1204] : memref<100000x32xf32, #tpu.memory_space<hbm>> -> memref<1x32xf32, #tpu.memory_space<hbm>>
      %dma_wait3A_1206 = arith.constant 0 : i32
      %dma_wait3A_1207 = arith.constant 0 : i32
      %dma_wait3A_1208 = tpu.memref_slice %arg15[%dma_wait3A_1206, %dma_wait3A_1207] : memref<256x32xf32, #tpu.memory_space<vmem>> -> memref<1x32xf32, #tpu.memory_space<vmem>>
      %dma_wait3A_1209 = arith.constant 0 : i32
      %dma_wait3A_1210 = arith.constant 0 : i32
      %dma_wait3A_1211 = tpu.memref_slice %arg3[%dma_wait3A_1209, %dma_wait3A_1210] : memref<100000x32xf32, #tpu.memory_space<hbm>> -> memref<1x32xf32, #tpu.memory_space<hbm>>
      tpu.wait_dma2 semaphore(%arg17 : memref<!tpu.dma_semaphore, #tpu.memory_space<semaphore_mem>>) src(%dma_wait3A_1211 : memref<1x32xf32, #tpu.memory_space<hbm>>) dst(%dma_wait3A_1208 : memref<1x32xf32, #tpu.memory_space<vmem>>)
      %dma_wait3A_1212 = arith.constant 0 : i32
      %dma_wait3A_1213 = arith.constant 0 : i32
      %dma_wait3A_1214 = tpu.memref_slice %arg14[%dma_wait3A_1212, %dma_wait3A_1213] : memref<256x32xf32, #tpu.memory_space<vmem>> -> memref<1x32xf32, #tpu.memory_space<vmem>>
      %dma_wait3A_1215 = arith.constant 0 : i32
      %dma_wait3A_1216 = arith.constant 0 : i32
      %dma_wait3A_1217 = tpu.memref_slice %arg2[%dma_wait3A_1215, %dma_wait3A_1216] : memref<1000000x32xf32, #tpu.memory_space<hbm>> -> memref<1x32xf32, #tpu.memory_space<hbm>>
      %dma_wait3A_1218 = arith.constant 0 : i32
      %dma_wait3A_1219 = arith.constant 0 : i32
      %dma_wait3A_1220 = tpu.memref_slice %arg14[%dma_wait3A_1218, %dma_wait3A_1219] : memref<256x32xf32, #tpu.memory_space<vmem>> -> memref<1x32xf32, #tpu.memory_space<vmem>>
      %dma_wait3A_1221 = arith.constant 0 : i32
      %dma_wait3A_1222 = arith.constant 0 : i32
      %dma_wait3A_1223 = tpu.memref_slice %arg2[%dma_wait3A_1221, %dma_wait3A_1222] : memref<1000000x32xf32, #tpu.memory_space<hbm>> -> memref<1x32xf32, #tpu.memory_space<hbm>>
      tpu.wait_dma2 semaphore(%arg16 : memref<!tpu.dma_semaphore, #tpu.memory_space<semaphore_mem>>) src(%dma_wait3A_1223 : memref<1x32xf32, #tpu.memory_space<hbm>>) dst(%dma_wait3A_1220 : memref<1x32xf32, #tpu.memory_space<vmem>>)
      %dma_wait3A_1224 = arith.constant 0 : i32
      %dma_wait3A_1225 = arith.constant 0 : i32
      %dma_wait3A_1226 = tpu.memref_slice %arg15[%dma_wait3A_1224, %dma_wait3A_1225] : memref<256x32xf32, #tpu.memory_space<vmem>> -> memref<1x32xf32, #tpu.memory_space<vmem>>
      %dma_wait3A_1227 = arith.constant 0 : i32
      %dma_wait3A_1228 = arith.constant 0 : i32
      %dma_wait3A_1229 = tpu.memref_slice %arg3[%dma_wait3A_1227, %dma_wait3A_1228] : memref<100000x32xf32, #tpu.memory_space<hbm>> -> memref<1x32xf32, #tpu.memory_space<hbm>>
      %dma_wait3A_1230 = arith.constant 0 : i32
      %dma_wait3A_1231 = arith.constant 0 : i32
      %dma_wait3A_1232 = tpu.memref_slice %arg15[%dma_wait3A_1230, %dma_wait3A_1231] : memref<256x32xf32, #tpu.memory_space<vmem>> -> memref<1x32xf32, #tpu.memory_space<vmem>>
      %dma_wait3A_1233 = arith.constant 0 : i32
      %dma_wait3A_1234 = arith.constant 0 : i32
      %dma_wait3A_1235 = tpu.memref_slice %arg3[%dma_wait3A_1233, %dma_wait3A_1234] : memref<100000x32xf32, #tpu.memory_space<hbm>> -> memref<1x32xf32, #tpu.memory_space<hbm>>
      tpu.wait_dma2 semaphore(%arg17 : memref<!tpu.dma_semaphore, #tpu.memory_space<semaphore_mem>>) src(%dma_wait3A_1235 : memref<1x32xf32, #tpu.memory_space<hbm>>) dst(%dma_wait3A_1232 : memref<1x32xf32, #tpu.memory_space<vmem>>)
    }
    %scan3A_213 = arith.constant 31 : i32
    %dma_wait3A = arith.constant 0 : i32
    %dma_wait3A_214 = arith.constant 0 : i32
    %dma_wait3A_215 = tpu.memref_slice %arg14[%dma_wait3A, %dma_wait3A_214] : memref<256x32xf32, #tpu.memory_space<vmem>> -> memref<1x32xf32, #tpu.memory_space<vmem>>
    %dma_wait3A_216 = arith.constant 0 : i32
    %dma_wait3A_217 = arith.constant 0 : i32
    %dma_wait3A_218 = tpu.memref_slice %arg2[%dma_wait3A_216, %dma_wait3A_217] : memref<1000000x32xf32, #tpu.memory_space<hbm>> -> memref<1x32xf32, #tpu.memory_space<hbm>>
    %dma_wait3A_219 = arith.constant 0 : i32
    %dma_wait3A_220 = arith.constant 0 : i32
    %dma_wait3A_221 = tpu.memref_slice %arg14[%dma_wait3A_219, %dma_wait3A_220] : memref<256x32xf32, #tpu.memory_space<vmem>> -> memref<1x32xf32, #tpu.memory_space<vmem>>
    %dma_wait3A_222 = arith.constant 0 : i32
    %dma_wait3A_223 = arith.constant 0 : i32
    %dma_wait3A_224 = tpu.memref_slice %arg2[%dma_wait3A_222, %dma_wait3A_223] : memref<1000000x32xf32, #tpu.memory_space<hbm>> -> memref<1x32xf32, #tpu.memory_space<hbm>>
    tpu.wait_dma2 semaphore(%arg16 : memref<!tpu.dma_semaphore, #tpu.memory_space<semaphore_mem>>) src(%dma_wait3A_224 : memref<1x32xf32, #tpu.memory_space<hbm>>) dst(%dma_wait3A_221 : memref<1x32xf32, #tpu.memory_space<vmem>>)
    %dma_wait3A_225 = arith.constant 0 : i32
    %dma_wait3A_226 = arith.constant 0 : i32
    %dma_wait3A_227 = tpu.memref_slice %arg15[%dma_wait3A_225, %dma_wait3A_226] : memref<256x32xf32, #tpu.memory_space<vmem>> -> memref<1x32xf32, #tpu.memory_space<vmem>>
    %dma_wait3A_228 = arith.constant 0 : i32
    %dma_wait3A_229 = arith.constant 0 : i32
    %dma_wait3A_230 = tpu.memref_slice %arg3[%dma_wait3A_228, %dma_wait3A_229] : memref<100000x32xf32, #tpu.memory_space<hbm>> -> memref<1x32xf32, #tpu.memory_space<hbm>>
    %dma_wait3A_231 = arith.constant 0 : i32
    %dma_wait3A_232 = arith.constant 0 : i32
    %dma_wait3A_233 = tpu.memref_slice %arg15[%dma_wait3A_231, %dma_wait3A_232] : memref<256x32xf32, #tpu.memory_space<vmem>> -> memref<1x32xf32, #tpu.memory_space<vmem>>
    %dma_wait3A_234 = arith.constant 0 : i32
    %dma_wait3A_235 = arith.constant 0 : i32
    %dma_wait3A_236 = tpu.memref_slice %arg3[%dma_wait3A_234, %dma_wait3A_235] : memref<100000x32xf32, #tpu.memory_space<hbm>> -> memref<1x32xf32, #tpu.memory_space<hbm>>
    tpu.wait_dma2 semaphore(%arg17 : memref<!tpu.dma_semaphore, #tpu.memory_space<semaphore_mem>>) src(%dma_wait3A_236 : memref<1x32xf32, #tpu.memory_space<hbm>>) dst(%dma_wait3A_233 : memref<1x32xf32, #tpu.memory_space<vmem>>)
    %dma_wait3A_237 = arith.constant 0 : i32
    %dma_wait3A_238 = arith.constant 0 : i32
    %dma_wait3A_239 = tpu.memref_slice %arg14[%dma_wait3A_237, %dma_wait3A_238] : memref<256x32xf32, #tpu.memory_space<vmem>> -> memref<1x32xf32, #tpu.memory_space<vmem>>
    %dma_wait3A_240 = arith.constant 0 : i32
    %dma_wait3A_241 = arith.constant 0 : i32
    %dma_wait3A_242 = tpu.memref_slice %arg2[%dma_wait3A_240, %dma_wait3A_241] : memref<1000000x32xf32, #tpu.memory_space<hbm>> -> memref<1x32xf32, #tpu.memory_space<hbm>>
    %dma_wait3A_243 = arith.constant 0 : i32
    %dma_wait3A_244 = arith.constant 0 : i32
    %dma_wait3A_245 = tpu.memref_slice %arg14[%dma_wait3A_243, %dma_wait3A_244] : memref<256x32xf32, #tpu.memory_space<vmem>> -> memref<1x32xf32, #tpu.memory_space<vmem>>
    %dma_wait3A_246 = arith.constant 0 : i32
    %dma_wait3A_247 = arith.constant 0 : i32
    %dma_wait3A_248 = tpu.memref_slice %arg2[%dma_wait3A_246, %dma_wait3A_247] : memref<1000000x32xf32, #tpu.memory_space<hbm>> -> memref<1x32xf32, #tpu.memory_space<hbm>>
    tpu.wait_dma2 semaphore(%arg16 : memref<!tpu.dma_semaphore, #tpu.memory_space<semaphore_mem>>) src(%dma_wait3A_248 : memref<1x32xf32, #tpu.memory_space<hbm>>) dst(%dma_wait3A_245 : memref<1x32xf32, #tpu.memory_space<vmem>>)
    %dma_wait3A_249 = arith.constant 0 : i32
    %dma_wait3A_250 = arith.constant 0 : i32
    %dma_wait3A_251 = tpu.memref_slice %arg15[%dma_wait3A_249, %dma_wait3A_250] : memref<256x32xf32, #tpu.memory_space<vmem>> -> memref<1x32xf32, #tpu.memory_space<vmem>>
    %dma_wait3A_252 = arith.constant 0 : i32
    %dma_wait3A_253 = arith.constant 0 : i32
    %dma_wait3A_254 = tpu.memref_slice %arg3[%dma_wait3A_252, %dma_wait3A_253] : memref<100000x32xf32, #tpu.memory_space<hbm>> -> memref<1x32xf32, #tpu.memory_space<hbm>>
    %dma_wait3A_255 = arith.constant 0 : i32
    %dma_wait3A_256 = arith.constant 0 : i32
    %dma_wait3A_257 = tpu.memref_slice %arg15[%dma_wait3A_255, %dma_wait3A_256] : memref<256x32xf32, #tpu.memory_space<vmem>> -> memref<1x32xf32, #tpu.memory_space<vmem>>
    %dma_wait3A_258 = arith.constant 0 : i32
    %dma_wait3A_259 = arith.constant 0 : i32
    %dma_wait3A_260 = tpu.memref_slice %arg3[%dma_wait3A_258, %dma_wait3A_259] : memref<100000x32xf32, #tpu.memory_space<hbm>> -> memref<1x32xf32, #tpu.memory_space<hbm>>
    tpu.wait_dma2 semaphore(%arg17 : memref<!tpu.dma_semaphore, #tpu.memory_space<semaphore_mem>>) src(%dma_wait3A_260 : memref<1x32xf32, #tpu.memory_space<hbm>>) dst(%dma_wait3A_257 : memref<1x32xf32, #tpu.memory_space<vmem>>)
    %dma_wait3A_261 = arith.constant 0 : i32
    %dma_wait3A_262 = arith.constant 0 : i32
    %dma_wait3A_263 = tpu.memref_slice %arg14[%dma_wait3A_261, %dma_wait3A_262] : memref<256x32xf32, #tpu.memory_space<vmem>> -> memref<1x32xf32, #tpu.memory_space<vmem>>
    %dma_wait3A_264 = arith.constant 0 : i32
    %dma_wait3A_265 = arith.constant 0 : i32
    %dma_wait3A_266 = tpu.memref_slice %arg2[%dma_wait3A_264, %dma_wait3A_265] : memref<1000000x32xf32, #tpu.memory_space<hbm>> -> memref<1x32xf32, #tpu.memory_space<hbm>>
    %dma_wait3A_267 = arith.constant 0 : i32
    %dma_wait3A_268 = arith.constant 0 : i32
    %dma_wait3A_269 = tpu.memref_slice %arg14[%dma_wait3A_267, %dma_wait3A_268] : memref<256x32xf32, #tpu.memory_space<vmem>> -> memref<1x32xf32, #tpu.memory_space<vmem>>
    %dma_wait3A_270 = arith.constant 0 : i32
    %dma_wait3A_271 = arith.constant 0 : i32
    %dma_wait3A_272 = tpu.memref_slice %arg2[%dma_wait3A_270, %dma_wait3A_271] : memref<1000000x32xf32, #tpu.memory_space<hbm>> -> memref<1x32xf32, #tpu.memory_space<hbm>>
    tpu.wait_dma2 semaphore(%arg16 : memref<!tpu.dma_semaphore, #tpu.memory_space<semaphore_mem>>) src(%dma_wait3A_272 : memref<1x32xf32, #tpu.memory_space<hbm>>) dst(%dma_wait3A_269 : memref<1x32xf32, #tpu.memory_space<vmem>>)
    %dma_wait3A_273 = arith.constant 0 : i32
    %dma_wait3A_274 = arith.constant 0 : i32
    %dma_wait3A_275 = tpu.memref_slice %arg15[%dma_wait3A_273, %dma_wait3A_274] : memref<256x32xf32, #tpu.memory_space<vmem>> -> memref<1x32xf32, #tpu.memory_space<vmem>>
    %dma_wait3A_276 = arith.constant 0 : i32
    %dma_wait3A_277 = arith.constant 0 : i32
    %dma_wait3A_278 = tpu.memref_slice %arg3[%dma_wait3A_276, %dma_wait3A_277] : memref<100000x32xf32, #tpu.memory_space<hbm>> -> memref<1x32xf32, #tpu.memory_space<hbm>>
    %dma_wait3A_279 = arith.constant 0 : i32
    %dma_wait3A_280 = arith.constant 0 : i32
    %dma_wait3A_281 = tpu.memref_slice %arg15[%dma_wait3A_279, %dma_wait3A_280] : memref<256x32xf32, #tpu.memory_space<vmem>> -> memref<1x32xf32, #tpu.memory_space<vmem>>
    %dma_wait3A_282 = arith.constant 0 : i32
    %dma_wait3A_283 = arith.constant 0 : i32
    %dma_wait3A_284 = tpu.memref_slice %arg3[%dma_wait3A_282, %dma_wait3A_283] : memref<100000x32xf32, #tpu.memory_space<hbm>> -> memref<1x32xf32, #tpu.memory_space<hbm>>
    tpu.wait_dma2 semaphore(%arg17 : memref<!tpu.dma_semaphore, #tpu.memory_space<semaphore_mem>>) src(%dma_wait3A_284 : memref<1x32xf32, #tpu.memory_space<hbm>>) dst(%dma_wait3A_281 : memref<1x32xf32, #tpu.memory_space<vmem>>)
    %dma_wait3A_285 = arith.constant 0 : i32
    %dma_wait3A_286 = arith.constant 0 : i32
    %dma_wait3A_287 = tpu.memref_slice %arg14[%dma_wait3A_285, %dma_wait3A_286] : memref<256x32xf32, #tpu.memory_space<vmem>> -> memref<1x32xf32, #tpu.memory_space<vmem>>
    %dma_wait3A_288 = arith.constant 0 : i32
    %dma_wait3A_289 = arith.constant 0 : i32
    %dma_wait3A_290 = tpu.memref_slice %arg2[%dma_wait3A_288, %dma_wait3A_289] : memref<1000000x32xf32, #tpu.memory_space<hbm>> -> memref<1x32xf32, #tpu.memory_space<hbm>>
    %dma_wait3A_291 = arith.constant 0 : i32
    %dma_wait3A_292 = arith.constant 0 : i32
    %dma_wait3A_293 = tpu.memref_slice %arg14[%dma_wait3A_291, %dma_wait3A_292] : memref<256x32xf32, #tpu.memory_space<vmem>> -> memref<1x32xf32, #tpu.memory_space<vmem>>
    %dma_wait3A_294 = arith.constant 0 : i32
    %dma_wait3A_295 = arith.constant 0 : i32
    %dma_wait3A_296 = tpu.memref_slice %arg2[%dma_wait3A_294, %dma_wait3A_295] : memref<1000000x32xf32, #tpu.memory_space<hbm>> -> memref<1x32xf32, #tpu.memory_space<hbm>>
    tpu.wait_dma2 semaphore(%arg16 : memref<!tpu.dma_semaphore, #tpu.memory_space<semaphore_mem>>) src(%dma_wait3A_296 : memref<1x32xf32, #tpu.memory_space<hbm>>) dst(%dma_wait3A_293 : memref<1x32xf32, #tpu.memory_space<vmem>>)
    %dma_wait3A_297 = arith.constant 0 : i32
    %dma_wait3A_298 = arith.constant 0 : i32
    %dma_wait3A_299 = tpu.memref_slice %arg15[%dma_wait3A_297, %dma_wait3A_298] : memref<256x32xf32, #tpu.memory_space<vmem>> -> memref<1x32xf32, #tpu.memory_space<vmem>>
    %dma_wait3A_300 = arith.constant 0 : i32
    %dma_wait3A_301 = arith.constant 0 : i32
    %dma_wait3A_302 = tpu.memref_slice %arg3[%dma_wait3A_300, %dma_wait3A_301] : memref<100000x32xf32, #tpu.memory_space<hbm>> -> memref<1x32xf32, #tpu.memory_space<hbm>>
    %dma_wait3A_303 = arith.constant 0 : i32
    %dma_wait3A_304 = arith.constant 0 : i32
    %dma_wait3A_305 = tpu.memref_slice %arg15[%dma_wait3A_303, %dma_wait3A_304] : memref<256x32xf32, #tpu.memory_space<vmem>> -> memref<1x32xf32, #tpu.memory_space<vmem>>
    %dma_wait3A_306 = arith.constant 0 : i32
    %dma_wait3A_307 = arith.constant 0 : i32
    %dma_wait3A_308 = tpu.memref_slice %arg3[%dma_wait3A_306, %dma_wait3A_307] : memref<100000x32xf32, #tpu.memory_space<hbm>> -> memref<1x32xf32, #tpu.memory_space<hbm>>
    tpu.wait_dma2 semaphore(%arg17 : memref<!tpu.dma_semaphore, #tpu.memory_space<semaphore_mem>>) src(%dma_wait3A_308 : memref<1x32xf32, #tpu.memory_space<hbm>>) dst(%dma_wait3A_305 : memref<1x32xf32, #tpu.memory_space<vmem>>)
    %dma_wait3A_309 = arith.constant 0 : i32
    %dma_wait3A_310 = arith.constant 0 : i32
    %dma_wait3A_311 = tpu.memref_slice %arg14[%dma_wait3A_309, %dma_wait3A_310] : memref<256x32xf32, #tpu.memory_space<vmem>> -> memref<1x32xf32, #tpu.memory_space<vmem>>
    %dma_wait3A_312 = arith.constant 0 : i32
    %dma_wait3A_313 = arith.constant 0 : i32
    %dma_wait3A_314 = tpu.memref_slice %arg2[%dma_wait3A_312, %dma_wait3A_313] : memref<1000000x32xf32, #tpu.memory_space<hbm>> -> memref<1x32xf32, #tpu.memory_space<hbm>>
    %dma_wait3A_315 = arith.constant 0 : i32
    %dma_wait3A_316 = arith.constant 0 : i32
    %dma_wait3A_317 = tpu.memref_slice %arg14[%dma_wait3A_315, %dma_wait3A_316] : memref<256x32xf32, #tpu.memory_space<vmem>> -> memref<1x32xf32, #tpu.memory_space<vmem>>
    %dma_wait3A_318 = arith.constant 0 : i32
    %dma_wait3A_319 = arith.constant 0 : i32
    %dma_wait3A_320 = tpu.memref_slice %arg2[%dma_wait3A_318, %dma_wait3A_319] : memref<1000000x32xf32, #tpu.memory_space<hbm>> -> memref<1x32xf32, #tpu.memory_space<hbm>>
    tpu.wait_dma2 semaphore(%arg16 : memref<!tpu.dma_semaphore, #tpu.memory_space<semaphore_mem>>) src(%dma_wait3A_320 : memref<1x32xf32, #tpu.memory_space<hbm>>) dst(%dma_wait3A_317 : memref<1x32xf32, #tpu.memory_space<vmem>>)
    %dma_wait3A_321 = arith.constant 0 : i32
    %dma_wait3A_322 = arith.constant 0 : i32
    %dma_wait3A_323 = tpu.memref_slice %arg15[%dma_wait3A_321, %dma_wait3A_322] : memref<256x32xf32, #tpu.memory_space<vmem>> -> memref<1x32xf32, #tpu.memory_space<vmem>>
    %dma_wait3A_324 = arith.constant 0 : i32
    %dma_wait3A_325 = arith.constant 0 : i32
    %dma_wait3A_326 = tpu.memref_slice %arg3[%dma_wait3A_324, %dma_wait3A_325] : memref<100000x32xf32, #tpu.memory_space<hbm>> -> memref<1x32xf32, #tpu.memory_space<hbm>>
    %dma_wait3A_327 = arith.constant 0 : i32
    %dma_wait3A_328 = arith.constant 0 : i32
    %dma_wait3A_329 = tpu.memref_slice %arg15[%dma_wait3A_327, %dma_wait3A_328] : memref<256x32xf32, #tpu.memory_space<vmem>> -> memref<1x32xf32, #tpu.memory_space<vmem>>
    %dma_wait3A_330 = arith.constant 0 : i32
    %dma_wait3A_331 = arith.constant 0 : i32
    %dma_wait3A_332 = tpu.memref_slice %arg3[%dma_wait3A_330, %dma_wait3A_331] : memref<100000x32xf32, #tpu.memory_space<hbm>> -> memref<1x32xf32, #tpu.memory_space<hbm>>
    tpu.wait_dma2 semaphore(%arg17 : memref<!tpu.dma_semaphore, #tpu.memory_space<semaphore_mem>>) src(%dma_wait3A_332 : memref<1x32xf32, #tpu.memory_space<hbm>>) dst(%dma_wait3A_329 : memref<1x32xf32, #tpu.memory_space<vmem>>)
    %dma_wait3A_333 = arith.constant 0 : i32
    %dma_wait3A_334 = arith.constant 0 : i32
    %dma_wait3A_335 = tpu.memref_slice %arg14[%dma_wait3A_333, %dma_wait3A_334] : memref<256x32xf32, #tpu.memory_space<vmem>> -> memref<1x32xf32, #tpu.memory_space<vmem>>
    %dma_wait3A_336 = arith.constant 0 : i32
    %dma_wait3A_337 = arith.constant 0 : i32
    %dma_wait3A_338 = tpu.memref_slice %arg2[%dma_wait3A_336, %dma_wait3A_337] : memref<1000000x32xf32, #tpu.memory_space<hbm>> -> memref<1x32xf32, #tpu.memory_space<hbm>>
    %dma_wait3A_339 = arith.constant 0 : i32
    %dma_wait3A_340 = arith.constant 0 : i32
    %dma_wait3A_341 = tpu.memref_slice %arg14[%dma_wait3A_339, %dma_wait3A_340] : memref<256x32xf32, #tpu.memory_space<vmem>> -> memref<1x32xf32, #tpu.memory_space<vmem>>
    %dma_wait3A_342 = arith.constant 0 : i32
    %dma_wait3A_343 = arith.constant 0 : i32
    %dma_wait3A_344 = tpu.memref_slice %arg2[%dma_wait3A_342, %dma_wait3A_343] : memref<1000000x32xf32, #tpu.memory_space<hbm>> -> memref<1x32xf32, #tpu.memory_space<hbm>>
    tpu.wait_dma2 semaphore(%arg16 : memref<!tpu.dma_semaphore, #tpu.memory_space<semaphore_mem>>) src(%dma_wait3A_344 : memref<1x32xf32, #tpu.memory_space<hbm>>) dst(%dma_wait3A_341 : memref<1x32xf32, #tpu.memory_space<vmem>>)
    %dma_wait3A_345 = arith.constant 0 : i32
    %dma_wait3A_346 = arith.constant 0 : i32
    %dma_wait3A_347 = tpu.memref_slice %arg15[%dma_wait3A_345, %dma_wait3A_346] : memref<256x32xf32, #tpu.memory_space<vmem>> -> memref<1x32xf32, #tpu.memory_space<vmem>>
    %dma_wait3A_348 = arith.constant 0 : i32
    %dma_wait3A_349 = arith.constant 0 : i32
    %dma_wait3A_350 = tpu.memref_slice %arg3[%dma_wait3A_348, %dma_wait3A_349] : memref<100000x32xf32, #tpu.memory_space<hbm>> -> memref<1x32xf32, #tpu.memory_space<hbm>>
    %dma_wait3A_351 = arith.constant 0 : i32
    %dma_wait3A_352 = arith.constant 0 : i32
    %dma_wait3A_353 = tpu.memref_slice %arg15[%dma_wait3A_351, %dma_wait3A_352] : memref<256x32xf32, #tpu.memory_space<vmem>> -> memref<1x32xf32, #tpu.memory_space<vmem>>
    %dma_wait3A_354 = arith.constant 0 : i32
    %dma_wait3A_355 = arith.constant 0 : i32
    %dma_wait3A_356 = tpu.memref_slice %arg3[%dma_wait3A_354, %dma_wait3A_355] : memref<100000x32xf32, #tpu.memory_space<hbm>> -> memref<1x32xf32, #tpu.memory_space<hbm>>
    tpu.wait_dma2 semaphore(%arg17 : memref<!tpu.dma_semaphore, #tpu.memory_space<semaphore_mem>>) src(%dma_wait3A_356 : memref<1x32xf32, #tpu.memory_space<hbm>>) dst(%dma_wait3A_353 : memref<1x32xf32, #tpu.memory_space<vmem>>)
    %dma_wait3A_357 = arith.constant 0 : i32
    %dma_wait3A_358 = arith.constant 0 : i32
    %dma_wait3A_359 = tpu.memref_slice %arg14[%dma_wait3A_357, %dma_wait3A_358] : memref<256x32xf32, #tpu.memory_space<vmem>> -> memref<1x32xf32, #tpu.memory_space<vmem>>
    %dma_wait3A_360 = arith.constant 0 : i32
    %dma_wait3A_361 = arith.constant 0 : i32
    %dma_wait3A_362 = tpu.memref_slice %arg2[%dma_wait3A_360, %dma_wait3A_361] : memref<1000000x32xf32, #tpu.memory_space<hbm>> -> memref<1x32xf32, #tpu.memory_space<hbm>>
    %dma_wait3A_363 = arith.constant 0 : i32
    %dma_wait3A_364 = arith.constant 0 : i32
    %dma_wait3A_365 = tpu.memref_slice %arg14[%dma_wait3A_363, %dma_wait3A_364] : memref<256x32xf32, #tpu.memory_space<vmem>> -> memref<1x32xf32, #tpu.memory_space<vmem>>
    %dma_wait3A_366 = arith.constant 0 : i32
    %dma_wait3A_367 = arith.constant 0 : i32
    %dma_wait3A_368 = tpu.memref_slice %arg2[%dma_wait3A_366, %dma_wait3A_367] : memref<1000000x32xf32, #tpu.memory_space<hbm>> -> memref<1x32xf32, #tpu.memory_space<hbm>>
    tpu.wait_dma2 semaphore(%arg16 : memref<!tpu.dma_semaphore, #tpu.memory_space<semaphore_mem>>) src(%dma_wait3A_368 : memref<1x32xf32, #tpu.memory_space<hbm>>) dst(%dma_wait3A_365 : memref<1x32xf32, #tpu.memory_space<vmem>>)
    %dma_wait3A_369 = arith.constant 0 : i32
    %dma_wait3A_370 = arith.constant 0 : i32
    %dma_wait3A_371 = tpu.memref_slice %arg15[%dma_wait3A_369, %dma_wait3A_370] : memref<256x32xf32, #tpu.memory_space<vmem>> -> memref<1x32xf32, #tpu.memory_space<vmem>>
    %dma_wait3A_372 = arith.constant 0 : i32
    %dma_wait3A_373 = arith.constant 0 : i32
    %dma_wait3A_374 = tpu.memref_slice %arg3[%dma_wait3A_372, %dma_wait3A_373] : memref<100000x32xf32, #tpu.memory_space<hbm>> -> memref<1x32xf32, #tpu.memory_space<hbm>>
    %dma_wait3A_375 = arith.constant 0 : i32
    %dma_wait3A_376 = arith.constant 0 : i32
    %dma_wait3A_377 = tpu.memref_slice %arg15[%dma_wait3A_375, %dma_wait3A_376] : memref<256x32xf32, #tpu.memory_space<vmem>> -> memref<1x32xf32, #tpu.memory_space<vmem>>
    %dma_wait3A_378 = arith.constant 0 : i32
    %dma_wait3A_379 = arith.constant 0 : i32
    %dma_wait3A_380 = tpu.memref_slice %arg3[%dma_wait3A_378, %dma_wait3A_379] : memref<100000x32xf32, #tpu.memory_space<hbm>> -> memref<1x32xf32, #tpu.memory_space<hbm>>
    tpu.wait_dma2 semaphore(%arg17 : memref<!tpu.dma_semaphore, #tpu.memory_space<semaphore_mem>>) src(%dma_wait3A_380 : memref<1x32xf32, #tpu.memory_space<hbm>>) dst(%dma_wait3A_377 : memref<1x32xf32, #tpu.memory_space<vmem>>)
    %dma_wait3A_381 = arith.constant 0 : i32
    %dma_wait3A_382 = arith.constant 0 : i32
    %dma_wait3A_383 = tpu.memref_slice %arg14[%dma_wait3A_381, %dma_wait3A_382] : memref<256x32xf32, #tpu.memory_space<vmem>> -> memref<1x32xf32, #tpu.memory_space<vmem>>
    %dma_wait3A_384 = arith.constant 0 : i32
    %dma_wait3A_385 = arith.constant 0 : i32
    %dma_wait3A_386 = tpu.memref_slice %arg2[%dma_wait3A_384, %dma_wait3A_385] : memref<1000000x32xf32, #tpu.memory_space<hbm>> -> memref<1x32xf32, #tpu.memory_space<hbm>>
    %dma_wait3A_387 = arith.constant 0 : i32
    %dma_wait3A_388 = arith.constant 0 : i32
    %dma_wait3A_389 = tpu.memref_slice %arg14[%dma_wait3A_387, %dma_wait3A_388] : memref<256x32xf32, #tpu.memory_space<vmem>> -> memref<1x32xf32, #tpu.memory_space<vmem>>
    %dma_wait3A_390 = arith.constant 0 : i32
    %dma_wait3A_391 = arith.constant 0 : i32
    %dma_wait3A_392 = tpu.memref_slice %arg2[%dma_wait3A_390, %dma_wait3A_391] : memref<1000000x32xf32, #tpu.memory_space<hbm>> -> memref<1x32xf32, #tpu.memory_space<hbm>>
    tpu.wait_dma2 semaphore(%arg16 : memref<!tpu.dma_semaphore, #tpu.memory_space<semaphore_mem>>) src(%dma_wait3A_392 : memref<1x32xf32, #tpu.memory_space<hbm>>) dst(%dma_wait3A_389 : memref<1x32xf32, #tpu.memory_space<vmem>>)
    %dma_wait3A_393 = arith.constant 0 : i32
    %dma_wait3A_394 = arith.constant 0 : i32
    %dma_wait3A_395 = tpu.memref_slice %arg15[%dma_wait3A_393, %dma_wait3A_394] : memref<256x32xf32, #tpu.memory_space<vmem>> -> memref<1x32xf32, #tpu.memory_space<vmem>>
    %dma_wait3A_396 = arith.constant 0 : i32
    %dma_wait3A_397 = arith.constant 0 : i32
    %dma_wait3A_398 = tpu.memref_slice %arg3[%dma_wait3A_396, %dma_wait3A_397] : memref<100000x32xf32, #tpu.memory_space<hbm>> -> memref<1x32xf32, #tpu.memory_space<hbm>>
    %dma_wait3A_399 = arith.constant 0 : i32
    %dma_wait3A_400 = arith.constant 0 : i32
    %dma_wait3A_401 = tpu.memref_slice %arg15[%dma_wait3A_399, %dma_wait3A_400] : memref<256x32xf32, #tpu.memory_space<vmem>> -> memref<1x32xf32, #tpu.memory_space<vmem>>
    %dma_wait3A_402 = arith.constant 0 : i32
    %dma_wait3A_403 = arith.constant 0 : i32
    %dma_wait3A_404 = tpu.memref_slice %arg3[%dma_wait3A_402, %dma_wait3A_403] : memref<100000x32xf32, #tpu.memory_space<hbm>> -> memref<1x32xf32, #tpu.memory_space<hbm>>
    tpu.wait_dma2 semaphore(%arg17 : memref<!tpu.dma_semaphore, #tpu.memory_space<semaphore_mem>>) src(%dma_wait3A_404 : memref<1x32xf32, #tpu.memory_space<hbm>>) dst(%dma_wait3A_401 : memref<1x32xf32, #tpu.memory_space<vmem>>)
    %add3A_405 = arith.constant 0 : i32
    %add3A_406 = arith.addi %mul3A_2, %add3A_405 : i32
    "tpu.region"() ({
      %run_scoped3A = tpu.sem_alloc : memref<!tpu.dma_semaphore, #tpu.memory_space<semaphore_mem>>
      %dma_start3A_819 = arith.constant 0 : i32
      %dma_start3A_820 = tpu.memref_slice %arg6[%add3A_406, %dma_start3A_819] : memref<16384x32xf32, #tpu.memory_space<hbm>> -> memref<256x32xf32, #tpu.memory_space<hbm>>
      %dma_start3A_821 = arith.constant 0 : i32
      %dma_start3A_822 = tpu.memref_slice %arg6[%add3A_406, %dma_start3A_821] : memref<16384x32xf32, #tpu.memory_space<hbm>> -> memref<256x32xf32, #tpu.memory_space<hbm>>
      tpu.enqueue_dma source(%arg14 : memref<256x32xf32, #tpu.memory_space<vmem>>) target(%dma_start3A_822 : memref<256x32xf32, #tpu.memory_space<hbm>>) target_semaphore(%run_scoped3A : memref<!tpu.dma_semaphore, #tpu.memory_space<semaphore_mem>>)
      %dma_wait3A_823 = arith.constant 0 : i32
      %dma_wait3A_824 = tpu.memref_slice %arg6[%add3A_406, %dma_wait3A_823] : memref<16384x32xf32, #tpu.memory_space<hbm>> -> memref<256x32xf32, #tpu.memory_space<hbm>>
      %dma_wait3A_825 = arith.constant 0 : i32
      %dma_wait3A_826 = tpu.memref_slice %arg6[%add3A_406, %dma_wait3A_825] : memref<16384x32xf32, #tpu.memory_space<hbm>> -> memref<256x32xf32, #tpu.memory_space<hbm>>
      tpu.wait_dma2 semaphore(%run_scoped3A : memref<!tpu.dma_semaphore, #tpu.memory_space<semaphore_mem>>) src(%arg14 : memref<256x32xf32, #tpu.memory_space<vmem>>) dst(%dma_wait3A_826 : memref<256x32xf32, #tpu.memory_space<hbm>>)
      tpu.yield
    }) : () -> ()
    %add3A_407 = arith.constant 0 : i32
    %add3A_408 = arith.addi %mul3A_2, %add3A_407 : i32
    "tpu.region"() ({
      %run_scoped3A = tpu.sem_alloc : memref<!tpu.dma_semaphore, #tpu.memory_space<semaphore_mem>>
      %dma_start3A_819 = arith.constant 0 : i32
      %dma_start3A_820 = tpu.memref_slice %arg7[%add3A_408, %dma_start3A_819] : memref<16384x32xf32, #tpu.memory_space<hbm>> -> memref<256x32xf32, #tpu.memory_space<hbm>>
      %dma_start3A_821 = arith.constant 0 : i32
      %dma_start3A_822 = tpu.memref_slice %arg7[%add3A_408, %dma_start3A_821] : memref<16384x32xf32, #tpu.memory_space<hbm>> -> memref<256x32xf32, #tpu.memory_space<hbm>>
      tpu.enqueue_dma source(%arg15 : memref<256x32xf32, #tpu.memory_space<vmem>>) target(%dma_start3A_822 : memref<256x32xf32, #tpu.memory_space<hbm>>) target_semaphore(%run_scoped3A : memref<!tpu.dma_semaphore, #tpu.memory_space<semaphore_mem>>)
      %dma_wait3A_823 = arith.constant 0 : i32
      %dma_wait3A_824 = tpu.memref_slice %arg7[%add3A_408, %dma_wait3A_823] : memref<16384x32xf32, #tpu.memory_space<hbm>> -> memref<256x32xf32, #tpu.memory_space<hbm>>
      %dma_wait3A_825 = arith.constant 0 : i32
      %dma_wait3A_826 = tpu.memref_slice %arg7[%add3A_408, %dma_wait3A_825] : memref<16384x32xf32, #tpu.memory_space<hbm>> -> memref<256x32xf32, #tpu.memory_space<hbm>>
      tpu.wait_dma2 semaphore(%run_scoped3A : memref<!tpu.dma_semaphore, #tpu.memory_space<semaphore_mem>>) src(%arg15 : memref<256x32xf32, #tpu.memory_space<vmem>>) dst(%dma_wait3A_826 : memref<256x32xf32, #tpu.memory_space<hbm>>)
      tpu.yield
    }) : () -> ()
    %get3A_409 = arith.constant 256 : i32
    %get3A_410 = arith.index_cast %get3A_409 : i32 to index
    %get3A_411 = memref.load %arg12[%get3A_410] : memref<512xi32, #tpu.memory_space<smem>>
    %dma_start3A_412 = arith.constant 0 : i32
    %dma_start3A_413 = arith.constant 0 : i32
    %dma_start3A_414 = tpu.memref_slice %arg14[%dma_start3A_412, %dma_start3A_413] : memref<256x32xf32, #tpu.memory_space<vmem>> -> memref<1x32xf32, #tpu.memory_space<vmem>>
    %dma_start3A_415 = arith.constant 0 : i32
    %dma_start3A_416 = tpu.memref_slice %arg2[%get3A_411, %dma_start3A_415] : memref<1000000x32xf32, #tpu.memory_space<hbm>> -> memref<1x32xf32, #tpu.memory_space<hbm>>
    %dma_start3A_417 = arith.constant 0 : i32
    %dma_start3A_418 = arith.constant 0 : i32
    %dma_start3A_419 = tpu.memref_slice %arg14[%dma_start3A_417, %dma_start3A_418] : memref<256x32xf32, #tpu.memory_space<vmem>> -> memref<1x32xf32, #tpu.memory_space<vmem>>
    %dma_start3A_420 = arith.constant 0 : i32
    %dma_start3A_421 = tpu.memref_slice %arg2[%get3A_411, %dma_start3A_420] : memref<1000000x32xf32, #tpu.memory_space<hbm>> -> memref<1x32xf32, #tpu.memory_space<hbm>>
    tpu.enqueue_dma source(%dma_start3A_421 : memref<1x32xf32, #tpu.memory_space<hbm>>) target(%dma_start3A_419 : memref<1x32xf32, #tpu.memory_space<vmem>>) target_semaphore(%arg16 : memref<!tpu.dma_semaphore, #tpu.memory_space<semaphore_mem>>)
    %get3A_422 = arith.constant 256 : i32
    %get3A_423 = arith.index_cast %get3A_422 : i32 to index
    %get3A_424 = memref.load %arg13[%get3A_423] : memref<512xi32, #tpu.memory_space<smem>>
    %dma_start3A_425 = arith.constant 0 : i32
    %dma_start3A_426 = arith.constant 0 : i32
    %dma_start3A_427 = tpu.memref_slice %arg15[%dma_start3A_425, %dma_start3A_426] : memref<256x32xf32, #tpu.memory_space<vmem>> -> memref<1x32xf32, #tpu.memory_space<vmem>>
    %dma_start3A_428 = arith.constant 0 : i32
    %dma_start3A_429 = tpu.memref_slice %arg3[%get3A_424, %dma_start3A_428] : memref<100000x32xf32, #tpu.memory_space<hbm>> -> memref<1x32xf32, #tpu.memory_space<hbm>>
    %dma_start3A_430 = arith.constant 0 : i32
    %dma_start3A_431 = arith.constant 0 : i32
    %dma_start3A_432 = tpu.memref_slice %arg15[%dma_start3A_430, %dma_start3A_431] : memref<256x32xf32, #tpu.memory_space<vmem>> -> memref<1x32xf32, #tpu.memory_space<vmem>>
    %dma_start3A_433 = arith.constant 0 : i32
    %dma_start3A_434 = tpu.memref_slice %arg3[%get3A_424, %dma_start3A_433] : memref<100000x32xf32, #tpu.memory_space<hbm>> -> memref<1x32xf32, #tpu.memory_space<hbm>>
    tpu.enqueue_dma source(%dma_start3A_434 : memref<1x32xf32, #tpu.memory_space<hbm>>) target(%dma_start3A_432 : memref<1x32xf32, #tpu.memory_space<vmem>>) target_semaphore(%arg17 : memref<!tpu.dma_semaphore, #tpu.memory_space<semaphore_mem>>)
    %get3A_435 = arith.constant 257 : i32
    %get3A_436 = arith.index_cast %get3A_435 : i32 to index
    %get3A_437 = memref.load %arg12[%get3A_436] : memref<512xi32, #tpu.memory_space<smem>>
    %dma_start3A_438 = arith.constant 1 : i32
    %dma_start3A_439 = arith.constant 0 : i32
    %dma_start3A_440 = tpu.memref_slice %arg14[%dma_start3A_438, %dma_start3A_439] : memref<256x32xf32, #tpu.memory_space<vmem>> -> memref<1x32xf32, #tpu.memory_space<vmem>>
    %dma_start3A_441 = arith.constant 0 : i32
    %dma_start3A_442 = tpu.memref_slice %arg2[%get3A_437, %dma_start3A_441] : memref<1000000x32xf32, #tpu.memory_space<hbm>> -> memref<1x32xf32, #tpu.memory_space<hbm>>
    %dma_start3A_443 = arith.constant 1 : i32
    %dma_start3A_444 = arith.constant 0 : i32
    %dma_start3A_445 = tpu.memref_slice %arg14[%dma_start3A_443, %dma_start3A_444] : memref<256x32xf32, #tpu.memory_space<vmem>> -> memref<1x32xf32, #tpu.memory_space<vmem>>
    %dma_start3A_446 = arith.constant 0 : i32
    %dma_start3A_447 = tpu.memref_slice %arg2[%get3A_437, %dma_start3A_446] : memref<1000000x32xf32, #tpu.memory_space<hbm>> -> memref<1x32xf32, #tpu.memory_space<hbm>>
    tpu.enqueue_dma source(%dma_start3A_447 : memref<1x32xf32, #tpu.memory_space<hbm>>) target(%dma_start3A_445 : memref<1x32xf32, #tpu.memory_space<vmem>>) target_semaphore(%arg16 : memref<!tpu.dma_semaphore, #tpu.memory_space<semaphore_mem>>)
    %get3A_448 = arith.constant 257 : i32
    %get3A_449 = arith.index_cast %get3A_448 : i32 to index
    %get3A_450 = memref.load %arg13[%get3A_449] : memref<512xi32, #tpu.memory_space<smem>>
    %dma_start3A_451 = arith.constant 1 : i32
    %dma_start3A_452 = arith.constant 0 : i32
    %dma_start3A_453 = tpu.memref_slice %arg15[%dma_start3A_451, %dma_start3A_452] : memref<256x32xf32, #tpu.memory_space<vmem>> -> memref<1x32xf32, #tpu.memory_space<vmem>>
    %dma_start3A_454 = arith.constant 0 : i32
    %dma_start3A_455 = tpu.memref_slice %arg3[%get3A_450, %dma_start3A_454] : memref<100000x32xf32, #tpu.memory_space<hbm>> -> memref<1x32xf32, #tpu.memory_space<hbm>>
    %dma_start3A_456 = arith.constant 1 : i32
    %dma_start3A_457 = arith.constant 0 : i32
    %dma_start3A_458 = tpu.memref_slice %arg15[%dma_start3A_456, %dma_start3A_457] : memref<256x32xf32, #tpu.memory_space<vmem>> -> memref<1x32xf32, #tpu.memory_space<vmem>>
    %dma_start3A_459 = arith.constant 0 : i32
    %dma_start3A_460 = tpu.memref_slice %arg3[%get3A_450, %dma_start3A_459] : memref<100000x32xf32, #tpu.memory_space<hbm>> -> memref<1x32xf32, #tpu.memory_space<hbm>>
    tpu.enqueue_dma source(%dma_start3A_460 : memref<1x32xf32, #tpu.memory_space<hbm>>) target(%dma_start3A_458 : memref<1x32xf32, #tpu.memory_space<vmem>>) target_semaphore(%arg17 : memref<!tpu.dma_semaphore, #tpu.memory_space<semaphore_mem>>)
    %get3A_461 = arith.constant 258 : i32
    %get3A_462 = arith.index_cast %get3A_461 : i32 to index
    %get3A_463 = memref.load %arg12[%get3A_462] : memref<512xi32, #tpu.memory_space<smem>>
    %dma_start3A_464 = arith.constant 2 : i32
    %dma_start3A_465 = arith.constant 0 : i32
    %dma_start3A_466 = tpu.memref_slice %arg14[%dma_start3A_464, %dma_start3A_465] : memref<256x32xf32, #tpu.memory_space<vmem>> -> memref<1x32xf32, #tpu.memory_space<vmem>>
    %dma_start3A_467 = arith.constant 0 : i32
    %dma_start3A_468 = tpu.memref_slice %arg2[%get3A_463, %dma_start3A_467] : memref<1000000x32xf32, #tpu.memory_space<hbm>> -> memref<1x32xf32, #tpu.memory_space<hbm>>
    %dma_start3A_469 = arith.constant 2 : i32
    %dma_start3A_470 = arith.constant 0 : i32
    %dma_start3A_471 = tpu.memref_slice %arg14[%dma_start3A_469, %dma_start3A_470] : memref<256x32xf32, #tpu.memory_space<vmem>> -> memref<1x32xf32, #tpu.memory_space<vmem>>
    %dma_start3A_472 = arith.constant 0 : i32
    %dma_start3A_473 = tpu.memref_slice %arg2[%get3A_463, %dma_start3A_472] : memref<1000000x32xf32, #tpu.memory_space<hbm>> -> memref<1x32xf32, #tpu.memory_space<hbm>>
    tpu.enqueue_dma source(%dma_start3A_473 : memref<1x32xf32, #tpu.memory_space<hbm>>) target(%dma_start3A_471 : memref<1x32xf32, #tpu.memory_space<vmem>>) target_semaphore(%arg16 : memref<!tpu.dma_semaphore, #tpu.memory_space<semaphore_mem>>)
    %get3A_474 = arith.constant 258 : i32
    %get3A_475 = arith.index_cast %get3A_474 : i32 to index
    %get3A_476 = memref.load %arg13[%get3A_475] : memref<512xi32, #tpu.memory_space<smem>>
    %dma_start3A_477 = arith.constant 2 : i32
    %dma_start3A_478 = arith.constant 0 : i32
    %dma_start3A_479 = tpu.memref_slice %arg15[%dma_start3A_477, %dma_start3A_478] : memref<256x32xf32, #tpu.memory_space<vmem>> -> memref<1x32xf32, #tpu.memory_space<vmem>>
    %dma_start3A_480 = arith.constant 0 : i32
    %dma_start3A_481 = tpu.memref_slice %arg3[%get3A_476, %dma_start3A_480] : memref<100000x32xf32, #tpu.memory_space<hbm>> -> memref<1x32xf32, #tpu.memory_space<hbm>>
    %dma_start3A_482 = arith.constant 2 : i32
    %dma_start3A_483 = arith.constant 0 : i32
    %dma_start3A_484 = tpu.memref_slice %arg15[%dma_start3A_482, %dma_start3A_483] : memref<256x32xf32, #tpu.memory_space<vmem>> -> memref<1x32xf32, #tpu.memory_space<vmem>>
    %dma_start3A_485 = arith.constant 0 : i32
    %dma_start3A_486 = tpu.memref_slice %arg3[%get3A_476, %dma_start3A_485] : memref<100000x32xf32, #tpu.memory_space<hbm>> -> memref<1x32xf32, #tpu.memory_space<hbm>>
    tpu.enqueue_dma source(%dma_start3A_486 : memref<1x32xf32, #tpu.memory_space<hbm>>) target(%dma_start3A_484 : memref<1x32xf32, #tpu.memory_space<vmem>>) target_semaphore(%arg17 : memref<!tpu.dma_semaphore, #tpu.memory_space<semaphore_mem>>)
    %get3A_487 = arith.constant 259 : i32
    %get3A_488 = arith.index_cast %get3A_487 : i32 to index
    %get3A_489 = memref.load %arg12[%get3A_488] : memref<512xi32, #tpu.memory_space<smem>>
    %dma_start3A_490 = arith.constant 3 : i32
    %dma_start3A_491 = arith.constant 0 : i32
    %dma_start3A_492 = tpu.memref_slice %arg14[%dma_start3A_490, %dma_start3A_491] : memref<256x32xf32, #tpu.memory_space<vmem>> -> memref<1x32xf32, #tpu.memory_space<vmem>>
    %dma_start3A_493 = arith.constant 0 : i32
    %dma_start3A_494 = tpu.memref_slice %arg2[%get3A_489, %dma_start3A_493] : memref<1000000x32xf32, #tpu.memory_space<hbm>> -> memref<1x32xf32, #tpu.memory_space<hbm>>
    %dma_start3A_495 = arith.constant 3 : i32
    %dma_start3A_496 = arith.constant 0 : i32
    %dma_start3A_497 = tpu.memref_slice %arg14[%dma_start3A_495, %dma_start3A_496] : memref<256x32xf32, #tpu.memory_space<vmem>> -> memref<1x32xf32, #tpu.memory_space<vmem>>
    %dma_start3A_498 = arith.constant 0 : i32
    %dma_start3A_499 = tpu.memref_slice %arg2[%get3A_489, %dma_start3A_498] : memref<1000000x32xf32, #tpu.memory_space<hbm>> -> memref<1x32xf32, #tpu.memory_space<hbm>>
    tpu.enqueue_dma source(%dma_start3A_499 : memref<1x32xf32, #tpu.memory_space<hbm>>) target(%dma_start3A_497 : memref<1x32xf32, #tpu.memory_space<vmem>>) target_semaphore(%arg16 : memref<!tpu.dma_semaphore, #tpu.memory_space<semaphore_mem>>)
    %get3A_500 = arith.constant 259 : i32
    %get3A_501 = arith.index_cast %get3A_500 : i32 to index
    %get3A_502 = memref.load %arg13[%get3A_501] : memref<512xi32, #tpu.memory_space<smem>>
    %dma_start3A_503 = arith.constant 3 : i32
    %dma_start3A_504 = arith.constant 0 : i32
    %dma_start3A_505 = tpu.memref_slice %arg15[%dma_start3A_503, %dma_start3A_504] : memref<256x32xf32, #tpu.memory_space<vmem>> -> memref<1x32xf32, #tpu.memory_space<vmem>>
    %dma_start3A_506 = arith.constant 0 : i32
    %dma_start3A_507 = tpu.memref_slice %arg3[%get3A_502, %dma_start3A_506] : memref<100000x32xf32, #tpu.memory_space<hbm>> -> memref<1x32xf32, #tpu.memory_space<hbm>>
    %dma_start3A_508 = arith.constant 3 : i32
    %dma_start3A_509 = arith.constant 0 : i32
    %dma_start3A_510 = tpu.memref_slice %arg15[%dma_start3A_508, %dma_start3A_509] : memref<256x32xf32, #tpu.memory_space<vmem>> -> memref<1x32xf32, #tpu.memory_space<vmem>>
    %dma_start3A_511 = arith.constant 0 : i32
    %dma_start3A_512 = tpu.memref_slice %arg3[%get3A_502, %dma_start3A_511] : memref<100000x32xf32, #tpu.memory_space<hbm>> -> memref<1x32xf32, #tpu.memory_space<hbm>>
    tpu.enqueue_dma source(%dma_start3A_512 : memref<1x32xf32, #tpu.memory_space<hbm>>) target(%dma_start3A_510 : memref<1x32xf32, #tpu.memory_space<vmem>>) target_semaphore(%arg17 : memref<!tpu.dma_semaphore, #tpu.memory_space<semaphore_mem>>)
    %get3A_513 = arith.constant 260 : i32
    %get3A_514 = arith.index_cast %get3A_513 : i32 to index
    %get3A_515 = memref.load %arg12[%get3A_514] : memref<512xi32, #tpu.memory_space<smem>>
    %dma_start3A_516 = arith.constant 4 : i32
    %dma_start3A_517 = arith.constant 0 : i32
    %dma_start3A_518 = tpu.memref_slice %arg14[%dma_start3A_516, %dma_start3A_517] : memref<256x32xf32, #tpu.memory_space<vmem>> -> memref<1x32xf32, #tpu.memory_space<vmem>>
    %dma_start3A_519 = arith.constant 0 : i32
    %dma_start3A_520 = tpu.memref_slice %arg2[%get3A_515, %dma_start3A_519] : memref<1000000x32xf32, #tpu.memory_space<hbm>> -> memref<1x32xf32, #tpu.memory_space<hbm>>
    %dma_start3A_521 = arith.constant 4 : i32
    %dma_start3A_522 = arith.constant 0 : i32
    %dma_start3A_523 = tpu.memref_slice %arg14[%dma_start3A_521, %dma_start3A_522] : memref<256x32xf32, #tpu.memory_space<vmem>> -> memref<1x32xf32, #tpu.memory_space<vmem>>
    %dma_start3A_524 = arith.constant 0 : i32
    %dma_start3A_525 = tpu.memref_slice %arg2[%get3A_515, %dma_start3A_524] : memref<1000000x32xf32, #tpu.memory_space<hbm>> -> memref<1x32xf32, #tpu.memory_space<hbm>>
    tpu.enqueue_dma source(%dma_start3A_525 : memref<1x32xf32, #tpu.memory_space<hbm>>) target(%dma_start3A_523 : memref<1x32xf32, #tpu.memory_space<vmem>>) target_semaphore(%arg16 : memref<!tpu.dma_semaphore, #tpu.memory_space<semaphore_mem>>)
    %get3A_526 = arith.constant 260 : i32
    %get3A_527 = arith.index_cast %get3A_526 : i32 to index
    %get3A_528 = memref.load %arg13[%get3A_527] : memref<512xi32, #tpu.memory_space<smem>>
    %dma_start3A_529 = arith.constant 4 : i32
    %dma_start3A_530 = arith.constant 0 : i32
    %dma_start3A_531 = tpu.memref_slice %arg15[%dma_start3A_529, %dma_start3A_530] : memref<256x32xf32, #tpu.memory_space<vmem>> -> memref<1x32xf32, #tpu.memory_space<vmem>>
    %dma_start3A_532 = arith.constant 0 : i32
    %dma_start3A_533 = tpu.memref_slice %arg3[%get3A_528, %dma_start3A_532] : memref<100000x32xf32, #tpu.memory_space<hbm>> -> memref<1x32xf32, #tpu.memory_space<hbm>>
    %dma_start3A_534 = arith.constant 4 : i32
    %dma_start3A_535 = arith.constant 0 : i32
    %dma_start3A_536 = tpu.memref_slice %arg15[%dma_start3A_534, %dma_start3A_535] : memref<256x32xf32, #tpu.memory_space<vmem>> -> memref<1x32xf32, #tpu.memory_space<vmem>>
    %dma_start3A_537 = arith.constant 0 : i32
    %dma_start3A_538 = tpu.memref_slice %arg3[%get3A_528, %dma_start3A_537] : memref<100000x32xf32, #tpu.memory_space<hbm>> -> memref<1x32xf32, #tpu.memory_space<hbm>>
    tpu.enqueue_dma source(%dma_start3A_538 : memref<1x32xf32, #tpu.memory_space<hbm>>) target(%dma_start3A_536 : memref<1x32xf32, #tpu.memory_space<vmem>>) target_semaphore(%arg17 : memref<!tpu.dma_semaphore, #tpu.memory_space<semaphore_mem>>)
    %get3A_539 = arith.constant 261 : i32
    %get3A_540 = arith.index_cast %get3A_539 : i32 to index
    %get3A_541 = memref.load %arg12[%get3A_540] : memref<512xi32, #tpu.memory_space<smem>>
    %dma_start3A_542 = arith.constant 5 : i32
    %dma_start3A_543 = arith.constant 0 : i32
    %dma_start3A_544 = tpu.memref_slice %arg14[%dma_start3A_542, %dma_start3A_543] : memref<256x32xf32, #tpu.memory_space<vmem>> -> memref<1x32xf32, #tpu.memory_space<vmem>>
    %dma_start3A_545 = arith.constant 0 : i32
    %dma_start3A_546 = tpu.memref_slice %arg2[%get3A_541, %dma_start3A_545] : memref<1000000x32xf32, #tpu.memory_space<hbm>> -> memref<1x32xf32, #tpu.memory_space<hbm>>
    %dma_start3A_547 = arith.constant 5 : i32
    %dma_start3A_548 = arith.constant 0 : i32
    %dma_start3A_549 = tpu.memref_slice %arg14[%dma_start3A_547, %dma_start3A_548] : memref<256x32xf32, #tpu.memory_space<vmem>> -> memref<1x32xf32, #tpu.memory_space<vmem>>
    %dma_start3A_550 = arith.constant 0 : i32
    %dma_start3A_551 = tpu.memref_slice %arg2[%get3A_541, %dma_start3A_550] : memref<1000000x32xf32, #tpu.memory_space<hbm>> -> memref<1x32xf32, #tpu.memory_space<hbm>>
    tpu.enqueue_dma source(%dma_start3A_551 : memref<1x32xf32, #tpu.memory_space<hbm>>) target(%dma_start3A_549 : memref<1x32xf32, #tpu.memory_space<vmem>>) target_semaphore(%arg16 : memref<!tpu.dma_semaphore, #tpu.memory_space<semaphore_mem>>)
    %get3A_552 = arith.constant 261 : i32
    %get3A_553 = arith.index_cast %get3A_552 : i32 to index
    %get3A_554 = memref.load %arg13[%get3A_553] : memref<512xi32, #tpu.memory_space<smem>>
    %dma_start3A_555 = arith.constant 5 : i32
    %dma_start3A_556 = arith.constant 0 : i32
    %dma_start3A_557 = tpu.memref_slice %arg15[%dma_start3A_555, %dma_start3A_556] : memref<256x32xf32, #tpu.memory_space<vmem>> -> memref<1x32xf32, #tpu.memory_space<vmem>>
    %dma_start3A_558 = arith.constant 0 : i32
    %dma_start3A_559 = tpu.memref_slice %arg3[%get3A_554, %dma_start3A_558] : memref<100000x32xf32, #tpu.memory_space<hbm>> -> memref<1x32xf32, #tpu.memory_space<hbm>>
    %dma_start3A_560 = arith.constant 5 : i32
    %dma_start3A_561 = arith.constant 0 : i32
    %dma_start3A_562 = tpu.memref_slice %arg15[%dma_start3A_560, %dma_start3A_561] : memref<256x32xf32, #tpu.memory_space<vmem>> -> memref<1x32xf32, #tpu.memory_space<vmem>>
    %dma_start3A_563 = arith.constant 0 : i32
    %dma_start3A_564 = tpu.memref_slice %arg3[%get3A_554, %dma_start3A_563] : memref<100000x32xf32, #tpu.memory_space<hbm>> -> memref<1x32xf32, #tpu.memory_space<hbm>>
    tpu.enqueue_dma source(%dma_start3A_564 : memref<1x32xf32, #tpu.memory_space<hbm>>) target(%dma_start3A_562 : memref<1x32xf32, #tpu.memory_space<vmem>>) target_semaphore(%arg17 : memref<!tpu.dma_semaphore, #tpu.memory_space<semaphore_mem>>)
    %get3A_565 = arith.constant 262 : i32
    %get3A_566 = arith.index_cast %get3A_565 : i32 to index
    %get3A_567 = memref.load %arg12[%get3A_566] : memref<512xi32, #tpu.memory_space<smem>>
    %dma_start3A_568 = arith.constant 6 : i32
    %dma_start3A_569 = arith.constant 0 : i32
    %dma_start3A_570 = tpu.memref_slice %arg14[%dma_start3A_568, %dma_start3A_569] : memref<256x32xf32, #tpu.memory_space<vmem>> -> memref<1x32xf32, #tpu.memory_space<vmem>>
    %dma_start3A_571 = arith.constant 0 : i32
    %dma_start3A_572 = tpu.memref_slice %arg2[%get3A_567, %dma_start3A_571] : memref<1000000x32xf32, #tpu.memory_space<hbm>> -> memref<1x32xf32, #tpu.memory_space<hbm>>
    %dma_start3A_573 = arith.constant 6 : i32
    %dma_start3A_574 = arith.constant 0 : i32
    %dma_start3A_575 = tpu.memref_slice %arg14[%dma_start3A_573, %dma_start3A_574] : memref<256x32xf32, #tpu.memory_space<vmem>> -> memref<1x32xf32, #tpu.memory_space<vmem>>
    %dma_start3A_576 = arith.constant 0 : i32
    %dma_start3A_577 = tpu.memref_slice %arg2[%get3A_567, %dma_start3A_576] : memref<1000000x32xf32, #tpu.memory_space<hbm>> -> memref<1x32xf32, #tpu.memory_space<hbm>>
    tpu.enqueue_dma source(%dma_start3A_577 : memref<1x32xf32, #tpu.memory_space<hbm>>) target(%dma_start3A_575 : memref<1x32xf32, #tpu.memory_space<vmem>>) target_semaphore(%arg16 : memref<!tpu.dma_semaphore, #tpu.memory_space<semaphore_mem>>)
    %get3A_578 = arith.constant 262 : i32
    %get3A_579 = arith.index_cast %get3A_578 : i32 to index
    %get3A_580 = memref.load %arg13[%get3A_579] : memref<512xi32, #tpu.memory_space<smem>>
    %dma_start3A_581 = arith.constant 6 : i32
    %dma_start3A_582 = arith.constant 0 : i32
    %dma_start3A_583 = tpu.memref_slice %arg15[%dma_start3A_581, %dma_start3A_582] : memref<256x32xf32, #tpu.memory_space<vmem>> -> memref<1x32xf32, #tpu.memory_space<vmem>>
    %dma_start3A_584 = arith.constant 0 : i32
    %dma_start3A_585 = tpu.memref_slice %arg3[%get3A_580, %dma_start3A_584] : memref<100000x32xf32, #tpu.memory_space<hbm>> -> memref<1x32xf32, #tpu.memory_space<hbm>>
    %dma_start3A_586 = arith.constant 6 : i32
    %dma_start3A_587 = arith.constant 0 : i32
    %dma_start3A_588 = tpu.memref_slice %arg15[%dma_start3A_586, %dma_start3A_587] : memref<256x32xf32, #tpu.memory_space<vmem>> -> memref<1x32xf32, #tpu.memory_space<vmem>>
    %dma_start3A_589 = arith.constant 0 : i32
    %dma_start3A_590 = tpu.memref_slice %arg3[%get3A_580, %dma_start3A_589] : memref<100000x32xf32, #tpu.memory_space<hbm>> -> memref<1x32xf32, #tpu.memory_space<hbm>>
    tpu.enqueue_dma source(%dma_start3A_590 : memref<1x32xf32, #tpu.memory_space<hbm>>) target(%dma_start3A_588 : memref<1x32xf32, #tpu.memory_space<vmem>>) target_semaphore(%arg17 : memref<!tpu.dma_semaphore, #tpu.memory_space<semaphore_mem>>)
    %get3A_591 = arith.constant 263 : i32
    %get3A_592 = arith.index_cast %get3A_591 : i32 to index
    %get3A_593 = memref.load %arg12[%get3A_592] : memref<512xi32, #tpu.memory_space<smem>>
    %dma_start3A_594 = arith.constant 7 : i32
    %dma_start3A_595 = arith.constant 0 : i32
    %dma_start3A_596 = tpu.memref_slice %arg14[%dma_start3A_594, %dma_start3A_595] : memref<256x32xf32, #tpu.memory_space<vmem>> -> memref<1x32xf32, #tpu.memory_space<vmem>>
    %dma_start3A_597 = arith.constant 0 : i32
    %dma_start3A_598 = tpu.memref_slice %arg2[%get3A_593, %dma_start3A_597] : memref<1000000x32xf32, #tpu.memory_space<hbm>> -> memref<1x32xf32, #tpu.memory_space<hbm>>
    %dma_start3A_599 = arith.constant 7 : i32
    %dma_start3A_600 = arith.constant 0 : i32
    %dma_start3A_601 = tpu.memref_slice %arg14[%dma_start3A_599, %dma_start3A_600] : memref<256x32xf32, #tpu.memory_space<vmem>> -> memref<1x32xf32, #tpu.memory_space<vmem>>
    %dma_start3A_602 = arith.constant 0 : i32
    %dma_start3A_603 = tpu.memref_slice %arg2[%get3A_593, %dma_start3A_602] : memref<1000000x32xf32, #tpu.memory_space<hbm>> -> memref<1x32xf32, #tpu.memory_space<hbm>>
    tpu.enqueue_dma source(%dma_start3A_603 : memref<1x32xf32, #tpu.memory_space<hbm>>) target(%dma_start3A_601 : memref<1x32xf32, #tpu.memory_space<vmem>>) target_semaphore(%arg16 : memref<!tpu.dma_semaphore, #tpu.memory_space<semaphore_mem>>)
    %get3A_604 = arith.constant 263 : i32
    %get3A_605 = arith.index_cast %get3A_604 : i32 to index
    %get3A_606 = memref.load %arg13[%get3A_605] : memref<512xi32, #tpu.memory_space<smem>>
    %dma_start3A_607 = arith.constant 7 : i32
    %dma_start3A_608 = arith.constant 0 : i32
    %dma_start3A_609 = tpu.memref_slice %arg15[%dma_start3A_607, %dma_start3A_608] : memref<256x32xf32, #tpu.memory_space<vmem>> -> memref<1x32xf32, #tpu.memory_space<vmem>>
    %dma_start3A_610 = arith.constant 0 : i32
    %dma_start3A_611 = tpu.memref_slice %arg3[%get3A_606, %dma_start3A_610] : memref<100000x32xf32, #tpu.memory_space<hbm>> -> memref<1x32xf32, #tpu.memory_space<hbm>>
    %dma_start3A_612 = arith.constant 7 : i32
    %dma_start3A_613 = arith.constant 0 : i32
    %dma_start3A_614 = tpu.memref_slice %arg15[%dma_start3A_612, %dma_start3A_613] : memref<256x32xf32, #tpu.memory_space<vmem>> -> memref<1x32xf32, #tpu.memory_space<vmem>>
    %dma_start3A_615 = arith.constant 0 : i32
    %dma_start3A_616 = tpu.memref_slice %arg3[%get3A_606, %dma_start3A_615] : memref<100000x32xf32, #tpu.memory_space<hbm>> -> memref<1x32xf32, #tpu.memory_space<hbm>>
    tpu.enqueue_dma source(%dma_start3A_616 : memref<1x32xf32, #tpu.memory_space<hbm>>) target(%dma_start3A_614 : memref<1x32xf32, #tpu.memory_space<vmem>>) target_semaphore(%arg17 : memref<!tpu.dma_semaphore, #tpu.memory_space<semaphore_mem>>)
    %scan3A_617 = arith.constant 0 : i32
    %scan3A_618 = arith.constant 1 : i32
    %scan3A_619 = arith.constant 31 : i32
    %scan3A_620 = arith.addi %scan3A_618, %scan3A_619 : i32
    %scan3A_621 = arith.constant 1 : i32
    scf.for %scan3A_819 = %scan3A_618 to %scan3A_620 step %scan3A_621  : i32 {
      %mul3A_820 = arith.constant 8 : i32
      %mul3A_821 = arith.muli %scan3A_819, %mul3A_820 : i32
      %add3A_822 = arith.constant 0 : i32
      %add3A_823 = arith.addi %mul3A_821, %add3A_822 : i32
      %add3A_824 = arith.constant 256 : i32
      %add3A_825 = arith.addi %add3A_824, %add3A_823 : i32
      %get3A_826 = arith.index_cast %add3A_825 : i32 to index
      %get3A_827 = memref.load %arg12[%get3A_826] : memref<512xi32, #tpu.memory_space<smem>>
      %dma_start3A_828 = arith.constant 0 : i32
      %dma_start3A_829 = tpu.memref_slice %arg14[%add3A_823, %dma_start3A_828] : memref<256x32xf32, #tpu.memory_space<vmem>> -> memref<1x32xf32, #tpu.memory_space<vmem>>
      %dma_start3A_830 = arith.constant 0 : i32
      %dma_start3A_831 = tpu.memref_slice %arg2[%get3A_827, %dma_start3A_830] : memref<1000000x32xf32, #tpu.memory_space<hbm>> -> memref<1x32xf32, #tpu.memory_space<hbm>>
      %dma_start3A_832 = arith.constant 0 : i32
      %dma_start3A_833 = tpu.memref_slice %arg14[%add3A_823, %dma_start3A_832] : memref<256x32xf32, #tpu.memory_space<vmem>> -> memref<1x32xf32, #tpu.memory_space<vmem>>
      %dma_start3A_834 = arith.constant 0 : i32
      %dma_start3A_835 = tpu.memref_slice %arg2[%get3A_827, %dma_start3A_834] : memref<1000000x32xf32, #tpu.memory_space<hbm>> -> memref<1x32xf32, #tpu.memory_space<hbm>>
      tpu.enqueue_dma source(%dma_start3A_835 : memref<1x32xf32, #tpu.memory_space<hbm>>) target(%dma_start3A_833 : memref<1x32xf32, #tpu.memory_space<vmem>>) target_semaphore(%arg16 : memref<!tpu.dma_semaphore, #tpu.memory_space<semaphore_mem>>)
      %add3A_836 = arith.constant 256 : i32
      %add3A_837 = arith.addi %add3A_836, %add3A_823 : i32
      %get3A_838 = arith.index_cast %add3A_837 : i32 to index
      %get3A_839 = memref.load %arg13[%get3A_838] : memref<512xi32, #tpu.memory_space<smem>>
      %dma_start3A_840 = arith.constant 0 : i32
      %dma_start3A_841 = tpu.memref_slice %arg15[%add3A_823, %dma_start3A_840] : memref<256x32xf32, #tpu.memory_space<vmem>> -> memref<1x32xf32, #tpu.memory_space<vmem>>
      %dma_start3A_842 = arith.constant 0 : i32
      %dma_start3A_843 = tpu.memref_slice %arg3[%get3A_839, %dma_start3A_842] : memref<100000x32xf32, #tpu.memory_space<hbm>> -> memref<1x32xf32, #tpu.memory_space<hbm>>
      %dma_start3A_844 = arith.constant 0 : i32
      %dma_start3A_845 = tpu.memref_slice %arg15[%add3A_823, %dma_start3A_844] : memref<256x32xf32, #tpu.memory_space<vmem>> -> memref<1x32xf32, #tpu.memory_space<vmem>>
      %dma_start3A_846 = arith.constant 0 : i32
      %dma_start3A_847 = tpu.memref_slice %arg3[%get3A_839, %dma_start3A_846] : memref<100000x32xf32, #tpu.memory_space<hbm>> -> memref<1x32xf32, #tpu.memory_space<hbm>>
      tpu.enqueue_dma source(%dma_start3A_847 : memref<1x32xf32, #tpu.memory_space<hbm>>) target(%dma_start3A_845 : memref<1x32xf32, #tpu.memory_space<vmem>>) target_semaphore(%arg17 : memref<!tpu.dma_semaphore, #tpu.memory_space<semaphore_mem>>)
      %mul3A_848 = arith.constant 8 : i32
      %mul3A_849 = arith.muli %scan3A_819, %mul3A_848 : i32
      %add3A_850 = arith.constant 1 : i32
      %add3A_851 = arith.addi %mul3A_849, %add3A_850 : i32
      %add3A_852 = arith.constant 256 : i32
      %add3A_853 = arith.addi %add3A_852, %add3A_851 : i32
      %get3A_854 = arith.index_cast %add3A_853 : i32 to index
      %get3A_855 = memref.load %arg12[%get3A_854] : memref<512xi32, #tpu.memory_space<smem>>
      %dma_start3A_856 = arith.constant 0 : i32
      %dma_start3A_857 = tpu.memref_slice %arg14[%add3A_851, %dma_start3A_856] : memref<256x32xf32, #tpu.memory_space<vmem>> -> memref<1x32xf32, #tpu.memory_space<vmem>>
      %dma_start3A_858 = arith.constant 0 : i32
      %dma_start3A_859 = tpu.memref_slice %arg2[%get3A_855, %dma_start3A_858] : memref<1000000x32xf32, #tpu.memory_space<hbm>> -> memref<1x32xf32, #tpu.memory_space<hbm>>
      %dma_start3A_860 = arith.constant 0 : i32
      %dma_start3A_861 = tpu.memref_slice %arg14[%add3A_851, %dma_start3A_860] : memref<256x32xf32, #tpu.memory_space<vmem>> -> memref<1x32xf32, #tpu.memory_space<vmem>>
      %dma_start3A_862 = arith.constant 0 : i32
      %dma_start3A_863 = tpu.memref_slice %arg2[%get3A_855, %dma_start3A_862] : memref<1000000x32xf32, #tpu.memory_space<hbm>> -> memref<1x32xf32, #tpu.memory_space<hbm>>
      tpu.enqueue_dma source(%dma_start3A_863 : memref<1x32xf32, #tpu.memory_space<hbm>>) target(%dma_start3A_861 : memref<1x32xf32, #tpu.memory_space<vmem>>) target_semaphore(%arg16 : memref<!tpu.dma_semaphore, #tpu.memory_space<semaphore_mem>>)
      %add3A_864 = arith.constant 256 : i32
      %add3A_865 = arith.addi %add3A_864, %add3A_851 : i32
      %get3A_866 = arith.index_cast %add3A_865 : i32 to index
      %get3A_867 = memref.load %arg13[%get3A_866] : memref<512xi32, #tpu.memory_space<smem>>
      %dma_start3A_868 = arith.constant 0 : i32
      %dma_start3A_869 = tpu.memref_slice %arg15[%add3A_851, %dma_start3A_868] : memref<256x32xf32, #tpu.memory_space<vmem>> -> memref<1x32xf32, #tpu.memory_space<vmem>>
      %dma_start3A_870 = arith.constant 0 : i32
      %dma_start3A_871 = tpu.memref_slice %arg3[%get3A_867, %dma_start3A_870] : memref<100000x32xf32, #tpu.memory_space<hbm>> -> memref<1x32xf32, #tpu.memory_space<hbm>>
      %dma_start3A_872 = arith.constant 0 : i32
      %dma_start3A_873 = tpu.memref_slice %arg15[%add3A_851, %dma_start3A_872] : memref<256x32xf32, #tpu.memory_space<vmem>> -> memref<1x32xf32, #tpu.memory_space<vmem>>
      %dma_start3A_874 = arith.constant 0 : i32
      %dma_start3A_875 = tpu.memref_slice %arg3[%get3A_867, %dma_start3A_874] : memref<100000x32xf32, #tpu.memory_space<hbm>> -> memref<1x32xf32, #tpu.memory_space<hbm>>
      tpu.enqueue_dma source(%dma_start3A_875 : memref<1x32xf32, #tpu.memory_space<hbm>>) target(%dma_start3A_873 : memref<1x32xf32, #tpu.memory_space<vmem>>) target_semaphore(%arg17 : memref<!tpu.dma_semaphore, #tpu.memory_space<semaphore_mem>>)
      %mul3A_876 = arith.constant 8 : i32
      %mul3A_877 = arith.muli %scan3A_819, %mul3A_876 : i32
      %add3A_878 = arith.constant 2 : i32
      %add3A_879 = arith.addi %mul3A_877, %add3A_878 : i32
      %add3A_880 = arith.constant 256 : i32
      %add3A_881 = arith.addi %add3A_880, %add3A_879 : i32
      %get3A_882 = arith.index_cast %add3A_881 : i32 to index
      %get3A_883 = memref.load %arg12[%get3A_882] : memref<512xi32, #tpu.memory_space<smem>>
      %dma_start3A_884 = arith.constant 0 : i32
      %dma_start3A_885 = tpu.memref_slice %arg14[%add3A_879, %dma_start3A_884] : memref<256x32xf32, #tpu.memory_space<vmem>> -> memref<1x32xf32, #tpu.memory_space<vmem>>
      %dma_start3A_886 = arith.constant 0 : i32
      %dma_start3A_887 = tpu.memref_slice %arg2[%get3A_883, %dma_start3A_886] : memref<1000000x32xf32, #tpu.memory_space<hbm>> -> memref<1x32xf32, #tpu.memory_space<hbm>>
      %dma_start3A_888 = arith.constant 0 : i32
      %dma_start3A_889 = tpu.memref_slice %arg14[%add3A_879, %dma_start3A_888] : memref<256x32xf32, #tpu.memory_space<vmem>> -> memref<1x32xf32, #tpu.memory_space<vmem>>
      %dma_start3A_890 = arith.constant 0 : i32
      %dma_start3A_891 = tpu.memref_slice %arg2[%get3A_883, %dma_start3A_890] : memref<1000000x32xf32, #tpu.memory_space<hbm>> -> memref<1x32xf32, #tpu.memory_space<hbm>>
      tpu.enqueue_dma source(%dma_start3A_891 : memref<1x32xf32, #tpu.memory_space<hbm>>) target(%dma_start3A_889 : memref<1x32xf32, #tpu.memory_space<vmem>>) target_semaphore(%arg16 : memref<!tpu.dma_semaphore, #tpu.memory_space<semaphore_mem>>)
      %add3A_892 = arith.constant 256 : i32
      %add3A_893 = arith.addi %add3A_892, %add3A_879 : i32
      %get3A_894 = arith.index_cast %add3A_893 : i32 to index
      %get3A_895 = memref.load %arg13[%get3A_894] : memref<512xi32, #tpu.memory_space<smem>>
      %dma_start3A_896 = arith.constant 0 : i32
      %dma_start3A_897 = tpu.memref_slice %arg15[%add3A_879, %dma_start3A_896] : memref<256x32xf32, #tpu.memory_space<vmem>> -> memref<1x32xf32, #tpu.memory_space<vmem>>
      %dma_start3A_898 = arith.constant 0 : i32
      %dma_start3A_899 = tpu.memref_slice %arg3[%get3A_895, %dma_start3A_898] : memref<100000x32xf32, #tpu.memory_space<hbm>> -> memref<1x32xf32, #tpu.memory_space<hbm>>
      %dma_start3A_900 = arith.constant 0 : i32
      %dma_start3A_901 = tpu.memref_slice %arg15[%add3A_879, %dma_start3A_900] : memref<256x32xf32, #tpu.memory_space<vmem>> -> memref<1x32xf32, #tpu.memory_space<vmem>>
      %dma_start3A_902 = arith.constant 0 : i32
      %dma_start3A_903 = tpu.memref_slice %arg3[%get3A_895, %dma_start3A_902] : memref<100000x32xf32, #tpu.memory_space<hbm>> -> memref<1x32xf32, #tpu.memory_space<hbm>>
      tpu.enqueue_dma source(%dma_start3A_903 : memref<1x32xf32, #tpu.memory_space<hbm>>) target(%dma_start3A_901 : memref<1x32xf32, #tpu.memory_space<vmem>>) target_semaphore(%arg17 : memref<!tpu.dma_semaphore, #tpu.memory_space<semaphore_mem>>)
      %mul3A_904 = arith.constant 8 : i32
      %mul3A_905 = arith.muli %scan3A_819, %mul3A_904 : i32
      %add3A_906 = arith.constant 3 : i32
      %add3A_907 = arith.addi %mul3A_905, %add3A_906 : i32
      %add3A_908 = arith.constant 256 : i32
      %add3A_909 = arith.addi %add3A_908, %add3A_907 : i32
      %get3A_910 = arith.index_cast %add3A_909 : i32 to index
      %get3A_911 = memref.load %arg12[%get3A_910] : memref<512xi32, #tpu.memory_space<smem>>
      %dma_start3A_912 = arith.constant 0 : i32
      %dma_start3A_913 = tpu.memref_slice %arg14[%add3A_907, %dma_start3A_912] : memref<256x32xf32, #tpu.memory_space<vmem>> -> memref<1x32xf32, #tpu.memory_space<vmem>>
      %dma_start3A_914 = arith.constant 0 : i32
      %dma_start3A_915 = tpu.memref_slice %arg2[%get3A_911, %dma_start3A_914] : memref<1000000x32xf32, #tpu.memory_space<hbm>> -> memref<1x32xf32, #tpu.memory_space<hbm>>
      %dma_start3A_916 = arith.constant 0 : i32
      %dma_start3A_917 = tpu.memref_slice %arg14[%add3A_907, %dma_start3A_916] : memref<256x32xf32, #tpu.memory_space<vmem>> -> memref<1x32xf32, #tpu.memory_space<vmem>>
      %dma_start3A_918 = arith.constant 0 : i32
      %dma_start3A_919 = tpu.memref_slice %arg2[%get3A_911, %dma_start3A_918] : memref<1000000x32xf32, #tpu.memory_space<hbm>> -> memref<1x32xf32, #tpu.memory_space<hbm>>
      tpu.enqueue_dma source(%dma_start3A_919 : memref<1x32xf32, #tpu.memory_space<hbm>>) target(%dma_start3A_917 : memref<1x32xf32, #tpu.memory_space<vmem>>) target_semaphore(%arg16 : memref<!tpu.dma_semaphore, #tpu.memory_space<semaphore_mem>>)
      %add3A_920 = arith.constant 256 : i32
      %add3A_921 = arith.addi %add3A_920, %add3A_907 : i32
      %get3A_922 = arith.index_cast %add3A_921 : i32 to index
      %get3A_923 = memref.load %arg13[%get3A_922] : memref<512xi32, #tpu.memory_space<smem>>
      %dma_start3A_924 = arith.constant 0 : i32
      %dma_start3A_925 = tpu.memref_slice %arg15[%add3A_907, %dma_start3A_924] : memref<256x32xf32, #tpu.memory_space<vmem>> -> memref<1x32xf32, #tpu.memory_space<vmem>>
      %dma_start3A_926 = arith.constant 0 : i32
      %dma_start3A_927 = tpu.memref_slice %arg3[%get3A_923, %dma_start3A_926] : memref<100000x32xf32, #tpu.memory_space<hbm>> -> memref<1x32xf32, #tpu.memory_space<hbm>>
      %dma_start3A_928 = arith.constant 0 : i32
      %dma_start3A_929 = tpu.memref_slice %arg15[%add3A_907, %dma_start3A_928] : memref<256x32xf32, #tpu.memory_space<vmem>> -> memref<1x32xf32, #tpu.memory_space<vmem>>
      %dma_start3A_930 = arith.constant 0 : i32
      %dma_start3A_931 = tpu.memref_slice %arg3[%get3A_923, %dma_start3A_930] : memref<100000x32xf32, #tpu.memory_space<hbm>> -> memref<1x32xf32, #tpu.memory_space<hbm>>
      tpu.enqueue_dma source(%dma_start3A_931 : memref<1x32xf32, #tpu.memory_space<hbm>>) target(%dma_start3A_929 : memref<1x32xf32, #tpu.memory_space<vmem>>) target_semaphore(%arg17 : memref<!tpu.dma_semaphore, #tpu.memory_space<semaphore_mem>>)
      %mul3A_932 = arith.constant 8 : i32
      %mul3A_933 = arith.muli %scan3A_819, %mul3A_932 : i32
      %add3A_934 = arith.constant 4 : i32
      %add3A_935 = arith.addi %mul3A_933, %add3A_934 : i32
      %add3A_936 = arith.constant 256 : i32
      %add3A_937 = arith.addi %add3A_936, %add3A_935 : i32
      %get3A_938 = arith.index_cast %add3A_937 : i32 to index
      %get3A_939 = memref.load %arg12[%get3A_938] : memref<512xi32, #tpu.memory_space<smem>>
      %dma_start3A_940 = arith.constant 0 : i32
      %dma_start3A_941 = tpu.memref_slice %arg14[%add3A_935, %dma_start3A_940] : memref<256x32xf32, #tpu.memory_space<vmem>> -> memref<1x32xf32, #tpu.memory_space<vmem>>
      %dma_start3A_942 = arith.constant 0 : i32
      %dma_start3A_943 = tpu.memref_slice %arg2[%get3A_939, %dma_start3A_942] : memref<1000000x32xf32, #tpu.memory_space<hbm>> -> memref<1x32xf32, #tpu.memory_space<hbm>>
      %dma_start3A_944 = arith.constant 0 : i32
      %dma_start3A_945 = tpu.memref_slice %arg14[%add3A_935, %dma_start3A_944] : memref<256x32xf32, #tpu.memory_space<vmem>> -> memref<1x32xf32, #tpu.memory_space<vmem>>
      %dma_start3A_946 = arith.constant 0 : i32
      %dma_start3A_947 = tpu.memref_slice %arg2[%get3A_939, %dma_start3A_946] : memref<1000000x32xf32, #tpu.memory_space<hbm>> -> memref<1x32xf32, #tpu.memory_space<hbm>>
      tpu.enqueue_dma source(%dma_start3A_947 : memref<1x32xf32, #tpu.memory_space<hbm>>) target(%dma_start3A_945 : memref<1x32xf32, #tpu.memory_space<vmem>>) target_semaphore(%arg16 : memref<!tpu.dma_semaphore, #tpu.memory_space<semaphore_mem>>)
      %add3A_948 = arith.constant 256 : i32
      %add3A_949 = arith.addi %add3A_948, %add3A_935 : i32
      %get3A_950 = arith.index_cast %add3A_949 : i32 to index
      %get3A_951 = memref.load %arg13[%get3A_950] : memref<512xi32, #tpu.memory_space<smem>>
      %dma_start3A_952 = arith.constant 0 : i32
      %dma_start3A_953 = tpu.memref_slice %arg15[%add3A_935, %dma_start3A_952] : memref<256x32xf32, #tpu.memory_space<vmem>> -> memref<1x32xf32, #tpu.memory_space<vmem>>
      %dma_start3A_954 = arith.constant 0 : i32
      %dma_start3A_955 = tpu.memref_slice %arg3[%get3A_951, %dma_start3A_954] : memref<100000x32xf32, #tpu.memory_space<hbm>> -> memref<1x32xf32, #tpu.memory_space<hbm>>
      %dma_start3A_956 = arith.constant 0 : i32
      %dma_start3A_957 = tpu.memref_slice %arg15[%add3A_935, %dma_start3A_956] : memref<256x32xf32, #tpu.memory_space<vmem>> -> memref<1x32xf32, #tpu.memory_space<vmem>>
      %dma_start3A_958 = arith.constant 0 : i32
      %dma_start3A_959 = tpu.memref_slice %arg3[%get3A_951, %dma_start3A_958] : memref<100000x32xf32, #tpu.memory_space<hbm>> -> memref<1x32xf32, #tpu.memory_space<hbm>>
      tpu.enqueue_dma source(%dma_start3A_959 : memref<1x32xf32, #tpu.memory_space<hbm>>) target(%dma_start3A_957 : memref<1x32xf32, #tpu.memory_space<vmem>>) target_semaphore(%arg17 : memref<!tpu.dma_semaphore, #tpu.memory_space<semaphore_mem>>)
      %mul3A_960 = arith.constant 8 : i32
      %mul3A_961 = arith.muli %scan3A_819, %mul3A_960 : i32
      %add3A_962 = arith.constant 5 : i32
      %add3A_963 = arith.addi %mul3A_961, %add3A_962 : i32
      %add3A_964 = arith.constant 256 : i32
      %add3A_965 = arith.addi %add3A_964, %add3A_963 : i32
      %get3A_966 = arith.index_cast %add3A_965 : i32 to index
      %get3A_967 = memref.load %arg12[%get3A_966] : memref<512xi32, #tpu.memory_space<smem>>
      %dma_start3A_968 = arith.constant 0 : i32
      %dma_start3A_969 = tpu.memref_slice %arg14[%add3A_963, %dma_start3A_968] : memref<256x32xf32, #tpu.memory_space<vmem>> -> memref<1x32xf32, #tpu.memory_space<vmem>>
      %dma_start3A_970 = arith.constant 0 : i32
      %dma_start3A_971 = tpu.memref_slice %arg2[%get3A_967, %dma_start3A_970] : memref<1000000x32xf32, #tpu.memory_space<hbm>> -> memref<1x32xf32, #tpu.memory_space<hbm>>
      %dma_start3A_972 = arith.constant 0 : i32
      %dma_start3A_973 = tpu.memref_slice %arg14[%add3A_963, %dma_start3A_972] : memref<256x32xf32, #tpu.memory_space<vmem>> -> memref<1x32xf32, #tpu.memory_space<vmem>>
      %dma_start3A_974 = arith.constant 0 : i32
      %dma_start3A_975 = tpu.memref_slice %arg2[%get3A_967, %dma_start3A_974] : memref<1000000x32xf32, #tpu.memory_space<hbm>> -> memref<1x32xf32, #tpu.memory_space<hbm>>
      tpu.enqueue_dma source(%dma_start3A_975 : memref<1x32xf32, #tpu.memory_space<hbm>>) target(%dma_start3A_973 : memref<1x32xf32, #tpu.memory_space<vmem>>) target_semaphore(%arg16 : memref<!tpu.dma_semaphore, #tpu.memory_space<semaphore_mem>>)
      %add3A_976 = arith.constant 256 : i32
      %add3A_977 = arith.addi %add3A_976, %add3A_963 : i32
      %get3A_978 = arith.index_cast %add3A_977 : i32 to index
      %get3A_979 = memref.load %arg13[%get3A_978] : memref<512xi32, #tpu.memory_space<smem>>
      %dma_start3A_980 = arith.constant 0 : i32
      %dma_start3A_981 = tpu.memref_slice %arg15[%add3A_963, %dma_start3A_980] : memref<256x32xf32, #tpu.memory_space<vmem>> -> memref<1x32xf32, #tpu.memory_space<vmem>>
      %dma_start3A_982 = arith.constant 0 : i32
      %dma_start3A_983 = tpu.memref_slice %arg3[%get3A_979, %dma_start3A_982] : memref<100000x32xf32, #tpu.memory_space<hbm>> -> memref<1x32xf32, #tpu.memory_space<hbm>>
      %dma_start3A_984 = arith.constant 0 : i32
      %dma_start3A_985 = tpu.memref_slice %arg15[%add3A_963, %dma_start3A_984] : memref<256x32xf32, #tpu.memory_space<vmem>> -> memref<1x32xf32, #tpu.memory_space<vmem>>
      %dma_start3A_986 = arith.constant 0 : i32
      %dma_start3A_987 = tpu.memref_slice %arg3[%get3A_979, %dma_start3A_986] : memref<100000x32xf32, #tpu.memory_space<hbm>> -> memref<1x32xf32, #tpu.memory_space<hbm>>
      tpu.enqueue_dma source(%dma_start3A_987 : memref<1x32xf32, #tpu.memory_space<hbm>>) target(%dma_start3A_985 : memref<1x32xf32, #tpu.memory_space<vmem>>) target_semaphore(%arg17 : memref<!tpu.dma_semaphore, #tpu.memory_space<semaphore_mem>>)
      %mul3A_988 = arith.constant 8 : i32
      %mul3A_989 = arith.muli %scan3A_819, %mul3A_988 : i32
      %add3A_990 = arith.constant 6 : i32
      %add3A_991 = arith.addi %mul3A_989, %add3A_990 : i32
      %add3A_992 = arith.constant 256 : i32
      %add3A_993 = arith.addi %add3A_992, %add3A_991 : i32
      %get3A_994 = arith.index_cast %add3A_993 : i32 to index
      %get3A_995 = memref.load %arg12[%get3A_994] : memref<512xi32, #tpu.memory_space<smem>>
      %dma_start3A_996 = arith.constant 0 : i32
      %dma_start3A_997 = tpu.memref_slice %arg14[%add3A_991, %dma_start3A_996] : memref<256x32xf32, #tpu.memory_space<vmem>> -> memref<1x32xf32, #tpu.memory_space<vmem>>
      %dma_start3A_998 = arith.constant 0 : i32
      %dma_start3A_999 = tpu.memref_slice %arg2[%get3A_995, %dma_start3A_998] : memref<1000000x32xf32, #tpu.memory_space<hbm>> -> memref<1x32xf32, #tpu.memory_space<hbm>>
      %dma_start3A_1000 = arith.constant 0 : i32
      %dma_start3A_1001 = tpu.memref_slice %arg14[%add3A_991, %dma_start3A_1000] : memref<256x32xf32, #tpu.memory_space<vmem>> -> memref<1x32xf32, #tpu.memory_space<vmem>>
      %dma_start3A_1002 = arith.constant 0 : i32
      %dma_start3A_1003 = tpu.memref_slice %arg2[%get3A_995, %dma_start3A_1002] : memref<1000000x32xf32, #tpu.memory_space<hbm>> -> memref<1x32xf32, #tpu.memory_space<hbm>>
      tpu.enqueue_dma source(%dma_start3A_1003 : memref<1x32xf32, #tpu.memory_space<hbm>>) target(%dma_start3A_1001 : memref<1x32xf32, #tpu.memory_space<vmem>>) target_semaphore(%arg16 : memref<!tpu.dma_semaphore, #tpu.memory_space<semaphore_mem>>)
      %add3A_1004 = arith.constant 256 : i32
      %add3A_1005 = arith.addi %add3A_1004, %add3A_991 : i32
      %get3A_1006 = arith.index_cast %add3A_1005 : i32 to index
      %get3A_1007 = memref.load %arg13[%get3A_1006] : memref<512xi32, #tpu.memory_space<smem>>
      %dma_start3A_1008 = arith.constant 0 : i32
      %dma_start3A_1009 = tpu.memref_slice %arg15[%add3A_991, %dma_start3A_1008] : memref<256x32xf32, #tpu.memory_space<vmem>> -> memref<1x32xf32, #tpu.memory_space<vmem>>
      %dma_start3A_1010 = arith.constant 0 : i32
      %dma_start3A_1011 = tpu.memref_slice %arg3[%get3A_1007, %dma_start3A_1010] : memref<100000x32xf32, #tpu.memory_space<hbm>> -> memref<1x32xf32, #tpu.memory_space<hbm>>
      %dma_start3A_1012 = arith.constant 0 : i32
      %dma_start3A_1013 = tpu.memref_slice %arg15[%add3A_991, %dma_start3A_1012] : memref<256x32xf32, #tpu.memory_space<vmem>> -> memref<1x32xf32, #tpu.memory_space<vmem>>
      %dma_start3A_1014 = arith.constant 0 : i32
      %dma_start3A_1015 = tpu.memref_slice %arg3[%get3A_1007, %dma_start3A_1014] : memref<100000x32xf32, #tpu.memory_space<hbm>> -> memref<1x32xf32, #tpu.memory_space<hbm>>
      tpu.enqueue_dma source(%dma_start3A_1015 : memref<1x32xf32, #tpu.memory_space<hbm>>) target(%dma_start3A_1013 : memref<1x32xf32, #tpu.memory_space<vmem>>) target_semaphore(%arg17 : memref<!tpu.dma_semaphore, #tpu.memory_space<semaphore_mem>>)
      %mul3A_1016 = arith.constant 8 : i32
      %mul3A_1017 = arith.muli %scan3A_819, %mul3A_1016 : i32
      %add3A_1018 = arith.constant 7 : i32
      %add3A_1019 = arith.addi %mul3A_1017, %add3A_1018 : i32
      %add3A_1020 = arith.constant 256 : i32
      %add3A_1021 = arith.addi %add3A_1020, %add3A_1019 : i32
      %get3A_1022 = arith.index_cast %add3A_1021 : i32 to index
      %get3A_1023 = memref.load %arg12[%get3A_1022] : memref<512xi32, #tpu.memory_space<smem>>
      %dma_start3A_1024 = arith.constant 0 : i32
      %dma_start3A_1025 = tpu.memref_slice %arg14[%add3A_1019, %dma_start3A_1024] : memref<256x32xf32, #tpu.memory_space<vmem>> -> memref<1x32xf32, #tpu.memory_space<vmem>>
      %dma_start3A_1026 = arith.constant 0 : i32
      %dma_start3A_1027 = tpu.memref_slice %arg2[%get3A_1023, %dma_start3A_1026] : memref<1000000x32xf32, #tpu.memory_space<hbm>> -> memref<1x32xf32, #tpu.memory_space<hbm>>
      %dma_start3A_1028 = arith.constant 0 : i32
      %dma_start3A_1029 = tpu.memref_slice %arg14[%add3A_1019, %dma_start3A_1028] : memref<256x32xf32, #tpu.memory_space<vmem>> -> memref<1x32xf32, #tpu.memory_space<vmem>>
      %dma_start3A_1030 = arith.constant 0 : i32
      %dma_start3A_1031 = tpu.memref_slice %arg2[%get3A_1023, %dma_start3A_1030] : memref<1000000x32xf32, #tpu.memory_space<hbm>> -> memref<1x32xf32, #tpu.memory_space<hbm>>
      tpu.enqueue_dma source(%dma_start3A_1031 : memref<1x32xf32, #tpu.memory_space<hbm>>) target(%dma_start3A_1029 : memref<1x32xf32, #tpu.memory_space<vmem>>) target_semaphore(%arg16 : memref<!tpu.dma_semaphore, #tpu.memory_space<semaphore_mem>>)
      %add3A_1032 = arith.constant 256 : i32
      %add3A_1033 = arith.addi %add3A_1032, %add3A_1019 : i32
      %get3A_1034 = arith.index_cast %add3A_1033 : i32 to index
      %get3A_1035 = memref.load %arg13[%get3A_1034] : memref<512xi32, #tpu.memory_space<smem>>
      %dma_start3A_1036 = arith.constant 0 : i32
      %dma_start3A_1037 = tpu.memref_slice %arg15[%add3A_1019, %dma_start3A_1036] : memref<256x32xf32, #tpu.memory_space<vmem>> -> memref<1x32xf32, #tpu.memory_space<vmem>>
      %dma_start3A_1038 = arith.constant 0 : i32
      %dma_start3A_1039 = tpu.memref_slice %arg3[%get3A_1035, %dma_start3A_1038] : memref<100000x32xf32, #tpu.memory_space<hbm>> -> memref<1x32xf32, #tpu.memory_space<hbm>>
      %dma_start3A_1040 = arith.constant 0 : i32
      %dma_start3A_1041 = tpu.memref_slice %arg15[%add3A_1019, %dma_start3A_1040] : memref<256x32xf32, #tpu.memory_space<vmem>> -> memref<1x32xf32, #tpu.memory_space<vmem>>
      %dma_start3A_1042 = arith.constant 0 : i32
      %dma_start3A_1043 = tpu.memref_slice %arg3[%get3A_1035, %dma_start3A_1042] : memref<100000x32xf32, #tpu.memory_space<hbm>> -> memref<1x32xf32, #tpu.memory_space<hbm>>
      tpu.enqueue_dma source(%dma_start3A_1043 : memref<1x32xf32, #tpu.memory_space<hbm>>) target(%dma_start3A_1041 : memref<1x32xf32, #tpu.memory_space<vmem>>) target_semaphore(%arg17 : memref<!tpu.dma_semaphore, #tpu.memory_space<semaphore_mem>>)
      %dma_wait3A_1044 = arith.constant 0 : i32
      %dma_wait3A_1045 = arith.constant 0 : i32
      %dma_wait3A_1046 = tpu.memref_slice %arg14[%dma_wait3A_1044, %dma_wait3A_1045] : memref<256x32xf32, #tpu.memory_space<vmem>> -> memref<1x32xf32, #tpu.memory_space<vmem>>
      %dma_wait3A_1047 = arith.constant 0 : i32
      %dma_wait3A_1048 = arith.constant 0 : i32
      %dma_wait3A_1049 = tpu.memref_slice %arg2[%dma_wait3A_1047, %dma_wait3A_1048] : memref<1000000x32xf32, #tpu.memory_space<hbm>> -> memref<1x32xf32, #tpu.memory_space<hbm>>
      %dma_wait3A_1050 = arith.constant 0 : i32
      %dma_wait3A_1051 = arith.constant 0 : i32
      %dma_wait3A_1052 = tpu.memref_slice %arg14[%dma_wait3A_1050, %dma_wait3A_1051] : memref<256x32xf32, #tpu.memory_space<vmem>> -> memref<1x32xf32, #tpu.memory_space<vmem>>
      %dma_wait3A_1053 = arith.constant 0 : i32
      %dma_wait3A_1054 = arith.constant 0 : i32
      %dma_wait3A_1055 = tpu.memref_slice %arg2[%dma_wait3A_1053, %dma_wait3A_1054] : memref<1000000x32xf32, #tpu.memory_space<hbm>> -> memref<1x32xf32, #tpu.memory_space<hbm>>
      tpu.wait_dma2 semaphore(%arg16 : memref<!tpu.dma_semaphore, #tpu.memory_space<semaphore_mem>>) src(%dma_wait3A_1055 : memref<1x32xf32, #tpu.memory_space<hbm>>) dst(%dma_wait3A_1052 : memref<1x32xf32, #tpu.memory_space<vmem>>)
      %dma_wait3A_1056 = arith.constant 0 : i32
      %dma_wait3A_1057 = arith.constant 0 : i32
      %dma_wait3A_1058 = tpu.memref_slice %arg15[%dma_wait3A_1056, %dma_wait3A_1057] : memref<256x32xf32, #tpu.memory_space<vmem>> -> memref<1x32xf32, #tpu.memory_space<vmem>>
      %dma_wait3A_1059 = arith.constant 0 : i32
      %dma_wait3A_1060 = arith.constant 0 : i32
      %dma_wait3A_1061 = tpu.memref_slice %arg3[%dma_wait3A_1059, %dma_wait3A_1060] : memref<100000x32xf32, #tpu.memory_space<hbm>> -> memref<1x32xf32, #tpu.memory_space<hbm>>
      %dma_wait3A_1062 = arith.constant 0 : i32
      %dma_wait3A_1063 = arith.constant 0 : i32
      %dma_wait3A_1064 = tpu.memref_slice %arg15[%dma_wait3A_1062, %dma_wait3A_1063] : memref<256x32xf32, #tpu.memory_space<vmem>> -> memref<1x32xf32, #tpu.memory_space<vmem>>
      %dma_wait3A_1065 = arith.constant 0 : i32
      %dma_wait3A_1066 = arith.constant 0 : i32
      %dma_wait3A_1067 = tpu.memref_slice %arg3[%dma_wait3A_1065, %dma_wait3A_1066] : memref<100000x32xf32, #tpu.memory_space<hbm>> -> memref<1x32xf32, #tpu.memory_space<hbm>>
      tpu.wait_dma2 semaphore(%arg17 : memref<!tpu.dma_semaphore, #tpu.memory_space<semaphore_mem>>) src(%dma_wait3A_1067 : memref<1x32xf32, #tpu.memory_space<hbm>>) dst(%dma_wait3A_1064 : memref<1x32xf32, #tpu.memory_space<vmem>>)
      %dma_wait3A_1068 = arith.constant 0 : i32
      %dma_wait3A_1069 = arith.constant 0 : i32
      %dma_wait3A_1070 = tpu.memref_slice %arg14[%dma_wait3A_1068, %dma_wait3A_1069] : memref<256x32xf32, #tpu.memory_space<vmem>> -> memref<1x32xf32, #tpu.memory_space<vmem>>
      %dma_wait3A_1071 = arith.constant 0 : i32
      %dma_wait3A_1072 = arith.constant 0 : i32
      %dma_wait3A_1073 = tpu.memref_slice %arg2[%dma_wait3A_1071, %dma_wait3A_1072] : memref<1000000x32xf32, #tpu.memory_space<hbm>> -> memref<1x32xf32, #tpu.memory_space<hbm>>
      %dma_wait3A_1074 = arith.constant 0 : i32
      %dma_wait3A_1075 = arith.constant 0 : i32
      %dma_wait3A_1076 = tpu.memref_slice %arg14[%dma_wait3A_1074, %dma_wait3A_1075] : memref<256x32xf32, #tpu.memory_space<vmem>> -> memref<1x32xf32, #tpu.memory_space<vmem>>
      %dma_wait3A_1077 = arith.constant 0 : i32
      %dma_wait3A_1078 = arith.constant 0 : i32
      %dma_wait3A_1079 = tpu.memref_slice %arg2[%dma_wait3A_1077, %dma_wait3A_1078] : memref<1000000x32xf32, #tpu.memory_space<hbm>> -> memref<1x32xf32, #tpu.memory_space<hbm>>
      tpu.wait_dma2 semaphore(%arg16 : memref<!tpu.dma_semaphore, #tpu.memory_space<semaphore_mem>>) src(%dma_wait3A_1079 : memref<1x32xf32, #tpu.memory_space<hbm>>) dst(%dma_wait3A_1076 : memref<1x32xf32, #tpu.memory_space<vmem>>)
      %dma_wait3A_1080 = arith.constant 0 : i32
      %dma_wait3A_1081 = arith.constant 0 : i32
      %dma_wait3A_1082 = tpu.memref_slice %arg15[%dma_wait3A_1080, %dma_wait3A_1081] : memref<256x32xf32, #tpu.memory_space<vmem>> -> memref<1x32xf32, #tpu.memory_space<vmem>>
      %dma_wait3A_1083 = arith.constant 0 : i32
      %dma_wait3A_1084 = arith.constant 0 : i32
      %dma_wait3A_1085 = tpu.memref_slice %arg3[%dma_wait3A_1083, %dma_wait3A_1084] : memref<100000x32xf32, #tpu.memory_space<hbm>> -> memref<1x32xf32, #tpu.memory_space<hbm>>
      %dma_wait3A_1086 = arith.constant 0 : i32
      %dma_wait3A_1087 = arith.constant 0 : i32
      %dma_wait3A_1088 = tpu.memref_slice %arg15[%dma_wait3A_1086, %dma_wait3A_1087] : memref<256x32xf32, #tpu.memory_space<vmem>> -> memref<1x32xf32, #tpu.memory_space<vmem>>
      %dma_wait3A_1089 = arith.constant 0 : i32
      %dma_wait3A_1090 = arith.constant 0 : i32
      %dma_wait3A_1091 = tpu.memref_slice %arg3[%dma_wait3A_1089, %dma_wait3A_1090] : memref<100000x32xf32, #tpu.memory_space<hbm>> -> memref<1x32xf32, #tpu.memory_space<hbm>>
      tpu.wait_dma2 semaphore(%arg17 : memref<!tpu.dma_semaphore, #tpu.memory_space<semaphore_mem>>) src(%dma_wait3A_1091 : memref<1x32xf32, #tpu.memory_space<hbm>>) dst(%dma_wait3A_1088 : memref<1x32xf32, #tpu.memory_space<vmem>>)
      %dma_wait3A_1092 = arith.constant 0 : i32
      %dma_wait3A_1093 = arith.constant 0 : i32
      %dma_wait3A_1094 = tpu.memref_slice %arg14[%dma_wait3A_1092, %dma_wait3A_1093] : memref<256x32xf32, #tpu.memory_space<vmem>> -> memref<1x32xf32, #tpu.memory_space<vmem>>
      %dma_wait3A_1095 = arith.constant 0 : i32
      %dma_wait3A_1096 = arith.constant 0 : i32
      %dma_wait3A_1097 = tpu.memref_slice %arg2[%dma_wait3A_1095, %dma_wait3A_1096] : memref<1000000x32xf32, #tpu.memory_space<hbm>> -> memref<1x32xf32, #tpu.memory_space<hbm>>
      %dma_wait3A_1098 = arith.constant 0 : i32
      %dma_wait3A_1099 = arith.constant 0 : i32
      %dma_wait3A_1100 = tpu.memref_slice %arg14[%dma_wait3A_1098, %dma_wait3A_1099] : memref<256x32xf32, #tpu.memory_space<vmem>> -> memref<1x32xf32, #tpu.memory_space<vmem>>
      %dma_wait3A_1101 = arith.constant 0 : i32
      %dma_wait3A_1102 = arith.constant 0 : i32
      %dma_wait3A_1103 = tpu.memref_slice %arg2[%dma_wait3A_1101, %dma_wait3A_1102] : memref<1000000x32xf32, #tpu.memory_space<hbm>> -> memref<1x32xf32, #tpu.memory_space<hbm>>
      tpu.wait_dma2 semaphore(%arg16 : memref<!tpu.dma_semaphore, #tpu.memory_space<semaphore_mem>>) src(%dma_wait3A_1103 : memref<1x32xf32, #tpu.memory_space<hbm>>) dst(%dma_wait3A_1100 : memref<1x32xf32, #tpu.memory_space<vmem>>)
      %dma_wait3A_1104 = arith.constant 0 : i32
      %dma_wait3A_1105 = arith.constant 0 : i32
      %dma_wait3A_1106 = tpu.memref_slice %arg15[%dma_wait3A_1104, %dma_wait3A_1105] : memref<256x32xf32, #tpu.memory_space<vmem>> -> memref<1x32xf32, #tpu.memory_space<vmem>>
      %dma_wait3A_1107 = arith.constant 0 : i32
      %dma_wait3A_1108 = arith.constant 0 : i32
      %dma_wait3A_1109 = tpu.memref_slice %arg3[%dma_wait3A_1107, %dma_wait3A_1108] : memref<100000x32xf32, #tpu.memory_space<hbm>> -> memref<1x32xf32, #tpu.memory_space<hbm>>
      %dma_wait3A_1110 = arith.constant 0 : i32
      %dma_wait3A_1111 = arith.constant 0 : i32
      %dma_wait3A_1112 = tpu.memref_slice %arg15[%dma_wait3A_1110, %dma_wait3A_1111] : memref<256x32xf32, #tpu.memory_space<vmem>> -> memref<1x32xf32, #tpu.memory_space<vmem>>
      %dma_wait3A_1113 = arith.constant 0 : i32
      %dma_wait3A_1114 = arith.constant 0 : i32
      %dma_wait3A_1115 = tpu.memref_slice %arg3[%dma_wait3A_1113, %dma_wait3A_1114] : memref<100000x32xf32, #tpu.memory_space<hbm>> -> memref<1x32xf32, #tpu.memory_space<hbm>>
      tpu.wait_dma2 semaphore(%arg17 : memref<!tpu.dma_semaphore, #tpu.memory_space<semaphore_mem>>) src(%dma_wait3A_1115 : memref<1x32xf32, #tpu.memory_space<hbm>>) dst(%dma_wait3A_1112 : memref<1x32xf32, #tpu.memory_space<vmem>>)
      %dma_wait3A_1116 = arith.constant 0 : i32
      %dma_wait3A_1117 = arith.constant 0 : i32
      %dma_wait3A_1118 = tpu.memref_slice %arg14[%dma_wait3A_1116, %dma_wait3A_1117] : memref<256x32xf32, #tpu.memory_space<vmem>> -> memref<1x32xf32, #tpu.memory_space<vmem>>
      %dma_wait3A_1119 = arith.constant 0 : i32
      %dma_wait3A_1120 = arith.constant 0 : i32
      %dma_wait3A_1121 = tpu.memref_slice %arg2[%dma_wait3A_1119, %dma_wait3A_1120] : memref<1000000x32xf32, #tpu.memory_space<hbm>> -> memref<1x32xf32, #tpu.memory_space<hbm>>
      %dma_wait3A_1122 = arith.constant 0 : i32
      %dma_wait3A_1123 = arith.constant 0 : i32
      %dma_wait3A_1124 = tpu.memref_slice %arg14[%dma_wait3A_1122, %dma_wait3A_1123] : memref<256x32xf32, #tpu.memory_space<vmem>> -> memref<1x32xf32, #tpu.memory_space<vmem>>
      %dma_wait3A_1125 = arith.constant 0 : i32
      %dma_wait3A_1126 = arith.constant 0 : i32
      %dma_wait3A_1127 = tpu.memref_slice %arg2[%dma_wait3A_1125, %dma_wait3A_1126] : memref<1000000x32xf32, #tpu.memory_space<hbm>> -> memref<1x32xf32, #tpu.memory_space<hbm>>
      tpu.wait_dma2 semaphore(%arg16 : memref<!tpu.dma_semaphore, #tpu.memory_space<semaphore_mem>>) src(%dma_wait3A_1127 : memref<1x32xf32, #tpu.memory_space<hbm>>) dst(%dma_wait3A_1124 : memref<1x32xf32, #tpu.memory_space<vmem>>)
      %dma_wait3A_1128 = arith.constant 0 : i32
      %dma_wait3A_1129 = arith.constant 0 : i32
      %dma_wait3A_1130 = tpu.memref_slice %arg15[%dma_wait3A_1128, %dma_wait3A_1129] : memref<256x32xf32, #tpu.memory_space<vmem>> -> memref<1x32xf32, #tpu.memory_space<vmem>>
      %dma_wait3A_1131 = arith.constant 0 : i32
      %dma_wait3A_1132 = arith.constant 0 : i32
      %dma_wait3A_1133 = tpu.memref_slice %arg3[%dma_wait3A_1131, %dma_wait3A_1132] : memref<100000x32xf32, #tpu.memory_space<hbm>> -> memref<1x32xf32, #tpu.memory_space<hbm>>
      %dma_wait3A_1134 = arith.constant 0 : i32
      %dma_wait3A_1135 = arith.constant 0 : i32
      %dma_wait3A_1136 = tpu.memref_slice %arg15[%dma_wait3A_1134, %dma_wait3A_1135] : memref<256x32xf32, #tpu.memory_space<vmem>> -> memref<1x32xf32, #tpu.memory_space<vmem>>
      %dma_wait3A_1137 = arith.constant 0 : i32
      %dma_wait3A_1138 = arith.constant 0 : i32
      %dma_wait3A_1139 = tpu.memref_slice %arg3[%dma_wait3A_1137, %dma_wait3A_1138] : memref<100000x32xf32, #tpu.memory_space<hbm>> -> memref<1x32xf32, #tpu.memory_space<hbm>>
      tpu.wait_dma2 semaphore(%arg17 : memref<!tpu.dma_semaphore, #tpu.memory_space<semaphore_mem>>) src(%dma_wait3A_1139 : memref<1x32xf32, #tpu.memory_space<hbm>>) dst(%dma_wait3A_1136 : memref<1x32xf32, #tpu.memory_space<vmem>>)
      %dma_wait3A_1140 = arith.constant 0 : i32
      %dma_wait3A_1141 = arith.constant 0 : i32
      %dma_wait3A_1142 = tpu.memref_slice %arg14[%dma_wait3A_1140, %dma_wait3A_1141] : memref<256x32xf32, #tpu.memory_space<vmem>> -> memref<1x32xf32, #tpu.memory_space<vmem>>
      %dma_wait3A_1143 = arith.constant 0 : i32
      %dma_wait3A_1144 = arith.constant 0 : i32
      %dma_wait3A_1145 = tpu.memref_slice %arg2[%dma_wait3A_1143, %dma_wait3A_1144] : memref<1000000x32xf32, #tpu.memory_space<hbm>> -> memref<1x32xf32, #tpu.memory_space<hbm>>
      %dma_wait3A_1146 = arith.constant 0 : i32
      %dma_wait3A_1147 = arith.constant 0 : i32
      %dma_wait3A_1148 = tpu.memref_slice %arg14[%dma_wait3A_1146, %dma_wait3A_1147] : memref<256x32xf32, #tpu.memory_space<vmem>> -> memref<1x32xf32, #tpu.memory_space<vmem>>
      %dma_wait3A_1149 = arith.constant 0 : i32
      %dma_wait3A_1150 = arith.constant 0 : i32
      %dma_wait3A_1151 = tpu.memref_slice %arg2[%dma_wait3A_1149, %dma_wait3A_1150] : memref<1000000x32xf32, #tpu.memory_space<hbm>> -> memref<1x32xf32, #tpu.memory_space<hbm>>
      tpu.wait_dma2 semaphore(%arg16 : memref<!tpu.dma_semaphore, #tpu.memory_space<semaphore_mem>>) src(%dma_wait3A_1151 : memref<1x32xf32, #tpu.memory_space<hbm>>) dst(%dma_wait3A_1148 : memref<1x32xf32, #tpu.memory_space<vmem>>)
      %dma_wait3A_1152 = arith.constant 0 : i32
      %dma_wait3A_1153 = arith.constant 0 : i32
      %dma_wait3A_1154 = tpu.memref_slice %arg15[%dma_wait3A_1152, %dma_wait3A_1153] : memref<256x32xf32, #tpu.memory_space<vmem>> -> memref<1x32xf32, #tpu.memory_space<vmem>>
      %dma_wait3A_1155 = arith.constant 0 : i32
      %dma_wait3A_1156 = arith.constant 0 : i32
      %dma_wait3A_1157 = tpu.memref_slice %arg3[%dma_wait3A_1155, %dma_wait3A_1156] : memref<100000x32xf32, #tpu.memory_space<hbm>> -> memref<1x32xf32, #tpu.memory_space<hbm>>
      %dma_wait3A_1158 = arith.constant 0 : i32
      %dma_wait3A_1159 = arith.constant 0 : i32
      %dma_wait3A_1160 = tpu.memref_slice %arg15[%dma_wait3A_1158, %dma_wait3A_1159] : memref<256x32xf32, #tpu.memory_space<vmem>> -> memref<1x32xf32, #tpu.memory_space<vmem>>
      %dma_wait3A_1161 = arith.constant 0 : i32
      %dma_wait3A_1162 = arith.constant 0 : i32
      %dma_wait3A_1163 = tpu.memref_slice %arg3[%dma_wait3A_1161, %dma_wait3A_1162] : memref<100000x32xf32, #tpu.memory_space<hbm>> -> memref<1x32xf32, #tpu.memory_space<hbm>>
      tpu.wait_dma2 semaphore(%arg17 : memref<!tpu.dma_semaphore, #tpu.memory_space<semaphore_mem>>) src(%dma_wait3A_1163 : memref<1x32xf32, #tpu.memory_space<hbm>>) dst(%dma_wait3A_1160 : memref<1x32xf32, #tpu.memory_space<vmem>>)
      %dma_wait3A_1164 = arith.constant 0 : i32
      %dma_wait3A_1165 = arith.constant 0 : i32
      %dma_wait3A_1166 = tpu.memref_slice %arg14[%dma_wait3A_1164, %dma_wait3A_1165] : memref<256x32xf32, #tpu.memory_space<vmem>> -> memref<1x32xf32, #tpu.memory_space<vmem>>
      %dma_wait3A_1167 = arith.constant 0 : i32
      %dma_wait3A_1168 = arith.constant 0 : i32
      %dma_wait3A_1169 = tpu.memref_slice %arg2[%dma_wait3A_1167, %dma_wait3A_1168] : memref<1000000x32xf32, #tpu.memory_space<hbm>> -> memref<1x32xf32, #tpu.memory_space<hbm>>
      %dma_wait3A_1170 = arith.constant 0 : i32
      %dma_wait3A_1171 = arith.constant 0 : i32
      %dma_wait3A_1172 = tpu.memref_slice %arg14[%dma_wait3A_1170, %dma_wait3A_1171] : memref<256x32xf32, #tpu.memory_space<vmem>> -> memref<1x32xf32, #tpu.memory_space<vmem>>
      %dma_wait3A_1173 = arith.constant 0 : i32
      %dma_wait3A_1174 = arith.constant 0 : i32
      %dma_wait3A_1175 = tpu.memref_slice %arg2[%dma_wait3A_1173, %dma_wait3A_1174] : memref<1000000x32xf32, #tpu.memory_space<hbm>> -> memref<1x32xf32, #tpu.memory_space<hbm>>
      tpu.wait_dma2 semaphore(%arg16 : memref<!tpu.dma_semaphore, #tpu.memory_space<semaphore_mem>>) src(%dma_wait3A_1175 : memref<1x32xf32, #tpu.memory_space<hbm>>) dst(%dma_wait3A_1172 : memref<1x32xf32, #tpu.memory_space<vmem>>)
      %dma_wait3A_1176 = arith.constant 0 : i32
      %dma_wait3A_1177 = arith.constant 0 : i32
      %dma_wait3A_1178 = tpu.memref_slice %arg15[%dma_wait3A_1176, %dma_wait3A_1177] : memref<256x32xf32, #tpu.memory_space<vmem>> -> memref<1x32xf32, #tpu.memory_space<vmem>>
      %dma_wait3A_1179 = arith.constant 0 : i32
      %dma_wait3A_1180 = arith.constant 0 : i32
      %dma_wait3A_1181 = tpu.memref_slice %arg3[%dma_wait3A_1179, %dma_wait3A_1180] : memref<100000x32xf32, #tpu.memory_space<hbm>> -> memref<1x32xf32, #tpu.memory_space<hbm>>
      %dma_wait3A_1182 = arith.constant 0 : i32
      %dma_wait3A_1183 = arith.constant 0 : i32
      %dma_wait3A_1184 = tpu.memref_slice %arg15[%dma_wait3A_1182, %dma_wait3A_1183] : memref<256x32xf32, #tpu.memory_space<vmem>> -> memref<1x32xf32, #tpu.memory_space<vmem>>
      %dma_wait3A_1185 = arith.constant 0 : i32
      %dma_wait3A_1186 = arith.constant 0 : i32
      %dma_wait3A_1187 = tpu.memref_slice %arg3[%dma_wait3A_1185, %dma_wait3A_1186] : memref<100000x32xf32, #tpu.memory_space<hbm>> -> memref<1x32xf32, #tpu.memory_space<hbm>>
      tpu.wait_dma2 semaphore(%arg17 : memref<!tpu.dma_semaphore, #tpu.memory_space<semaphore_mem>>) src(%dma_wait3A_1187 : memref<1x32xf32, #tpu.memory_space<hbm>>) dst(%dma_wait3A_1184 : memref<1x32xf32, #tpu.memory_space<vmem>>)
      %dma_wait3A_1188 = arith.constant 0 : i32
      %dma_wait3A_1189 = arith.constant 0 : i32
      %dma_wait3A_1190 = tpu.memref_slice %arg14[%dma_wait3A_1188, %dma_wait3A_1189] : memref<256x32xf32, #tpu.memory_space<vmem>> -> memref<1x32xf32, #tpu.memory_space<vmem>>
      %dma_wait3A_1191 = arith.constant 0 : i32
      %dma_wait3A_1192 = arith.constant 0 : i32
      %dma_wait3A_1193 = tpu.memref_slice %arg2[%dma_wait3A_1191, %dma_wait3A_1192] : memref<1000000x32xf32, #tpu.memory_space<hbm>> -> memref<1x32xf32, #tpu.memory_space<hbm>>
      %dma_wait3A_1194 = arith.constant 0 : i32
      %dma_wait3A_1195 = arith.constant 0 : i32
      %dma_wait3A_1196 = tpu.memref_slice %arg14[%dma_wait3A_1194, %dma_wait3A_1195] : memref<256x32xf32, #tpu.memory_space<vmem>> -> memref<1x32xf32, #tpu.memory_space<vmem>>
      %dma_wait3A_1197 = arith.constant 0 : i32
      %dma_wait3A_1198 = arith.constant 0 : i32
      %dma_wait3A_1199 = tpu.memref_slice %arg2[%dma_wait3A_1197, %dma_wait3A_1198] : memref<1000000x32xf32, #tpu.memory_space<hbm>> -> memref<1x32xf32, #tpu.memory_space<hbm>>
      tpu.wait_dma2 semaphore(%arg16 : memref<!tpu.dma_semaphore, #tpu.memory_space<semaphore_mem>>) src(%dma_wait3A_1199 : memref<1x32xf32, #tpu.memory_space<hbm>>) dst(%dma_wait3A_1196 : memref<1x32xf32, #tpu.memory_space<vmem>>)
      %dma_wait3A_1200 = arith.constant 0 : i32
      %dma_wait3A_1201 = arith.constant 0 : i32
      %dma_wait3A_1202 = tpu.memref_slice %arg15[%dma_wait3A_1200, %dma_wait3A_1201] : memref<256x32xf32, #tpu.memory_space<vmem>> -> memref<1x32xf32, #tpu.memory_space<vmem>>
      %dma_wait3A_1203 = arith.constant 0 : i32
      %dma_wait3A_1204 = arith.constant 0 : i32
      %dma_wait3A_1205 = tpu.memref_slice %arg3[%dma_wait3A_1203, %dma_wait3A_1204] : memref<100000x32xf32, #tpu.memory_space<hbm>> -> memref<1x32xf32, #tpu.memory_space<hbm>>
      %dma_wait3A_1206 = arith.constant 0 : i32
      %dma_wait3A_1207 = arith.constant 0 : i32
      %dma_wait3A_1208 = tpu.memref_slice %arg15[%dma_wait3A_1206, %dma_wait3A_1207] : memref<256x32xf32, #tpu.memory_space<vmem>> -> memref<1x32xf32, #tpu.memory_space<vmem>>
      %dma_wait3A_1209 = arith.constant 0 : i32
      %dma_wait3A_1210 = arith.constant 0 : i32
      %dma_wait3A_1211 = tpu.memref_slice %arg3[%dma_wait3A_1209, %dma_wait3A_1210] : memref<100000x32xf32, #tpu.memory_space<hbm>> -> memref<1x32xf32, #tpu.memory_space<hbm>>
      tpu.wait_dma2 semaphore(%arg17 : memref<!tpu.dma_semaphore, #tpu.memory_space<semaphore_mem>>) src(%dma_wait3A_1211 : memref<1x32xf32, #tpu.memory_space<hbm>>) dst(%dma_wait3A_1208 : memref<1x32xf32, #tpu.memory_space<vmem>>)
      %dma_wait3A_1212 = arith.constant 0 : i32
      %dma_wait3A_1213 = arith.constant 0 : i32
      %dma_wait3A_1214 = tpu.memref_slice %arg14[%dma_wait3A_1212, %dma_wait3A_1213] : memref<256x32xf32, #tpu.memory_space<vmem>> -> memref<1x32xf32, #tpu.memory_space<vmem>>
      %dma_wait3A_1215 = arith.constant 0 : i32
      %dma_wait3A_1216 = arith.constant 0 : i32
      %dma_wait3A_1217 = tpu.memref_slice %arg2[%dma_wait3A_1215, %dma_wait3A_1216] : memref<1000000x32xf32, #tpu.memory_space<hbm>> -> memref<1x32xf32, #tpu.memory_space<hbm>>
      %dma_wait3A_1218 = arith.constant 0 : i32
      %dma_wait3A_1219 = arith.constant 0 : i32
      %dma_wait3A_1220 = tpu.memref_slice %arg14[%dma_wait3A_1218, %dma_wait3A_1219] : memref<256x32xf32, #tpu.memory_space<vmem>> -> memref<1x32xf32, #tpu.memory_space<vmem>>
      %dma_wait3A_1221 = arith.constant 0 : i32
      %dma_wait3A_1222 = arith.constant 0 : i32
      %dma_wait3A_1223 = tpu.memref_slice %arg2[%dma_wait3A_1221, %dma_wait3A_1222] : memref<1000000x32xf32, #tpu.memory_space<hbm>> -> memref<1x32xf32, #tpu.memory_space<hbm>>
      tpu.wait_dma2 semaphore(%arg16 : memref<!tpu.dma_semaphore, #tpu.memory_space<semaphore_mem>>) src(%dma_wait3A_1223 : memref<1x32xf32, #tpu.memory_space<hbm>>) dst(%dma_wait3A_1220 : memref<1x32xf32, #tpu.memory_space<vmem>>)
      %dma_wait3A_1224 = arith.constant 0 : i32
      %dma_wait3A_1225 = arith.constant 0 : i32
      %dma_wait3A_1226 = tpu.memref_slice %arg15[%dma_wait3A_1224, %dma_wait3A_1225] : memref<256x32xf32, #tpu.memory_space<vmem>> -> memref<1x32xf32, #tpu.memory_space<vmem>>
      %dma_wait3A_1227 = arith.constant 0 : i32
      %dma_wait3A_1228 = arith.constant 0 : i32
      %dma_wait3A_1229 = tpu.memref_slice %arg3[%dma_wait3A_1227, %dma_wait3A_1228] : memref<100000x32xf32, #tpu.memory_space<hbm>> -> memref<1x32xf32, #tpu.memory_space<hbm>>
      %dma_wait3A_1230 = arith.constant 0 : i32
      %dma_wait3A_1231 = arith.constant 0 : i32
      %dma_wait3A_1232 = tpu.memref_slice %arg15[%dma_wait3A_1230, %dma_wait3A_1231] : memref<256x32xf32, #tpu.memory_space<vmem>> -> memref<1x32xf32, #tpu.memory_space<vmem>>
      %dma_wait3A_1233 = arith.constant 0 : i32
      %dma_wait3A_1234 = arith.constant 0 : i32
      %dma_wait3A_1235 = tpu.memref_slice %arg3[%dma_wait3A_1233, %dma_wait3A_1234] : memref<100000x32xf32, #tpu.memory_space<hbm>> -> memref<1x32xf32, #tpu.memory_space<hbm>>
      tpu.wait_dma2 semaphore(%arg17 : memref<!tpu.dma_semaphore, #tpu.memory_space<semaphore_mem>>) src(%dma_wait3A_1235 : memref<1x32xf32, #tpu.memory_space<hbm>>) dst(%dma_wait3A_1232 : memref<1x32xf32, #tpu.memory_space<vmem>>)
    }
    %scan3A_622 = arith.constant 31 : i32
    %dma_wait3A_623 = arith.constant 0 : i32
    %dma_wait3A_624 = arith.constant 0 : i32
    %dma_wait3A_625 = tpu.memref_slice %arg14[%dma_wait3A_623, %dma_wait3A_624] : memref<256x32xf32, #tpu.memory_space<vmem>> -> memref<1x32xf32, #tpu.memory_space<vmem>>
    %dma_wait3A_626 = arith.constant 0 : i32
    %dma_wait3A_627 = arith.constant 0 : i32
    %dma_wait3A_628 = tpu.memref_slice %arg2[%dma_wait3A_626, %dma_wait3A_627] : memref<1000000x32xf32, #tpu.memory_space<hbm>> -> memref<1x32xf32, #tpu.memory_space<hbm>>
    %dma_wait3A_629 = arith.constant 0 : i32
    %dma_wait3A_630 = arith.constant 0 : i32
    %dma_wait3A_631 = tpu.memref_slice %arg14[%dma_wait3A_629, %dma_wait3A_630] : memref<256x32xf32, #tpu.memory_space<vmem>> -> memref<1x32xf32, #tpu.memory_space<vmem>>
    %dma_wait3A_632 = arith.constant 0 : i32
    %dma_wait3A_633 = arith.constant 0 : i32
    %dma_wait3A_634 = tpu.memref_slice %arg2[%dma_wait3A_632, %dma_wait3A_633] : memref<1000000x32xf32, #tpu.memory_space<hbm>> -> memref<1x32xf32, #tpu.memory_space<hbm>>
    tpu.wait_dma2 semaphore(%arg16 : memref<!tpu.dma_semaphore, #tpu.memory_space<semaphore_mem>>) src(%dma_wait3A_634 : memref<1x32xf32, #tpu.memory_space<hbm>>) dst(%dma_wait3A_631 : memref<1x32xf32, #tpu.memory_space<vmem>>)
    %dma_wait3A_635 = arith.constant 0 : i32
    %dma_wait3A_636 = arith.constant 0 : i32
    %dma_wait3A_637 = tpu.memref_slice %arg15[%dma_wait3A_635, %dma_wait3A_636] : memref<256x32xf32, #tpu.memory_space<vmem>> -> memref<1x32xf32, #tpu.memory_space<vmem>>
    %dma_wait3A_638 = arith.constant 0 : i32
    %dma_wait3A_639 = arith.constant 0 : i32
    %dma_wait3A_640 = tpu.memref_slice %arg3[%dma_wait3A_638, %dma_wait3A_639] : memref<100000x32xf32, #tpu.memory_space<hbm>> -> memref<1x32xf32, #tpu.memory_space<hbm>>
    %dma_wait3A_641 = arith.constant 0 : i32
    %dma_wait3A_642 = arith.constant 0 : i32
    %dma_wait3A_643 = tpu.memref_slice %arg15[%dma_wait3A_641, %dma_wait3A_642] : memref<256x32xf32, #tpu.memory_space<vmem>> -> memref<1x32xf32, #tpu.memory_space<vmem>>
    %dma_wait3A_644 = arith.constant 0 : i32
    %dma_wait3A_645 = arith.constant 0 : i32
    %dma_wait3A_646 = tpu.memref_slice %arg3[%dma_wait3A_644, %dma_wait3A_645] : memref<100000x32xf32, #tpu.memory_space<hbm>> -> memref<1x32xf32, #tpu.memory_space<hbm>>
    tpu.wait_dma2 semaphore(%arg17 : memref<!tpu.dma_semaphore, #tpu.memory_space<semaphore_mem>>) src(%dma_wait3A_646 : memref<1x32xf32, #tpu.memory_space<hbm>>) dst(%dma_wait3A_643 : memref<1x32xf32, #tpu.memory_space<vmem>>)
    %dma_wait3A_647 = arith.constant 0 : i32
    %dma_wait3A_648 = arith.constant 0 : i32
    %dma_wait3A_649 = tpu.memref_slice %arg14[%dma_wait3A_647, %dma_wait3A_648] : memref<256x32xf32, #tpu.memory_space<vmem>> -> memref<1x32xf32, #tpu.memory_space<vmem>>
    %dma_wait3A_650 = arith.constant 0 : i32
    %dma_wait3A_651 = arith.constant 0 : i32
    %dma_wait3A_652 = tpu.memref_slice %arg2[%dma_wait3A_650, %dma_wait3A_651] : memref<1000000x32xf32, #tpu.memory_space<hbm>> -> memref<1x32xf32, #tpu.memory_space<hbm>>
    %dma_wait3A_653 = arith.constant 0 : i32
    %dma_wait3A_654 = arith.constant 0 : i32
    %dma_wait3A_655 = tpu.memref_slice %arg14[%dma_wait3A_653, %dma_wait3A_654] : memref<256x32xf32, #tpu.memory_space<vmem>> -> memref<1x32xf32, #tpu.memory_space<vmem>>
    %dma_wait3A_656 = arith.constant 0 : i32
    %dma_wait3A_657 = arith.constant 0 : i32
    %dma_wait3A_658 = tpu.memref_slice %arg2[%dma_wait3A_656, %dma_wait3A_657] : memref<1000000x32xf32, #tpu.memory_space<hbm>> -> memref<1x32xf32, #tpu.memory_space<hbm>>
    tpu.wait_dma2 semaphore(%arg16 : memref<!tpu.dma_semaphore, #tpu.memory_space<semaphore_mem>>) src(%dma_wait3A_658 : memref<1x32xf32, #tpu.memory_space<hbm>>) dst(%dma_wait3A_655 : memref<1x32xf32, #tpu.memory_space<vmem>>)
    %dma_wait3A_659 = arith.constant 0 : i32
    %dma_wait3A_660 = arith.constant 0 : i32
    %dma_wait3A_661 = tpu.memref_slice %arg15[%dma_wait3A_659, %dma_wait3A_660] : memref<256x32xf32, #tpu.memory_space<vmem>> -> memref<1x32xf32, #tpu.memory_space<vmem>>
    %dma_wait3A_662 = arith.constant 0 : i32
    %dma_wait3A_663 = arith.constant 0 : i32
    %dma_wait3A_664 = tpu.memref_slice %arg3[%dma_wait3A_662, %dma_wait3A_663] : memref<100000x32xf32, #tpu.memory_space<hbm>> -> memref<1x32xf32, #tpu.memory_space<hbm>>
    %dma_wait3A_665 = arith.constant 0 : i32
    %dma_wait3A_666 = arith.constant 0 : i32
    %dma_wait3A_667 = tpu.memref_slice %arg15[%dma_wait3A_665, %dma_wait3A_666] : memref<256x32xf32, #tpu.memory_space<vmem>> -> memref<1x32xf32, #tpu.memory_space<vmem>>
    %dma_wait3A_668 = arith.constant 0 : i32
    %dma_wait3A_669 = arith.constant 0 : i32
    %dma_wait3A_670 = tpu.memref_slice %arg3[%dma_wait3A_668, %dma_wait3A_669] : memref<100000x32xf32, #tpu.memory_space<hbm>> -> memref<1x32xf32, #tpu.memory_space<hbm>>
    tpu.wait_dma2 semaphore(%arg17 : memref<!tpu.dma_semaphore, #tpu.memory_space<semaphore_mem>>) src(%dma_wait3A_670 : memref<1x32xf32, #tpu.memory_space<hbm>>) dst(%dma_wait3A_667 : memref<1x32xf32, #tpu.memory_space<vmem>>)
    %dma_wait3A_671 = arith.constant 0 : i32
    %dma_wait3A_672 = arith.constant 0 : i32
    %dma_wait3A_673 = tpu.memref_slice %arg14[%dma_wait3A_671, %dma_wait3A_672] : memref<256x32xf32, #tpu.memory_space<vmem>> -> memref<1x32xf32, #tpu.memory_space<vmem>>
    %dma_wait3A_674 = arith.constant 0 : i32
    %dma_wait3A_675 = arith.constant 0 : i32
    %dma_wait3A_676 = tpu.memref_slice %arg2[%dma_wait3A_674, %dma_wait3A_675] : memref<1000000x32xf32, #tpu.memory_space<hbm>> -> memref<1x32xf32, #tpu.memory_space<hbm>>
    %dma_wait3A_677 = arith.constant 0 : i32
    %dma_wait3A_678 = arith.constant 0 : i32
    %dma_wait3A_679 = tpu.memref_slice %arg14[%dma_wait3A_677, %dma_wait3A_678] : memref<256x32xf32, #tpu.memory_space<vmem>> -> memref<1x32xf32, #tpu.memory_space<vmem>>
    %dma_wait3A_680 = arith.constant 0 : i32
    %dma_wait3A_681 = arith.constant 0 : i32
    %dma_wait3A_682 = tpu.memref_slice %arg2[%dma_wait3A_680, %dma_wait3A_681] : memref<1000000x32xf32, #tpu.memory_space<hbm>> -> memref<1x32xf32, #tpu.memory_space<hbm>>
    tpu.wait_dma2 semaphore(%arg16 : memref<!tpu.dma_semaphore, #tpu.memory_space<semaphore_mem>>) src(%dma_wait3A_682 : memref<1x32xf32, #tpu.memory_space<hbm>>) dst(%dma_wait3A_679 : memref<1x32xf32, #tpu.memory_space<vmem>>)
    %dma_wait3A_683 = arith.constant 0 : i32
    %dma_wait3A_684 = arith.constant 0 : i32
    %dma_wait3A_685 = tpu.memref_slice %arg15[%dma_wait3A_683, %dma_wait3A_684] : memref<256x32xf32, #tpu.memory_space<vmem>> -> memref<1x32xf32, #tpu.memory_space<vmem>>
    %dma_wait3A_686 = arith.constant 0 : i32
    %dma_wait3A_687 = arith.constant 0 : i32
    %dma_wait3A_688 = tpu.memref_slice %arg3[%dma_wait3A_686, %dma_wait3A_687] : memref<100000x32xf32, #tpu.memory_space<hbm>> -> memref<1x32xf32, #tpu.memory_space<hbm>>
    %dma_wait3A_689 = arith.constant 0 : i32
    %dma_wait3A_690 = arith.constant 0 : i32
    %dma_wait3A_691 = tpu.memref_slice %arg15[%dma_wait3A_689, %dma_wait3A_690] : memref<256x32xf32, #tpu.memory_space<vmem>> -> memref<1x32xf32, #tpu.memory_space<vmem>>
    %dma_wait3A_692 = arith.constant 0 : i32
    %dma_wait3A_693 = arith.constant 0 : i32
    %dma_wait3A_694 = tpu.memref_slice %arg3[%dma_wait3A_692, %dma_wait3A_693] : memref<100000x32xf32, #tpu.memory_space<hbm>> -> memref<1x32xf32, #tpu.memory_space<hbm>>
    tpu.wait_dma2 semaphore(%arg17 : memref<!tpu.dma_semaphore, #tpu.memory_space<semaphore_mem>>) src(%dma_wait3A_694 : memref<1x32xf32, #tpu.memory_space<hbm>>) dst(%dma_wait3A_691 : memref<1x32xf32, #tpu.memory_space<vmem>>)
    %dma_wait3A_695 = arith.constant 0 : i32
    %dma_wait3A_696 = arith.constant 0 : i32
    %dma_wait3A_697 = tpu.memref_slice %arg14[%dma_wait3A_695, %dma_wait3A_696] : memref<256x32xf32, #tpu.memory_space<vmem>> -> memref<1x32xf32, #tpu.memory_space<vmem>>
    %dma_wait3A_698 = arith.constant 0 : i32
    %dma_wait3A_699 = arith.constant 0 : i32
    %dma_wait3A_700 = tpu.memref_slice %arg2[%dma_wait3A_698, %dma_wait3A_699] : memref<1000000x32xf32, #tpu.memory_space<hbm>> -> memref<1x32xf32, #tpu.memory_space<hbm>>
    %dma_wait3A_701 = arith.constant 0 : i32
    %dma_wait3A_702 = arith.constant 0 : i32
    %dma_wait3A_703 = tpu.memref_slice %arg14[%dma_wait3A_701, %dma_wait3A_702] : memref<256x32xf32, #tpu.memory_space<vmem>> -> memref<1x32xf32, #tpu.memory_space<vmem>>
    %dma_wait3A_704 = arith.constant 0 : i32
    %dma_wait3A_705 = arith.constant 0 : i32
    %dma_wait3A_706 = tpu.memref_slice %arg2[%dma_wait3A_704, %dma_wait3A_705] : memref<1000000x32xf32, #tpu.memory_space<hbm>> -> memref<1x32xf32, #tpu.memory_space<hbm>>
    tpu.wait_dma2 semaphore(%arg16 : memref<!tpu.dma_semaphore, #tpu.memory_space<semaphore_mem>>) src(%dma_wait3A_706 : memref<1x32xf32, #tpu.memory_space<hbm>>) dst(%dma_wait3A_703 : memref<1x32xf32, #tpu.memory_space<vmem>>)
    %dma_wait3A_707 = arith.constant 0 : i32
    %dma_wait3A_708 = arith.constant 0 : i32
    %dma_wait3A_709 = tpu.memref_slice %arg15[%dma_wait3A_707, %dma_wait3A_708] : memref<256x32xf32, #tpu.memory_space<vmem>> -> memref<1x32xf32, #tpu.memory_space<vmem>>
    %dma_wait3A_710 = arith.constant 0 : i32
    %dma_wait3A_711 = arith.constant 0 : i32
    %dma_wait3A_712 = tpu.memref_slice %arg3[%dma_wait3A_710, %dma_wait3A_711] : memref<100000x32xf32, #tpu.memory_space<hbm>> -> memref<1x32xf32, #tpu.memory_space<hbm>>
    %dma_wait3A_713 = arith.constant 0 : i32
    %dma_wait3A_714 = arith.constant 0 : i32
    %dma_wait3A_715 = tpu.memref_slice %arg15[%dma_wait3A_713, %dma_wait3A_714] : memref<256x32xf32, #tpu.memory_space<vmem>> -> memref<1x32xf32, #tpu.memory_space<vmem>>
    %dma_wait3A_716 = arith.constant 0 : i32
    %dma_wait3A_717 = arith.constant 0 : i32
    %dma_wait3A_718 = tpu.memref_slice %arg3[%dma_wait3A_716, %dma_wait3A_717] : memref<100000x32xf32, #tpu.memory_space<hbm>> -> memref<1x32xf32, #tpu.memory_space<hbm>>
    tpu.wait_dma2 semaphore(%arg17 : memref<!tpu.dma_semaphore, #tpu.memory_space<semaphore_mem>>) src(%dma_wait3A_718 : memref<1x32xf32, #tpu.memory_space<hbm>>) dst(%dma_wait3A_715 : memref<1x32xf32, #tpu.memory_space<vmem>>)
    %dma_wait3A_719 = arith.constant 0 : i32
    %dma_wait3A_720 = arith.constant 0 : i32
    %dma_wait3A_721 = tpu.memref_slice %arg14[%dma_wait3A_719, %dma_wait3A_720] : memref<256x32xf32, #tpu.memory_space<vmem>> -> memref<1x32xf32, #tpu.memory_space<vmem>>
    %dma_wait3A_722 = arith.constant 0 : i32
    %dma_wait3A_723 = arith.constant 0 : i32
    %dma_wait3A_724 = tpu.memref_slice %arg2[%dma_wait3A_722, %dma_wait3A_723] : memref<1000000x32xf32, #tpu.memory_space<hbm>> -> memref<1x32xf32, #tpu.memory_space<hbm>>
    %dma_wait3A_725 = arith.constant 0 : i32
    %dma_wait3A_726 = arith.constant 0 : i32
    %dma_wait3A_727 = tpu.memref_slice %arg14[%dma_wait3A_725, %dma_wait3A_726] : memref<256x32xf32, #tpu.memory_space<vmem>> -> memref<1x32xf32, #tpu.memory_space<vmem>>
    %dma_wait3A_728 = arith.constant 0 : i32
    %dma_wait3A_729 = arith.constant 0 : i32
    %dma_wait3A_730 = tpu.memref_slice %arg2[%dma_wait3A_728, %dma_wait3A_729] : memref<1000000x32xf32, #tpu.memory_space<hbm>> -> memref<1x32xf32, #tpu.memory_space<hbm>>
    tpu.wait_dma2 semaphore(%arg16 : memref<!tpu.dma_semaphore, #tpu.memory_space<semaphore_mem>>) src(%dma_wait3A_730 : memref<1x32xf32, #tpu.memory_space<hbm>>) dst(%dma_wait3A_727 : memref<1x32xf32, #tpu.memory_space<vmem>>)
    %dma_wait3A_731 = arith.constant 0 : i32
    %dma_wait3A_732 = arith.constant 0 : i32
    %dma_wait3A_733 = tpu.memref_slice %arg15[%dma_wait3A_731, %dma_wait3A_732] : memref<256x32xf32, #tpu.memory_space<vmem>> -> memref<1x32xf32, #tpu.memory_space<vmem>>
    %dma_wait3A_734 = arith.constant 0 : i32
    %dma_wait3A_735 = arith.constant 0 : i32
    %dma_wait3A_736 = tpu.memref_slice %arg3[%dma_wait3A_734, %dma_wait3A_735] : memref<100000x32xf32, #tpu.memory_space<hbm>> -> memref<1x32xf32, #tpu.memory_space<hbm>>
    %dma_wait3A_737 = arith.constant 0 : i32
    %dma_wait3A_738 = arith.constant 0 : i32
    %dma_wait3A_739 = tpu.memref_slice %arg15[%dma_wait3A_737, %dma_wait3A_738] : memref<256x32xf32, #tpu.memory_space<vmem>> -> memref<1x32xf32, #tpu.memory_space<vmem>>
    %dma_wait3A_740 = arith.constant 0 : i32
    %dma_wait3A_741 = arith.constant 0 : i32
    %dma_wait3A_742 = tpu.memref_slice %arg3[%dma_wait3A_740, %dma_wait3A_741] : memref<100000x32xf32, #tpu.memory_space<hbm>> -> memref<1x32xf32, #tpu.memory_space<hbm>>
    tpu.wait_dma2 semaphore(%arg17 : memref<!tpu.dma_semaphore, #tpu.memory_space<semaphore_mem>>) src(%dma_wait3A_742 : memref<1x32xf32, #tpu.memory_space<hbm>>) dst(%dma_wait3A_739 : memref<1x32xf32, #tpu.memory_space<vmem>>)
    %dma_wait3A_743 = arith.constant 0 : i32
    %dma_wait3A_744 = arith.constant 0 : i32
    %dma_wait3A_745 = tpu.memref_slice %arg14[%dma_wait3A_743, %dma_wait3A_744] : memref<256x32xf32, #tpu.memory_space<vmem>> -> memref<1x32xf32, #tpu.memory_space<vmem>>
    %dma_wait3A_746 = arith.constant 0 : i32
    %dma_wait3A_747 = arith.constant 0 : i32
    %dma_wait3A_748 = tpu.memref_slice %arg2[%dma_wait3A_746, %dma_wait3A_747] : memref<1000000x32xf32, #tpu.memory_space<hbm>> -> memref<1x32xf32, #tpu.memory_space<hbm>>
    %dma_wait3A_749 = arith.constant 0 : i32
    %dma_wait3A_750 = arith.constant 0 : i32
    %dma_wait3A_751 = tpu.memref_slice %arg14[%dma_wait3A_749, %dma_wait3A_750] : memref<256x32xf32, #tpu.memory_space<vmem>> -> memref<1x32xf32, #tpu.memory_space<vmem>>
    %dma_wait3A_752 = arith.constant 0 : i32
    %dma_wait3A_753 = arith.constant 0 : i32
    %dma_wait3A_754 = tpu.memref_slice %arg2[%dma_wait3A_752, %dma_wait3A_753] : memref<1000000x32xf32, #tpu.memory_space<hbm>> -> memref<1x32xf32, #tpu.memory_space<hbm>>
    tpu.wait_dma2 semaphore(%arg16 : memref<!tpu.dma_semaphore, #tpu.memory_space<semaphore_mem>>) src(%dma_wait3A_754 : memref<1x32xf32, #tpu.memory_space<hbm>>) dst(%dma_wait3A_751 : memref<1x32xf32, #tpu.memory_space<vmem>>)
    %dma_wait3A_755 = arith.constant 0 : i32
    %dma_wait3A_756 = arith.constant 0 : i32
    %dma_wait3A_757 = tpu.memref_slice %arg15[%dma_wait3A_755, %dma_wait3A_756] : memref<256x32xf32, #tpu.memory_space<vmem>> -> memref<1x32xf32, #tpu.memory_space<vmem>>
    %dma_wait3A_758 = arith.constant 0 : i32
    %dma_wait3A_759 = arith.constant 0 : i32
    %dma_wait3A_760 = tpu.memref_slice %arg3[%dma_wait3A_758, %dma_wait3A_759] : memref<100000x32xf32, #tpu.memory_space<hbm>> -> memref<1x32xf32, #tpu.memory_space<hbm>>
    %dma_wait3A_761 = arith.constant 0 : i32
    %dma_wait3A_762 = arith.constant 0 : i32
    %dma_wait3A_763 = tpu.memref_slice %arg15[%dma_wait3A_761, %dma_wait3A_762] : memref<256x32xf32, #tpu.memory_space<vmem>> -> memref<1x32xf32, #tpu.memory_space<vmem>>
    %dma_wait3A_764 = arith.constant 0 : i32
    %dma_wait3A_765 = arith.constant 0 : i32
    %dma_wait3A_766 = tpu.memref_slice %arg3[%dma_wait3A_764, %dma_wait3A_765] : memref<100000x32xf32, #tpu.memory_space<hbm>> -> memref<1x32xf32, #tpu.memory_space<hbm>>
    tpu.wait_dma2 semaphore(%arg17 : memref<!tpu.dma_semaphore, #tpu.memory_space<semaphore_mem>>) src(%dma_wait3A_766 : memref<1x32xf32, #tpu.memory_space<hbm>>) dst(%dma_wait3A_763 : memref<1x32xf32, #tpu.memory_space<vmem>>)
    %dma_wait3A_767 = arith.constant 0 : i32
    %dma_wait3A_768 = arith.constant 0 : i32
    %dma_wait3A_769 = tpu.memref_slice %arg14[%dma_wait3A_767, %dma_wait3A_768] : memref<256x32xf32, #tpu.memory_space<vmem>> -> memref<1x32xf32, #tpu.memory_space<vmem>>
    %dma_wait3A_770 = arith.constant 0 : i32
    %dma_wait3A_771 = arith.constant 0 : i32
    %dma_wait3A_772 = tpu.memref_slice %arg2[%dma_wait3A_770, %dma_wait3A_771] : memref<1000000x32xf32, #tpu.memory_space<hbm>> -> memref<1x32xf32, #tpu.memory_space<hbm>>
    %dma_wait3A_773 = arith.constant 0 : i32
    %dma_wait3A_774 = arith.constant 0 : i32
    %dma_wait3A_775 = tpu.memref_slice %arg14[%dma_wait3A_773, %dma_wait3A_774] : memref<256x32xf32, #tpu.memory_space<vmem>> -> memref<1x32xf32, #tpu.memory_space<vmem>>
    %dma_wait3A_776 = arith.constant 0 : i32
    %dma_wait3A_777 = arith.constant 0 : i32
    %dma_wait3A_778 = tpu.memref_slice %arg2[%dma_wait3A_776, %dma_wait3A_777] : memref<1000000x32xf32, #tpu.memory_space<hbm>> -> memref<1x32xf32, #tpu.memory_space<hbm>>
    tpu.wait_dma2 semaphore(%arg16 : memref<!tpu.dma_semaphore, #tpu.memory_space<semaphore_mem>>) src(%dma_wait3A_778 : memref<1x32xf32, #tpu.memory_space<hbm>>) dst(%dma_wait3A_775 : memref<1x32xf32, #tpu.memory_space<vmem>>)
    %dma_wait3A_779 = arith.constant 0 : i32
    %dma_wait3A_780 = arith.constant 0 : i32
    %dma_wait3A_781 = tpu.memref_slice %arg15[%dma_wait3A_779, %dma_wait3A_780] : memref<256x32xf32, #tpu.memory_space<vmem>> -> memref<1x32xf32, #tpu.memory_space<vmem>>
    %dma_wait3A_782 = arith.constant 0 : i32
    %dma_wait3A_783 = arith.constant 0 : i32
    %dma_wait3A_784 = tpu.memref_slice %arg3[%dma_wait3A_782, %dma_wait3A_783] : memref<100000x32xf32, #tpu.memory_space<hbm>> -> memref<1x32xf32, #tpu.memory_space<hbm>>
    %dma_wait3A_785 = arith.constant 0 : i32
    %dma_wait3A_786 = arith.constant 0 : i32
    %dma_wait3A_787 = tpu.memref_slice %arg15[%dma_wait3A_785, %dma_wait3A_786] : memref<256x32xf32, #tpu.memory_space<vmem>> -> memref<1x32xf32, #tpu.memory_space<vmem>>
    %dma_wait3A_788 = arith.constant 0 : i32
    %dma_wait3A_789 = arith.constant 0 : i32
    %dma_wait3A_790 = tpu.memref_slice %arg3[%dma_wait3A_788, %dma_wait3A_789] : memref<100000x32xf32, #tpu.memory_space<hbm>> -> memref<1x32xf32, #tpu.memory_space<hbm>>
    tpu.wait_dma2 semaphore(%arg17 : memref<!tpu.dma_semaphore, #tpu.memory_space<semaphore_mem>>) src(%dma_wait3A_790 : memref<1x32xf32, #tpu.memory_space<hbm>>) dst(%dma_wait3A_787 : memref<1x32xf32, #tpu.memory_space<vmem>>)
    %dma_wait3A_791 = arith.constant 0 : i32
    %dma_wait3A_792 = arith.constant 0 : i32
    %dma_wait3A_793 = tpu.memref_slice %arg14[%dma_wait3A_791, %dma_wait3A_792] : memref<256x32xf32, #tpu.memory_space<vmem>> -> memref<1x32xf32, #tpu.memory_space<vmem>>
    %dma_wait3A_794 = arith.constant 0 : i32
    %dma_wait3A_795 = arith.constant 0 : i32
    %dma_wait3A_796 = tpu.memref_slice %arg2[%dma_wait3A_794, %dma_wait3A_795] : memref<1000000x32xf32, #tpu.memory_space<hbm>> -> memref<1x32xf32, #tpu.memory_space<hbm>>
    %dma_wait3A_797 = arith.constant 0 : i32
    %dma_wait3A_798 = arith.constant 0 : i32
    %dma_wait3A_799 = tpu.memref_slice %arg14[%dma_wait3A_797, %dma_wait3A_798] : memref<256x32xf32, #tpu.memory_space<vmem>> -> memref<1x32xf32, #tpu.memory_space<vmem>>
    %dma_wait3A_800 = arith.constant 0 : i32
    %dma_wait3A_801 = arith.constant 0 : i32
    %dma_wait3A_802 = tpu.memref_slice %arg2[%dma_wait3A_800, %dma_wait3A_801] : memref<1000000x32xf32, #tpu.memory_space<hbm>> -> memref<1x32xf32, #tpu.memory_space<hbm>>
    tpu.wait_dma2 semaphore(%arg16 : memref<!tpu.dma_semaphore, #tpu.memory_space<semaphore_mem>>) src(%dma_wait3A_802 : memref<1x32xf32, #tpu.memory_space<hbm>>) dst(%dma_wait3A_799 : memref<1x32xf32, #tpu.memory_space<vmem>>)
    %dma_wait3A_803 = arith.constant 0 : i32
    %dma_wait3A_804 = arith.constant 0 : i32
    %dma_wait3A_805 = tpu.memref_slice %arg15[%dma_wait3A_803, %dma_wait3A_804] : memref<256x32xf32, #tpu.memory_space<vmem>> -> memref<1x32xf32, #tpu.memory_space<vmem>>
    %dma_wait3A_806 = arith.constant 0 : i32
    %dma_wait3A_807 = arith.constant 0 : i32
    %dma_wait3A_808 = tpu.memref_slice %arg3[%dma_wait3A_806, %dma_wait3A_807] : memref<100000x32xf32, #tpu.memory_space<hbm>> -> memref<1x32xf32, #tpu.memory_space<hbm>>
    %dma_wait3A_809 = arith.constant 0 : i32
    %dma_wait3A_810 = arith.constant 0 : i32
    %dma_wait3A_811 = tpu.memref_slice %arg15[%dma_wait3A_809, %dma_wait3A_810] : memref<256x32xf32, #tpu.memory_space<vmem>> -> memref<1x32xf32, #tpu.memory_space<vmem>>
    %dma_wait3A_812 = arith.constant 0 : i32
    %dma_wait3A_813 = arith.constant 0 : i32
    %dma_wait3A_814 = tpu.memref_slice %arg3[%dma_wait3A_812, %dma_wait3A_813] : memref<100000x32xf32, #tpu.memory_space<hbm>> -> memref<1x32xf32, #tpu.memory_space<hbm>>
    tpu.wait_dma2 semaphore(%arg17 : memref<!tpu.dma_semaphore, #tpu.memory_space<semaphore_mem>>) src(%dma_wait3A_814 : memref<1x32xf32, #tpu.memory_space<hbm>>) dst(%dma_wait3A_811 : memref<1x32xf32, #tpu.memory_space<vmem>>)
    %add3A_815 = arith.constant 256 : i32
    %add3A_816 = arith.addi %mul3A_2, %add3A_815 : i32
    "tpu.region"() ({
      %run_scoped3A = tpu.sem_alloc : memref<!tpu.dma_semaphore, #tpu.memory_space<semaphore_mem>>
      %dma_start3A_819 = arith.constant 0 : i32
      %dma_start3A_820 = tpu.memref_slice %arg6[%add3A_816, %dma_start3A_819] : memref<16384x32xf32, #tpu.memory_space<hbm>> -> memref<256x32xf32, #tpu.memory_space<hbm>>
      %dma_start3A_821 = arith.constant 0 : i32
      %dma_start3A_822 = tpu.memref_slice %arg6[%add3A_816, %dma_start3A_821] : memref<16384x32xf32, #tpu.memory_space<hbm>> -> memref<256x32xf32, #tpu.memory_space<hbm>>
      tpu.enqueue_dma source(%arg14 : memref<256x32xf32, #tpu.memory_space<vmem>>) target(%dma_start3A_822 : memref<256x32xf32, #tpu.memory_space<hbm>>) target_semaphore(%run_scoped3A : memref<!tpu.dma_semaphore, #tpu.memory_space<semaphore_mem>>)
      %dma_wait3A_823 = arith.constant 0 : i32
      %dma_wait3A_824 = tpu.memref_slice %arg6[%add3A_816, %dma_wait3A_823] : memref<16384x32xf32, #tpu.memory_space<hbm>> -> memref<256x32xf32, #tpu.memory_space<hbm>>
      %dma_wait3A_825 = arith.constant 0 : i32
      %dma_wait3A_826 = tpu.memref_slice %arg6[%add3A_816, %dma_wait3A_825] : memref<16384x32xf32, #tpu.memory_space<hbm>> -> memref<256x32xf32, #tpu.memory_space<hbm>>
      tpu.wait_dma2 semaphore(%run_scoped3A : memref<!tpu.dma_semaphore, #tpu.memory_space<semaphore_mem>>) src(%arg14 : memref<256x32xf32, #tpu.memory_space<vmem>>) dst(%dma_wait3A_826 : memref<256x32xf32, #tpu.memory_space<hbm>>)
      tpu.yield
    }) : () -> ()
    %add3A_817 = arith.constant 256 : i32
    %add3A_818 = arith.addi %mul3A_2, %add3A_817 : i32
    "tpu.region"() ({
      %run_scoped3A = tpu.sem_alloc : memref<!tpu.dma_semaphore, #tpu.memory_space<semaphore_mem>>
      %dma_start3A_819 = arith.constant 0 : i32
      %dma_start3A_820 = tpu.memref_slice %arg7[%add3A_818, %dma_start3A_819] : memref<16384x32xf32, #tpu.memory_space<hbm>> -> memref<256x32xf32, #tpu.memory_space<hbm>>
      %dma_start3A_821 = arith.constant 0 : i32
      %dma_start3A_822 = tpu.memref_slice %arg7[%add3A_818, %dma_start3A_821] : memref<16384x32xf32, #tpu.memory_space<hbm>> -> memref<256x32xf32, #tpu.memory_space<hbm>>
      tpu.enqueue_dma source(%arg15 : memref<256x32xf32, #tpu.memory_space<vmem>>) target(%dma_start3A_822 : memref<256x32xf32, #tpu.memory_space<hbm>>) target_semaphore(%run_scoped3A : memref<!tpu.dma_semaphore, #tpu.memory_space<semaphore_mem>>)
      %dma_wait3A_823 = arith.constant 0 : i32
      %dma_wait3A_824 = tpu.memref_slice %arg7[%add3A_818, %dma_wait3A_823] : memref<16384x32xf32, #tpu.memory_space<hbm>> -> memref<256x32xf32, #tpu.memory_space<hbm>>
      %dma_wait3A_825 = arith.constant 0 : i32
      %dma_wait3A_826 = tpu.memref_slice %arg7[%add3A_818, %dma_wait3A_825] : memref<16384x32xf32, #tpu.memory_space<hbm>> -> memref<256x32xf32, #tpu.memory_space<hbm>>
      tpu.wait_dma2 semaphore(%run_scoped3A : memref<!tpu.dma_semaphore, #tpu.memory_space<semaphore_mem>>) src(%arg15 : memref<256x32xf32, #tpu.memory_space<vmem>>) dst(%dma_wait3A_826 : memref<256x32xf32, #tpu.memory_space<hbm>>)
      tpu.yield
    }) : () -> ()
    return
  }
}

module attributes {stable_mosaic.version = 14 : i64} {
  func.func @_mlp_body(%arg0: i32, %arg1: memref<1024x32xf32, #tpu.memory_space<vmem>>, %arg2: memref<1024x32xf32, #tpu.memory_space<vmem>>, %arg3: memref<32x64xf32, #tpu.memory_space<vmem>>, %arg4: memref<32x64xf32, #tpu.memory_space<vmem>>, %arg5: memref<1x64xf32, #tpu.memory_space<vmem>>, %arg6: memref<64x32xf32, #tpu.memory_space<vmem>>, %arg7: memref<1x32xf32, #tpu.memory_space<vmem>>, %arg8: memref<1x32xf32, #tpu.memory_space<vmem>>, %arg9: memref<1x1xf32, #tpu.memory_space<vmem>>, %arg10: memref<1024xf32, #tpu.memory_space<vmem>>) attributes {dimension_semantics = [#tpu.dimension_semantics<arbitrary>], iteration_bounds = array<i64: 16>, scalar_prefetch = 0 : i64, scratch_operands = 0 : i64, tpu.core_type = #tpu.core_type<tc>, window_params = [{transform_indices = @transform_0, window_bounds = array<i64: 1024, 32>}, {transform_indices = @transform_1, window_bounds = array<i64: 1024, 32>}, {pipeline_mode = #tpu.pipeline_mode<synchronous>, transform_indices = @transform_2, window_bounds = array<i64: 32, 64>}, {pipeline_mode = #tpu.pipeline_mode<synchronous>, transform_indices = @transform_3, window_bounds = array<i64: 32, 64>}, {pipeline_mode = #tpu.pipeline_mode<synchronous>, transform_indices = @transform_4, window_bounds = array<i64: 1, 64>}, {pipeline_mode = #tpu.pipeline_mode<synchronous>, transform_indices = @transform_5, window_bounds = array<i64: 64, 32>}, {pipeline_mode = #tpu.pipeline_mode<synchronous>, transform_indices = @transform_6, window_bounds = array<i64: 1, 32>}, {pipeline_mode = #tpu.pipeline_mode<synchronous>, transform_indices = @transform_7, window_bounds = array<i64: 1, 32>}, {pipeline_mode = #tpu.pipeline_mode<synchronous>, transform_indices = @transform_8, window_bounds = array<i64: 1, 1>}, {transform_indices = @transform_9, window_bounds = array<i64: 1024>}]} {
    %get3A = arith.constant 0 : index
    %get3A_0 = arith.constant 0 : index
    %get3A_1 = vector.load %arg1[%get3A, %get3A_0] : memref<1024x32xf32, #tpu.memory_space<vmem>>, vector<1024x32xf32>
    %get3A_2 = arith.constant 0 : index
    %get3A_3 = arith.constant 0 : index
    %get3A_4 = vector.load %arg3[%get3A_2, %get3A_3] : memref<32x64xf32, #tpu.memory_space<vmem>>, vector<32x64xf32>
    %dot_general3A = arith.constant dense<0.000000e+00> : vector<1024x64xf32>
    %dot_general3A_5 = tpu.matmul %get3A_1, %get3A_4, %dot_general3A {dimension_numbers = #tpu.dot_dimension_numbers<[1], [0], [0], [1], [0, 0, 1, 1], [], []>, transpose_lhs_hint = false} : vector<1024x32xf32>, vector<32x64xf32>, vector<1024x64xf32> -> vector<1024x64xf32>
    %get3A_6 = arith.constant 0 : index
    %get3A_7 = arith.constant 0 : index
    %get3A_8 = vector.load %arg2[%get3A_6, %get3A_7] : memref<1024x32xf32, #tpu.memory_space<vmem>>, vector<1024x32xf32>
    %get3A_9 = arith.constant 0 : index
    %get3A_10 = arith.constant 0 : index
    %get3A_11 = vector.load %arg4[%get3A_9, %get3A_10] : memref<32x64xf32, #tpu.memory_space<vmem>>, vector<32x64xf32>
    %dot_general3A_12 = arith.constant dense<0.000000e+00> : vector<1024x64xf32>
    %dot_general3A_13 = tpu.matmul %get3A_8, %get3A_11, %dot_general3A_12 {dimension_numbers = #tpu.dot_dimension_numbers<[1], [0], [0], [1], [0, 0, 1, 1], [], []>, transpose_lhs_hint = false} : vector<1024x32xf32>, vector<32x64xf32>, vector<1024x64xf32> -> vector<1024x64xf32>
    %add3A = arith.addf %dot_general3A_5, %dot_general3A_13 : vector<1024x64xf32>
    %get3A_14 = arith.constant 0 : index
    %get3A_15 = arith.constant 0 : index
    %get3A_16 = vector.load %arg5[%get3A_14, %get3A_15] : memref<1x64xf32, #tpu.memory_space<vmem>>, vector<1x64xf32>
    %add3A_17 = vector.broadcast %get3A_16 : vector<1x64xf32> to vector<1024x64xf32>
    %add3A_18 = arith.addf %add3A, %add3A_17 : vector<1024x64xf32>
    %max3A = arith.constant 0.000000e+00 : f32
    %max3A_19 = vector.broadcast %max3A : f32 to vector<1024x64xf32>
    %max3A_20 = arith.maximumf %add3A_18, %max3A_19 : vector<1024x64xf32>
    %get3A_21 = arith.constant 0 : index
    %get3A_22 = arith.constant 0 : index
    %get3A_23 = vector.load %arg6[%get3A_21, %get3A_22] : memref<64x32xf32, #tpu.memory_space<vmem>>, vector<64x32xf32>
    %dot_general3A_24 = arith.constant dense<0.000000e+00> : vector<1024x32xf32>
    %dot_general3A_25 = tpu.matmul %max3A_20, %get3A_23, %dot_general3A_24 {dimension_numbers = #tpu.dot_dimension_numbers<[1], [0], [0], [1], [0, 0, 1, 1], [], []>, transpose_lhs_hint = false} : vector<1024x64xf32>, vector<64x32xf32>, vector<1024x32xf32> -> vector<1024x32xf32>
    %get3A_26 = arith.constant 0 : index
    %get3A_27 = arith.constant 0 : index
    %get3A_28 = vector.load %arg7[%get3A_26, %get3A_27] : memref<1x32xf32, #tpu.memory_space<vmem>>, vector<1x32xf32>
    %add3A_29 = vector.broadcast %get3A_28 : vector<1x32xf32> to vector<1024x32xf32>
    %add3A_30 = arith.addf %dot_general3A_25, %add3A_29 : vector<1024x32xf32>
    %max3A_31 = arith.constant 0.000000e+00 : f32
    %max3A_32 = vector.broadcast %max3A_31 : f32 to vector<1024x32xf32>
    %max3A_33 = arith.maximumf %add3A_30, %max3A_32 : vector<1024x32xf32>
    %get3A_34 = arith.constant 0 : index
    %get3A_35 = arith.constant 0 : index
    %get3A_36 = vector.load %arg8[%get3A_34, %get3A_35] : memref<1x32xf32, #tpu.memory_space<vmem>>, vector<1x32xf32>
    %mul3A = vector.broadcast %get3A_36 : vector<1x32xf32> to vector<1024x32xf32>
    %mul3A_37 = arith.mulf %max3A_33, %mul3A : vector<1024x32xf32>
    %reduce_sum3A = arith.constant dense<0.000000e+00> : vector<1024xf32>
    %reduce_sum3A_38 = vector.multi_reduction <add>, %mul3A_37, %reduce_sum3A [1] : vector<1024x32xf32> to vector<1024xf32>
    %get3A_39 = arith.constant 0 : index
    %get3A_40 = arith.constant 0 : index
    %get3A_41 = vector.load %arg9[%get3A_39, %get3A_40] : memref<1x1xf32, #tpu.memory_space<vmem>>, vector<1x1xf32>
    %get3A_42 = vector.extract %get3A_41[0, 0] : f32 from vector<1x1xf32>
    %add3A_43 = vector.broadcast %get3A_42 : f32 to vector<1024xf32>
    %add3A_44 = arith.addf %reduce_sum3A_38, %add3A_43 : vector<1024xf32>
    %swap3A = arith.constant 0 : index
    %swap3A_45 = vector.load %arg10[%swap3A] : memref<1024xf32, #tpu.memory_space<vmem>>, vector<1024xf32>
    tpu.vector_store %arg10[%swap3A], %add3A_44 {strides = array<i32>} : memref<1024xf32, #tpu.memory_space<vmem>>, vector<1024xf32>,
    return
  }
  func.func @transform_0(%arg0: i32) -> (i32, i32) {
    %c0_i32 = arith.constant 0 : i32
    %c0_i32_0 = arith.constant 0 : i32
    return %arg0, %c0_i32 : i32, i32
  }
  func.func @transform_1(%arg0: i32) -> (i32, i32) {
    %c0_i32 = arith.constant 0 : i32
    %c0_i32_0 = arith.constant 0 : i32
    return %arg0, %c0_i32 : i32, i32
  }
  func.func @transform_2(%arg0: i32) -> (i32, i32) {
    %c0_i32 = arith.constant 0 : i32
    %c0_i32_0 = arith.constant 0 : i32
    %c0_i32_1 = arith.constant 0 : i32
    return %c0_i32, %c0_i32_0 : i32, i32
  }
  func.func @transform_3(%arg0: i32) -> (i32, i32) {
    %c0_i32 = arith.constant 0 : i32
    %c0_i32_0 = arith.constant 0 : i32
    %c0_i32_1 = arith.constant 0 : i32
    return %c0_i32, %c0_i32_0 : i32, i32
  }
  func.func @transform_4(%arg0: i32) -> (i32, i32) {
    %c0_i32 = arith.constant 0 : i32
    %c0_i32_0 = arith.constant 0 : i32
    %c0_i32_1 = arith.constant 0 : i32
    return %c0_i32, %c0_i32_0 : i32, i32
  }
  func.func @transform_5(%arg0: i32) -> (i32, i32) {
    %c0_i32 = arith.constant 0 : i32
    %c0_i32_0 = arith.constant 0 : i32
    %c0_i32_1 = arith.constant 0 : i32
    return %c0_i32, %c0_i32_0 : i32, i32
  }
  func.func @transform_6(%arg0: i32) -> (i32, i32) {
    %c0_i32 = arith.constant 0 : i32
    %c0_i32_0 = arith.constant 0 : i32
    %c0_i32_1 = arith.constant 0 : i32
    return %c0_i32, %c0_i32_0 : i32, i32
  }
  func.func @transform_7(%arg0: i32) -> (i32, i32) {
    %c0_i32 = arith.constant 0 : i32
    %c0_i32_0 = arith.constant 0 : i32
    %c0_i32_1 = arith.constant 0 : i32
    return %c0_i32, %c0_i32_0 : i32, i32
  }
  func.func @transform_8(%arg0: i32) -> (i32, i32) {
    %c0_i32 = arith.constant 0 : i32
    %c0_i32_0 = arith.constant 0 : i32
    %c0_i32_1 = arith.constant 0 : i32
    return %c0_i32, %c0_i32_0 : i32, i32
  }
  func.func @transform_9(%arg0: i32) -> i32 {
    %c0_i32 = arith.constant 0 : i32
    return %arg0 : i32
  }
}

</mosaic_0001>

<sc_bundles>
// kernel: kernel.4.cloned.1.call-start
scs
__scs_entry_jumppad:
0x0: {  	(pc) =	sbr.rel $0x88, $3  }
0x1: {  	(tag) =	ssettag $0x0;
	lr =	simm.s32 $0x1  }
0x2: {  	[smem:$0x3F97] =	sst lr;
	_ =	strace $0xD0000000  }
0x3: {  	_ = 	snop  }
0x4: {  	_ = 	snop  }
0x5: {  	_ = 	snop  }
0x6: {  	_ = 	snop  }
0x7: {  	_ = 	snop  }
__scs_overlays_trampoline_lowered:
0x8: {  	[smem:$0x3FA6] =	sst s0  }
0x9: {  	[smem:$0x3FA7] =	sst s1  }
0xa: {  	[smem:$0x3FA8] =	sst s2  }
0xb: {  	[smem:$0x3FA9] =	sst s3  }
0xc: {  	[smem:$0x3FAA] =	sst s4  }
0xd: {  	[smem:$0x3FAB] =	sst s5  }
0xe: {  	[smem:$0x3FAC] =	sst s6  }
0xf: {  	[smem:$0x3FAD] =	sst s7  }
0x10: {  	[smem:$0x3FAE] =	sst s8  }
0x11: {  	[smem:$0x3FAF] =	sst s9;
	s0 =	simm.s32 @!p0 $0x0  }
0x12: {  	s1 =	sld [smem:$0x3F95];
	s0 =	simm.s32 @p0 $0x1  }
0x13: {  	[smem:$0x3FB0] =	sst s0;
	s0 =	simm.s32 @!p1 $0x0  }
0x14: {  	s2 =	sld [smem:$0x3F94];
	s0 =	simm.s32 @p1 $0x1  }
0x15: {  	[smem:$0x3FB1] =	sst s0;
	s0 =	simm.s32 @!p2 $0x0  }
0x16: {  	s3 =	sld [smem:$0x3FDB];
	s0 =	simm.s32 @p2 $0x1  }
0x17: {  	s4 =	simm.s32 $0x1BF5;
	[smem:$0x3FB3] =	sst s0  }
0x18: {  	s0 =	sld [smem:$0x3F96];
	_ =	swait.ge [sflag:s4], $0x0  }
0x19: {  	s7 =	sld [smem:$0x3F97]  }
0x1a: {  	s8 =	sadd.s32 $0xFFFFE003, lr  }
0x1b: {  	s9 =	sadd.s32 $0xFFFFFEF7, lr;
	s5 =	simm.s32 $0xFFFFFFFF;
	p2 =	slt.u32 s8, $0xFFFFF086  }
0x1c: {  	p1 =	slt.u32 s9, $0xF7A;
	s5 =	simm.s32 @!p2 $0x0  }
0x1d: {  	s5 =	simm.s32 @p1 $0x1;
	p0 =	seq.s32 s7, s2  }
0x1e: {  	s7 =	smul.u32 @!p0 $0xF7A, s2;
	p2 =	seq.s32 @!p0 s5, $0x0  }
0x1f: {  	s9 =	smul.u32 $0xF7A, s1;
	s8 =	simm.s32 @!p0 $0x1BF5;
	p2 =	por !p2, p0  }
0x20: {  	[sflag:s8] =	ssyncset.s32 @!p0 $0xFFFFF086;
	s6 =	sadd.s32 @!p0 s3, s7;
	s7 =	simm.s32 @!p0 $0x108  }
0x21: {  	s3 =	sadd.s32 s3, s9;
	s6 =	sadd.s32 @!p0 $0x88, s6;
	s7 =	simm.s32 @p2 $0x1082  }
0x22: {  	[simem:s7], [sflag:s8] =	dma.local @!p0 [hbm:s6], $0xF7A  }
0x23: {  	s9 =	sor.u32 $0xD0000000, s2;
	s6 =	simm.s32 $0x108;
	_ =	swait.ge @!p0 [sflag:s8], $0x0  }
0x24: {  	s3 =	sadd.s32 $0x88, s3;
	s6 =	simm.s32 @!p1 $0x1082;
	[sflag:s4] =	ssyncset.s32 $0xFFFFF086  }
0x25: {  	[simem:s6], [sflag:s4] =	dma.local [hbm:s3], $0xF7A  }
0x26: {  	[smem:$0x3F97] =	sst s1;
	(tag) =	ssettag s2;
	_ =	strace s9  }
0x27: {  	s1 =	sld [smem:$0x3FA7]  }
0x28: {  	s2 =	sld [smem:$0x3FA8]  }
0x29: {  	s4 =	sld [smem:$0x3FAA]  }
0x2a: {  	p0 =	seq.s32 s5, $0x0;
	s5 =	sld [smem:$0x3FAB]  }
0x2b: {  	s6 =	sld [smem:$0x3FAC]  }
0x2c: {  	s7 =	sld [smem:$0x3FAD]  }
0x2d: {  	s3 =	simm.s32 $0x108;
	s8 =	sld [smem:$0x3FAE]  }
0x2e: {  	s3 =	simm.s32 @!p0 $0x1082;
	s9 =	sld [smem:$0x3FAF]  }
0x2f: {  	lr =	sadd.s32 s0, s3;
	s0 =	sld [smem:$0x3FA6]  }
0x30: {  	s3 =	sld [smem:$0x3FA9]  }
0x31: {  	[smem:$0x3FB2] =	sst s10  }
0x32: {  	s10 =	sld [smem:$0x3FB0];
	_ =	sdelay $0x3  }
0x33: {  	p0 =	seq.s32 s10, $0x1;
	s10 =	sld [smem:$0x3FB2];
	_ =	sdelay $0x3  }
0x34: {  	[smem:$0x3FB2] =	sst s10  }
0x35: {  	s10 =	sld [smem:$0x3FB1];
	_ =	sdelay $0x3  }
0x36: {  	p1 =	seq.s32 s10, $0x1;
	s10 =	sld [smem:$0x3FB2];
	_ =	sdelay $0x3  }
0x37: {  	[smem:$0x3FB2] =	sst s10  }
0x38: {  	s10 =	sld [smem:$0x3FB3]  }
0x39: {  	_ = 	snop;
	(pc) =	sbr.ind lr, $3  }
0x3a: {  	_ = 	snop  }
0x3b: {  	_ = 	snop  }
0x3c: {  	p2 =	seq.s32 s10, $0x1;
	s10 =	sld [smem:$0x3FB2]  }
0x3d: {  	_ =	shalt  }
0x3e: {  	_ =	shalt  }
0x3f: {  	_ =	shalt  }
0x40: {  	_ =	shalt  }
0x41: {  	_ =	shalt  }
0x42: {  	_ =	shalt  }
0x43: {  	_ =	shalt  }
0x44: {  	_ =	shalt  }
0x45: {  	_ =	shalt  }
0x46: {  	_ =	shalt  }
0x47: {  	_ =	shalt  }
0x48: {  	_ =	shalt  }
0x49: {  	_ =	shalt  }
0x4a: {  	_ =	shalt  }
0x4b: {  	_ =	shalt  }
0x4c: {  	_ =	shalt  }
0x4d: {  	_ =	shalt  }
0x4e: {  	_ =	shalt  }
0x4f: {  	_ =	shalt  }
0x50: {  	_ =	shalt  }
0x51: {  	_ =	shalt  }
0x52: {  	_ =	shalt  }
0x53: {  	_ =	shalt  }
0x54: {  	_ =	shalt  }
0x55: {  	_ =	shalt  }
0x56: {  	_ =	shalt  }
0x57: {  	_ =	shalt  }
0x58: {  	_ =	shalt  }
0x59: {  	_ =	shalt  }
0x5a: {  	_ =	shalt  }
0x5b: {  	_ =	shalt  }
0x5c: {  	_ =	shalt  }
0x5d: {  	_ =	shalt  }
0x5e: {  	_ =	shalt  }
0x5f: {  	_ =	shalt  }
0x60: {  	_ =	shalt  }
0x61: {  	_ =	shalt  }
0x62: {  	_ =	shalt  }
0x63: {  	_ =	shalt  }
0x64: {  	_ =	shalt  }
0x65: {  	_ =	shalt  }
0x66: {  	_ =	shalt  }
0x67: {  	_ =	shalt  }
0x68: {  	_ =	shalt  }
0x69: {  	_ =	shalt  }
0x6a: {  	_ =	shalt  }
0x6b: {  	_ =	shalt  }
0x6c: {  	_ =	shalt  }
0x6d: {  	_ =	shalt  }
0x6e: {  	_ =	shalt  }
0x6f: {  	_ =	shalt  }
0x70: {  	_ =	shalt  }
0x71: {  	_ =	shalt  }
0x72: {  	_ =	shalt  }
0x73: {  	_ =	shalt  }
0x74: {  	_ =	shalt  }
0x75: {  	_ =	shalt  }
0x76: {  	_ =	shalt  }
0x77: {  	_ =	shalt  }
0x78: {  	_ =	shalt  }
0x79: {  	_ =	shalt  }
0x7a: {  	_ =	shalt  }
0x7b: {  	_ =	shalt  }
0x7c: {  	_ =	shalt  }
0x7d: {  	_ =	shalt  }
0x7e: {  	_ =	shalt  }
0x7f: {  	_ =	shalt  }
0x80: {  	_ =	shalt  }
0x81: {  	_ =	shalt  }
0x82: {  	_ =	shalt  }
0x83: {  	_ =	shalt  }
0x84: {  	_ =	shalt  }
0x85: {  	_ =	shalt  }
0x86: {  	_ =	shalt  }
0x87: {  	_ =	shalt  }
.Lfunc_end0:
.L_simem_size_0:
called_computation_lowered:
.L_overlay_start_0:
0x88: {  	s2 =	sld [smem:$0x3FD9]  }
0x89: {  	s3 =	sld [smem:$0x3FFE];
	_ =	sdelay $0x1  }
0x8a: {  	s1 =	srdreg.scid  }
0x8b: {  	s0 =	sand.u32 $0x1, s1  }
0x8c: {  	s17 =	sshll.u32 s0, $0xA;
	s2 =	sadd.s32 s3, s2  }
0x8d: {  	s2 =	sadd.s32 s2, s17  }
0x8e: {  	[smem:$0x3FBE] =	sst s2  }
0x8f: {  	_ = 	snop  }
0x90: {  	s2 =	sld [smem:$0x3FC9]  }
0x91: {  	s18 =	sld [smem:$0x3FC8];
	(tm) =	ssettm $0x1  }
0x92: {  	s4 =	sld [smem:$0x3FFB];
	_ =	sdelay $0x3  }
0x93: {  	_ =	strace s4  }
0x94: {  	s4 =	sld [smem:$0x3FFC];
	_ =	sdelay $0x3  }
0x95: {  	_ =	strace s4  }
0x96: {  	s4 =	sld [smem:$0x3FFD];
	_ =	sdelay $0x3  }
0x97: {  	_ =	strace s4  }
0x98: {  	_ =	strace $0x8FFFFFFF  }
0x99: {  	s19 =	sld [smem:$0x3FDB];
	_ =	sdelay $0x1  }
0x9a: {  	s5 =	simm.s32 $_scs_section_size  }
0x9b: {  	s6 =	simm.s32 $_size__tile_overlayer_lowered;
	s7 =	simm.s32 $_tile_overlayer_lowered  }
0x9c: {  	s22 =	simm.s32 $0x1BFF;
	s21 =	sshll.u32 s7, $0x1;
	s4 =	sadd.s32 s5, s19  }
0x9d: {  	s8 =	simm.s32 $0x0;
	s20 =	sshll.u32 s6, $0x1;
	s6 =	sadd.s32 s21, s4  }
0x9e: {  	[timem:s8], [sflag:s22] =	dma.local [hbm:s6], s20  }
0x9f: {  	_ =	swait.ge [sflag:s22], s20  }
0xa0: {  	s5 =	ssub.s32 $0x0, s20;
	[sflag:s22] =	ssyncset.done $0x0  }
0xa1: {  	[sflag:s22] =	ssyncadd.s32 s5;
	_ =	sdelay $0x1  }
0xa2: {  	s23 =	simm.s32 $0x1B8B  }
0xa3: {  	_ =	swait.ge [sflag:s23], $0x1  }
0xa4: {  	[sflag:s23] =	ssyncset.done $0x0  }
0xa5: {  	s25 =	simm.s32 $0x1B8E;
	s24 =	sld [smem:$0x3FFE];
	[sflag:s23] =	ssyncadd.s32 $0xFFFFFFFF  }
0xa6: {  	s26 =	simm.s32 $execute0_lowered;
	[smem:$0x3FD2] =	sst s25  }
0xa7: {  	s6 =	sshll.u32 s26, $0x1;
	_ =	strace $0x80000046;
	[dreg:$0x1] =	wrdreg $0xFFFFFFFF  }
0xa8: {  	s28 =	simm.s32 $_size_execute0_lowered;
	s4 =	sadd.s32 s4, s6;
	[dreg:$0x0] =	wrdreg $0x0  }
0xa9: {  	s6 =	sshll.u32 s28, $0x1;
	[dreg:$0x2] =	wrdreg s4  }
0xaa: {  	[dreg:$0x3] =	wrdreg s6  }
0xab: {  	[dreg:$0x4] =	wrdreg $0xC0  }
0xac: {  	_ =	task [dreg:s8], $0x5FFFF  }
0xad: {  	[dreg:$0x1] =	wrdreg $0xFFFFFFFF  }
0xae: {  	[dreg:$0x0] =	wrdreg $0x60  }
0xaf: {  	[dreg:$0x2] =	wrdreg s24  }
0xb0: {  	[dreg:$0x3] =	wrdreg s2  }
0xb1: {  	[dreg:$0x4] =	wrdreg s18  }
0xb2: {  	[dreg:$0x5] =	wrdreg $0x4000  }
0xb3: {  	[dreg:$0x6] =	wrdreg $0x8000  }
0xb4: {  	[dreg:$0x7] =	wrdreg $0x9  }
0xb5: {  	_ =	task.clear_ibuf [dreg:s8], $0x8FFFF;
	_ =	strace $0x90000046  }
0xb6: {  	s29 =	simm.s32 $0x9;
	_ =	strace $0x80000048  }
0xb7: {  	_ =	swait.ge [sflag:s29], $0x1  }
0xb8: {  	[sflag:s29] =	ssyncadd.s32 $0xFFFFFFFF  }
0xb9: {  	_ =	strace $0x90000048  }
0xba: {  	_ =	sfence  }
0xbb: {  	s30 =	sld [smem:$0x0];
	_ =	sdelay $0x2  }
0xbc: {  	s31 =	sshll.u32 s1, $0xD;
	s1 =	sshrl.u32 s1, $0x2  }
0xbd: {  	s3 =	sand.u32 $0x4000, s31;
	s1 =	sadd.s32 s1, s30  }
0xbe: {  	s0 =	sor.u32 s3, s0;
	s1 =	sshll.u32 s1, $0x11  }
0xbf: {  	s0 =	sor.u32 s1, s0  }
0xc0: {  	s0 =	sadd.s32 $0x8F2B, s0  }
0xc1: {  	[sflag:s0] =	ssyncadd.remote.s32 $0x1  }
0xc2: {  	_ =	sfence.sel $0xFFFF  }
0xc3: {  	[dreg:$0x0] =	wrdreg $0xFFFFFFFF;
	(pc) =	sbr.abs _section_cstart, $3  }
0xc4: {  	[dreg:$0x1] =	wrdreg $0xFFFFFFFF  }
0xc5: {  	_ =	task.clear_ibuf [dreg:s8], $0x2FFFF;
	_ =	strace $0x9FFFFFFF  }
0xc6: {  	(tm) =	ssettm $0x7FFFFFFF  }
0xc7: {  	_ =	shalt  }
tec
execute0_lowered:
.L_overlay_start_1:
0x0: {  	(tag) =	ssettag $0x1  }
0x1: {  	s0 =	rddreg [dreg:$0x0]  }
0x2: {  	s2 =	rddreg [dreg:$0x1]  }
0x3: {  	s5 =	rddreg [dreg:$0x2]  }
0x4: {  	s6 =	rddreg [dreg:$0x3]  }
0x5: {  	s8 =	rddreg [dreg:$0x4];
	s29 =	simm.s32 $0x0;
	s7 =	srdreg.scid  }
0x6: {  	s1 =	stileid.u32;
	[smem:$0x7FF] =	sst s29;
	s3 =	sadd.s32 $0x1A00, s0  }
0x7: {  	s4 =	sadd.s32 $0xF43E00, s0;
	s7 =	sand.u32 $0x1, s7;
	s11 =	sshll.u32 s1, $0x1  }
0x8: {  	s9 =	sadd.s32 $0x10CA800, s0;
	s10 =	ssub.s32 $0x2, s7;
	s7 =	sor.u32 s7, s11  }
0x9: {  	s0 =	sadd.s32 $0x110A800, s0;
	s13 =	sshll.u32 s1, $0xA;
	s11 =	sshll.u32 s7, $0x6  }
0xa: {  	_ =	strace $0x80000047;
	s12 =	sshrl.u32 s10, $0x1;
	s15 =	sadd.s32 s2, s11  }
0xb: {  	s18 =	sshll.u32 s7, $0xD;
	s17 =	sadd.s32 s5, s11;
	[dreg:$0xa] =	wrdreg s15  }
0xc: {  	s14 =	sshll.u32 s7, $0x7;
	s7 =	sadd.s32 s9, s18;
	[dreg:$0xb] =	wrdreg s17  }
0xd: {  	s21 =	sor.u32 $0x1000, s18;
	s5 =	sadd.s32 s0, s18;
	[dreg:$0xe] =	wrdreg s7  }
0xe: {  	s10 =	ssub.s32 s10, s12;
	[dreg:$0xf] =	wrdreg s5;
	s22 =	sadd.s32 s9, s21  }
0xf: {  	s16 =	sor.u32 s13, s14;
	s0 =	sadd.s32 s0, s21;
	[dreg:$0x10] =	wrdreg s22  }
0x10: {  	s2 =	sand.u32 $0x3380, s16;
	s23 =	smax.u32 s10, $0x1;
	[dreg:$0x11] =	wrdreg s0  }
0x11: {  	s19 =	sadd.s32 s2, s6;
	[dreg:$0x12] =	wrdreg s23  }
0x12: {  	s20 =	sadd.s32 s2, s8;
	[dreg:$0xc] =	wrdreg s19  }
0x13: {  	s24 =	sadd.s32 $0x400, s19;
	[dreg:$0xd] =	wrdreg s20  }
0x14: {  	s25 =	sadd.s32 $0x800, s19;
	[dreg:$0x13] =	wrdreg s24  }
0x15: {  	s5 =	simm.s32 $0x3;
	s26 =	sadd.s32 $0xC00, s19;
	[dreg:$0x14] =	wrdreg s25  }
0x16: {  	s9 =	simm.s32 $0xC00;
	s28 =	sadd.s32 $0x400, s20;
	[dreg:$0x15] =	wrdreg s26  }
0x17: {  	s10 =	simm.s32 $0x8C00;
	s30 =	sadd.s32 $0x800, s20;
	[dreg:$0x16] =	wrdreg s28  }
0x18: {  	s23 =	simm.s32 $0x1;
	s31 =	sadd.s32 $0xC00, s20;
	[dreg:$0x17] =	wrdreg s30  }
0x19: {  	s0 =	simm.s32 $0x2;
	s2 =	simm.s32 $0x0;
	[dreg:$0x18] =	wrdreg s31  }
.LBB2_1:
0x1a: {  	[dreg:$0x19] =	wrdreg s2  }
0x1b: {  	s1 =	rddreg [dreg:$0xa]  }
0x1c: {  	[tilespmem:s29], [sflag:$0x3] =	stream.linear.gather [hbm4b:s1+s29], $0x200, $0x38;
	[tilespmem:$0x10C00] =	vst v63  }
0x1d: {  	_ =	swait.ge [sflag:s5], $0x200  }
0x1e: {  	[sflag:s5] =	ssyncset.done $0x0  }
0x1f: {  	s6 =	simm.s32 $0x200;
	s14 =	rddreg [dreg:$0xb];
	[sflag:s5] =	ssyncadd.s32 $0xFFFFFE00  }
0x20: {  	[tilespmem:s6], [sflag:$0x3] =	stream.linear.gather [hbm4b:s14+s29], $0x200, $0x38;
	[tilespmem:$0x10C00] =	vst v63  }
0x21: {  	_ =	swait.ge [sflag:s5], $0x200  }
0x22: {  	s7 =	simm.s32 $0x80;
	[sflag:s5] =	ssyncset.done $0x0  }
0x23: {  	s8 =	simm.s32 $0x400;
	s15 =	rddreg [dreg:$0xc];
	[sflag:s5] =	ssyncadd.s32 $0xFFFFFE00  }
0x24: {  	[spmem:s15] =	stream.strided.scatter [tilespmem:s29], [sflag:$0x3], $0x200, s8, s7, $0x38;
	[tilespmem:$0x10C00] =	vst v63  }
0x25: {  	_ =	swait.ge [sflag:s5], $0x200  }
0x26: {  	[sflag:s5] =	ssyncset.done $0x0  }
0x27: {  	s16 =	rddreg [dreg:$0xd];
	[sflag:s5] =	ssyncadd.s32 $0xFFFFFE00  }
0x28: {  	[spmem:s16] =	stream.strided.scatter [tilespmem:s6], [sflag:$0x3], $0x200, s8, s7, $0x38;
	[tilespmem:$0x10C00] =	vst v63  }
0x29: {  	_ =	swait.ge [sflag:s5], $0x200  }
0x2a: {  	[sflag:s5] =	ssyncset.done $0x0  }
0x2b: {  	[sflag:s5] =	ssyncadd.s32 $0xFFFFFE00  }
0x2c: {  	[smem:s29], [sflag:$0x3] =	stream.linear.gather [spmem:s15], $0x80, $0x38;
	[tilespmem:$0x10C00] =	vst v63  }
0x2d: {  	s1 =	rddreg [dreg:$0x13]  }
0x2e: {  	[smem:s7], [sflag:$0x3] =	stream.linear.gather [spmem:s1], $0x80, $0x38;
	[tilespmem:$0x10C00] =	vst v63  }
0x2f: {  	s17 =	simm.s32 $0x100;
	s1 =	rddreg [dreg:$0x14]  }
0x30: {  	[smem:s17], [sflag:$0x3] =	stream.linear.gather [spmem:s1], $0x80, $0x38;
	[tilespmem:$0x10C00] =	vst v63  }
0x31: {  	s18 =	simm.s32 $0x180;
	s1 =	rddreg [dreg:$0x15]  }
0x32: {  	[smem:s18], [sflag:$0x3] =	stream.linear.gather [spmem:s1], $0x80, $0x38;
	[tilespmem:$0x10C00] =	vst v63  }
0x33: {  	_ =	swait.ge [sflag:s5], $0x200  }
0x34: {  	[sflag:s5] =	ssyncset.done $0x0  }
0x35: {  	[sflag:s5] =	ssyncadd.s32 $0xFFFFFE00  }
0x36: {  	[smem:s6], [sflag:$0x3] =	stream.linear.gather [spmem:s16], $0x80, $0x38;
	[tilespmem:$0x10C00] =	vst v63  }
0x37: {  	s20 =	simm.s32 $0x280;
	s19 =	rddreg [dreg:$0x16]  }
0x38: {  	[smem:s20], [sflag:$0x3] =	stream.linear.gather [spmem:s19], $0x80, $0x38;
	[tilespmem:$0x10C00] =	vst v63  }
0x39: {  	s21 =	simm.s32 $0x300;
	s1 =	rddreg [dreg:$0x17]  }
0x3a: {  	[smem:s21], [sflag:$0x3] =	stream.linear.gather [spmem:s1], $0x80, $0x38;
	[tilespmem:$0x10C00] =	vst v63  }
0x3b: {  	s22 =	simm.s32 $0x380;
	s1 =	rddreg [dreg:$0x18]  }
0x3c: {  	[smem:s22], [sflag:$0x3] =	stream.linear.gather [spmem:s1], $0x80, $0x38;
	[tilespmem:$0x10C00] =	vst v63  }
0x3d: {  	_ =	swait.ge [sflag:s5], $0x200  }
0x3e: {  	[sflag:s5] =	ssyncset.done $0x0  }
0x3f: {  	[sflag:s5] =	ssyncadd.s32 $0xFFFFFE00  }
0x40: {  	s24 =	sld [smem:$0x0];
	_ =	sdelay $0x1  }
0x41: {  	s5 =	sld [smem:$0x200]  }
0x42: {  	s2 =	sshll.u32 s24, $0x4  }
0x43: {  	s2 =	sand.u32 $0x1FFFFFF0, s2  }
0x44: {  	s26 =	sld [smem:$0x1];
	s25 =	sshll.u32 s5, $0x4;
	s2 =	sadd.s32 s3, s2  }
0x45: {  	[tilespmem:s9], [sflag:$0x1] =	stream.linear.gather [hbm4b:s2+s29], $0x80, $0x38;
	[tilespmem:$0x10C00] =	vst v63  }
0x46: {  	s2 =	sand.u32 $0x1FFFFFF0, s25  }
0x47: {  	s31 =	sld [smem:$0x201];
	s30 =	sshll.u32 s26, $0x4;
	s2 =	sadd.s32 s4, s2  }
0x48: {  	[tilespmem:s10], [sflag:$0x2] =	stream.linear.gather [hbm4b:s2+s29], $0x80, $0x38;
	[tilespmem:$0x10C00] =	vst v63  }
0x49: {  	s6 =	simm.s32 $0xC80;
	s2 =	sand.u32 $0x1FFFFFF0, s30  }
0x4a: {  	s8 =	sld [smem:$0x2];
	s7 =	sshll.u32 s31, $0x4;
	s2 =	sadd.s32 s3, s2  }
0x4b: {  	[tilespmem:s6], [sflag:$0x1] =	stream.linear.gather [hbm4b:s2+s29], $0x80, $0x38;
	[tilespmem:$0x10C00] =	vst v63  }
0x4c: {  	s11 =	sld [smem:$0x202];
	s2 =	sand.u32 $0x1FFFFFF0, s7  }
0x4d: {  	s9 =	simm.s32 $0x8C80;
	s10 =	sshll.u32 s8, $0x4;
	s2 =	sadd.s32 s4, s2  }
0x4e: {  	[tilespmem:s9], [sflag:$0x2] =	stream.linear.gather [hbm4b:s2+s29], $0x80, $0x38;
	[tilespmem:$0x10C00] =	vst v63  }
0x4f: {  	s12 =	simm.s32 $0xD00;
	s2 =	sand.u32 $0x1FFFFFF0, s10  }
0x50: {  	s14 =	sld [smem:$0x3];
	s13 =	sshll.u32 s11, $0x4;
	s2 =	sadd.s32 s3, s2  }
0x51: {  	[tilespmem:s12], [sflag:$0x1] =	stream.linear.gather [hbm4b:s2+s29], $0x80, $0x38;
	[tilespmem:$0x10C00] =	vst v63  }
0x52: {  	s15 =	simm.s32 $0x8D00;
	s2 =	sand.u32 $0x1FFFFFF0, s13  }
0x53: {  	s17 =	sld [smem:$0x203];
	s16 =	sshll.u32 s14, $0x4;
	s2 =	sadd.s32 s4, s2  }
0x54: {  	[tilespmem:s15], [sflag:$0x2] =	stream.linear.gather [hbm4b:s2+s29], $0x80, $0x38;
	[tilespmem:$0x10C00] =	vst v63  }
0x55: {  	s18 =	simm.s32 $0xD80;
	s2 =	sand.u32 $0x1FFFFFF0, s16  }
0x56: {  	s20 =	sld [smem:$0x4];
	s19 =	sshll.u32 s17, $0x4;
	s2 =	sadd.s32 s3, s2  }
0x57: {  	[tilespmem:s18], [sflag:$0x1] =	stream.linear.gather [hbm4b:s2+s29], $0x80, $0x38;
	[tilespmem:$0x10C00] =	vst v63  }
0x58: {  	s21 =	simm.s32 $0x8D80;
	s2 =	sand.u32 $0x1FFFFFF0, s19  }
0x59: {  	s22 =	sshll.u32 s20, $0x4;
	s24 =	sld [smem:$0x204];
	s2 =	sadd.s32 s4, s2  }
0x5a: {  	[tilespmem:s21], [sflag:$0x2] =	stream.linear.gather [hbm4b:s2+s29], $0x80, $0x38;
	[tilespmem:$0x10C00] =	vst v63  }
0x5b: {  	s25 =	simm.s32 $0xE00;
	s2 =	sand.u32 $0x1FFFFFF0, s22  }
0x5c: {  	s26 =	sshll.u32 s24, $0x4;
	s30 =	sld [smem:$0x5];
	s2 =	sadd.s32 s3, s2  }
0x5d: {  	[tilespmem:s25], [sflag:$0x1] =	stream.linear.gather [hbm4b:s2+s29], $0x80, $0x38;
	[tilespmem:$0x10C00] =	vst v63  }
0x5e: {  	s31 =	simm.s32 $0x8E00;
	s2 =	sand.u32 $0x1FFFFFF0, s26  }
0x5f: {  	s7 =	sld [smem:$0x205];
	s6 =	sshll.u32 s30, $0x4;
	s2 =	sadd.s32 s4, s2  }
0x60: {  	[tilespmem:s31], [sflag:$0x2] =	stream.linear.gather [hbm4b:s2+s29], $0x80, $0x38;
	[tilespmem:$0x10C00] =	vst v63  }
0x61: {  	s8 =	simm.s32 $0xE80;
	s2 =	sand.u32 $0x1FFFFFF0, s6  }
0x62: {  	s10 =	sld [smem:$0x6];
	s9 =	sshll.u32 s7, $0x4;
	s2 =	sadd.s32 s3, s2  }
0x63: {  	[tilespmem:s8], [sflag:$0x1] =	stream.linear.gather [hbm4b:s2+s29], $0x80, $0x38;
	[tilespmem:$0x10C00] =	vst v63  }
0x64: {  	s11 =	simm.s32 $0x8E80;
	s2 =	sand.u32 $0x1FFFFFF0, s9  }
0x65: {  	s13 =	sld [smem:$0x206];
	s12 =	sshll.u32 s10, $0x4;
	s2 =	sadd.s32 s4, s2  }
0x66: {  	[tilespmem:s11], [sflag:$0x2] =	stream.linear.gather [hbm4b:s2+s29], $0x80, $0x38;
	[tilespmem:$0x10C00] =	vst v63  }
0x67: {  	s14 =	simm.s32 $0xF00;
	s2 =	sand.u32 $0x1FFFFFF0, s12  }
0x68: {  	s16 =	sld [smem:$0x7];
	s15 =	sshll.u32 s13, $0x4;
	s2 =	sadd.s32 s3, s2  }
0x69: {  	[tilespmem:s14], [sflag:$0x1] =	stream.linear.gather [hbm4b:s2+s29], $0x80, $0x38;
	[tilespmem:$0x10C00] =	vst v63  }
0x6a: {  	s17 =	simm.s32 $0x8F00;
	s2 =	sand.u32 $0x1FFFFFF0, s15  }
0x6b: {  	s19 =	sld [smem:$0x207];
	s18 =	sshll.u32 s16, $0x4;
	s2 =	sadd.s32 s4, s2  }
0x6c: {  	[tilespmem:s17], [sflag:$0x2] =	stream.linear.gather [hbm4b:s2+s29], $0x80, $0x38;
	[tilespmem:$0x10C00] =	vst v63  }
0x6d: {  	s2 =	sand.u32 $0x1FFFFFF0, s18  }
0x6e: {  	s20 =	simm.s32 $0xF80;
	s21 =	sshll.u32 s19, $0x4;
	s2 =	sadd.s32 s3, s2  }
0x6f: {  	[tilespmem:s20], [sflag:$0x1] =	stream.linear.gather [hbm4b:s2+s29], $0x80, $0x38;
	[tilespmem:$0x10C00] =	vst v63  }
0x70: {  	s2 =	sand.u32 $0x1FFFFFF0, s21  }
0x71: {  	s22 =	simm.s32 $0x8F80;
	s2 =	sadd.s32 s4, s2  }
0x72: {  	[tilespmem:s22], [sflag:$0x2] =	stream.linear.gather [hbm4b:s2+s29], $0x80, $0x38;
	[tilespmem:$0x10C00] =	vst v63  }
0x73: {  	s2 =	sld [smem:$0x208]  }
0x74: {  	s28 =	simm.s32 $0x9300;
	s30 =	simm.s32 $0x9000;
	s24 =	sld [smem:$0x8]  }
0x75: {  	s13 =	simm.s32 $0x1180;
	s25 =	simm.s32 $0x1000;
	s12 =	simm.s32 $0x1080  }
0x76: {  	s14 =	simm.s32 $0x9080;
	s17 =	simm.s32 $0x9100;
	s26 =	sld [smem:$0x209]  }
0x77: {  	s11 =	sld [smem:$0x9];
	s2 =	sshll.u32 s2, $0x4;
	s5 =	sshll.u32 s24, $0x4  }
0x78: {  	s18 =	simm.s32 $0x1100;
	s2 =	sand.u32 $0x1FFFFFF0, s2;
	s15 =	sand.u32 $0x1FFFFFF0, s5  }
0x79: {  	s5 =	sld [smem:$0x20F];
	s2 =	sadd.s32 s4, s2;
	s8 =	sshll.u32 s26, $0x4  }
0x7a: {  	s15 =	sadd.s32 s3, s15;
	s16 =	sld [smem:$0xA];
	s31 =	sshll.u32 s11, $0x4  }
0x7b: {  	[tilespmem:s25], [sflag:$0x1] =	stream.linear.gather [hbm4b:s15+s29], $0x80, $0x38;
	[tilespmem:$0x10C00] =	vst v63  }
0x7c: {  	s26 =	simm.s32 $0x9180;
	s6 =	sand.u32 $0x1FFFFFF0, s31;
	s1 =	sld [smem:$0x20A]  }
0x7d: {  	s25 =	simm.s32 $0x1200;
	s15 =	simm.s32 $0x17;
	s7 =	sld [smem:$0xB]  }
0x7e: {  	[tilespmem:s30], [sflag:$0x2] =	stream.linear.gather [hbm4b:s2+s29], $0x80, $0x38;
	[tilespmem:$0x10C00] =	vst v63  }
0x7f: {  	s10 =	sadd.s32 s3, s6;
	s16 =	sshll.u32 s16, $0x4;
	s6 =	sld [smem:$0xF]  }
0x80: {  	[tilespmem:s12], [sflag:$0x1] =	stream.linear.gather [hbm4b:s10+s29], $0x80, $0x38;
	[tilespmem:$0x10C00] =	vst v63  }
0x81: {  	s5 =	sshll.u32 s5, $0x4;
	s2 =	sand.u32 $0x1FFFFFF0, s8;
	s19 =	sand.u32 $0x1FFFFFF0, s16  }
0x82: {  	s2 =	sadd.s32 s4, s2;
	s11 =	sshll.u32 s1, $0x4;
	s10 =	sadd.s32 s3, s19  }
0x83: {  	[tilespmem:s14], [sflag:$0x2] =	stream.linear.gather [hbm4b:s2+s29], $0x80, $0x38;
	[tilespmem:$0x10C00] =	vst v63  }
0x84: {  	s11 =	sand.u32 $0x1FFFFFF0, s11;
	s21 =	sshll.u32 s7, $0x4;
	s20 =	sld [smem:$0x20B]  }
0x85: {  	[tilespmem:s18], [sflag:$0x1] =	stream.linear.gather [hbm4b:s10+s29], $0x80, $0x38;
	[tilespmem:$0x10C00] =	vst v63  }
0x86: {  	s22 =	sadd.s32 s4, s11;
	s2 =	sand.u32 $0x1FFFFFF0, s21;
	s24 =	sld [smem:$0xC]  }
0x87: {  	[tilespmem:s17], [sflag:$0x2] =	stream.linear.gather [hbm4b:s22+s29], $0x80, $0x38;
	[tilespmem:$0x10C00] =	vst v63  }
0x88: {  	s19 =	simm.s32 $0x1280;
	s2 =	sadd.s32 s3, s2;
	s17 =	sld [smem:$0x20E]  }
0x89: {  	[tilespmem:s13], [sflag:$0x1] =	stream.linear.gather [hbm4b:s2+s29], $0x80, $0x38;
	[tilespmem:$0x10C00] =	vst v63  }
0x8a: {  	s14 =	simm.s32 $0x9200;
	s6 =	sshll.u32 s6, $0x4;
	s30 =	sshll.u32 s20, $0x4  }
0x8b: {  	s7 =	sld [smem:$0x20C];
	s31 =	sand.u32 $0x1FFFFFF0, s30;
	s1 =	sshll.u32 s24, $0x4  }
0x8c: {  	s8 =	sld [smem:$0xD];
	s2 =	sadd.s32 s4, s31;
	s9 =	sand.u32 $0x1FFFFFF0, s1  }
0x8d: {  	[tilespmem:s26], [sflag:$0x2] =	stream.linear.gather [hbm4b:s2+s29], $0x80, $0x38;
	[tilespmem:$0x10C00] =	vst v63  }
0x8e: {  	s9 =	sadd.s32 s3, s9;
	s12 =	sshll.u32 s7, $0x4;
	s13 =	sld [smem:$0x20D]  }
0x8f: {  	[tilespmem:s25], [sflag:$0x1] =	stream.linear.gather [hbm4b:s9+s29], $0x80, $0x38;
	[tilespmem:$0x10C00] =	vst v63  }
0x90: {  	s22 =	simm.s32 $0x9280;
	s31 =	sshll.u32 s17, $0x4;
	s9 =	sand.u32 $0x1FFFFFF0, s12  }
0x91: {  	s16 =	sshll.u32 s8, $0x4;
	s18 =	sld [smem:$0xE];
	s9 =	sadd.s32 s4, s9  }
0x92: {  	[tilespmem:s14], [sflag:$0x2] =	stream.linear.gather [hbm4b:s9+s29], $0x80, $0x38;
	[tilespmem:$0x10C00] =	vst v63  }
0x93: {  	s2 =	simm.s32 $0x1000;
	s20 =	sand.u32 $0x1FFFFFF0, s16;
	s11 =	sshll.u32 s13, $0x4  }
0x94: {  	s10 =	sadd.s32 s3, s20;
	s11 =	sand.u32 $0x1FFFFFF0, s11;
	s21 =	sshll.u32 s18, $0x4  }
0x95: {  	[tilespmem:s19], [sflag:$0x1] =	stream.linear.gather [hbm4b:s10+s29], $0x80, $0x38;
	[tilespmem:$0x10C00] =	vst v63  }
0x96: {  	s26 =	simm.s32 $0x1300;
	s24 =	sadd.s32 s4, s11;
	s25 =	sand.u32 $0x1FFFFFF0, s21  }
0x97: {  	[tilespmem:s22], [sflag:$0x2] =	stream.linear.gather [hbm4b:s24+s29], $0x80, $0x38;
	[tilespmem:$0x10C00] =	vst v63  }
0x98: {  	s16 =	simm.s32 $0x0;
	s9 =	sand.u32 $0x1FFFFFF0, s6;
	s30 =	sadd.s32 s3, s25  }
0x99: {  	[tilespmem:s26], [sflag:$0x1] =	stream.linear.gather [hbm4b:s30+s29], $0x80, $0x38;
	[tilespmem:$0x10C00] =	vst v63  }
0x9a: {  	s10 =	sand.u32 $0x1FFFFFF0, s31;
	s24 =	simm.s32 $0x217;
	s26 =	simm.s32 $0x1380  }
.LBB2_2:
0x9b: {  	s6 =	sadd.s32 s4, s10  }
0x9c: {  	[tilespmem:s28], [sflag:$0x2] =	stream.linear.gather [hbm4b:s6+s29], $0x80, $0x38;
	[tilespmem:$0x10C00] =	vst v63  }
0x9d: {  	s9 =	sadd.s32 s3, s9;
	s5 =	sand.u32 $0x1FFFFFF0, s5  }
0x9e: {  	[tilespmem:s26], [sflag:$0x1] =	stream.linear.gather [hbm4b:s9+s29], $0x80, $0x38;
	[tilespmem:$0x10C00] =	vst v63  }
0x9f: {  	s14 =	sadd.s32 $0x9380, s16;
	s5 =	sadd.s32 s4, s5  }
0xa0: {  	[tilespmem:s14], [sflag:$0x2] =	stream.linear.gather [hbm4b:s5+s29], $0x80, $0x38;
	[tilespmem:$0x10C00] =	vst v63  }
0xa1: {  	_ =	swait.ge [sflag:s23], $0x80  }
0xa2: {  	[sflag:s23] =	ssyncset.done $0x0  }
0xa3: {  	s16 =	smov.u32 s2;
	[sflag:s23] =	ssyncadd.s32 $0xFFFFFF80  }
0xa4: {  	s16 =	sshra.s32 s16, $0x2;
	_ =	swait.ge [sflag:s0], $0x80  }
0xa5: {  	s1 =	sadd.s32 $0x9000, s16;
	[sflag:s0] =	ssyncset.done $0x0  }
0xa6: {  	[dreg:$0x6] =	wrdreg s1;
	[sflag:s0] =	ssyncadd.s32 $0xFFFFFF80  }
0xa7: {  	_ =	swait.ge [sflag:s23], $0x80  }
0xa8: {  	[sflag:s23] =	ssyncset.done $0x0  }
0xa9: {  	[sflag:s23] =	ssyncadd.s32 $0xFFFFFF80  }
0xaa: {  	_ =	swait.ge [sflag:s0], $0x80  }
0xab: {  	s14 =	sadd.s32 $0x1080, s16;
	[sflag:s0] =	ssyncset.done $0x0  }
0xac: {  	[dreg:$0x8] =	wrdreg s14;
	[sflag:s0] =	ssyncadd.s32 $0xFFFFFF80  }
0xad: {  	_ =	swait.ge [sflag:s23], $0x80  }
0xae: {  	[sflag:s23] =	ssyncset.done $0x0  }
0xaf: {  	[sflag:s23] =	ssyncadd.s32 $0xFFFFFF80  }
0xb0: {  	_ =	swait.ge [sflag:s0], $0x80  }
0xb1: {  	[sflag:s0] =	ssyncset.done $0x0  }
0xb2: {  	[sflag:s0] =	ssyncadd.s32 $0xFFFFFF80  }
0xb3: {  	_ =	swait.ge [sflag:s23], $0x80  }
0xb4: {  	[sflag:s23] =	ssyncset.done $0x0  }
0xb5: {  	[sflag:s23] =	ssyncadd.s32 $0xFFFFFF80  }
0xb6: {  	_ =	swait.ge [sflag:s0], $0x80  }
0xb7: {  	[sflag:s0] =	ssyncset.done $0x0  }
0xb8: {  	[sflag:s0] =	ssyncadd.s32 $0xFFFFFF80  }
0xb9: {  	_ =	swait.ge [sflag:s23], $0x80  }
0xba: {  	[sflag:s23] =	ssyncset.done $0x0  }
0xbb: {  	[sflag:s23] =	ssyncadd.s32 $0xFFFFFF80  }
0xbc: {  	_ =	swait.ge [sflag:s0], $0x80  }
0xbd: {  	[sflag:s0] =	ssyncset.done $0x0  }
0xbe: {  	[sflag:s0] =	ssyncadd.s32 $0xFFFFFF80  }
0xbf: {  	_ =	swait.ge [sflag:s23], $0x80  }
0xc0: {  	[sflag:s23] =	ssyncset.done $0x0  }
0xc1: {  	[sflag:s23] =	ssyncadd.s32 $0xFFFFFF80  }
0xc2: {  	_ =	swait.ge [sflag:s0], $0x80  }
0xc3: {  	[sflag:s0] =	ssyncset.done $0x0  }
0xc4: {  	[sflag:s0] =	ssyncadd.s32 $0xFFFFFF80  }
0xc5: {  	_ =	swait.ge [sflag:s23], $0x80  }
0xc6: {  	[sflag:s23] =	ssyncset.done $0x0  }
0xc7: {  	[sflag:s23] =	ssyncadd.s32 $0xFFFFFF80  }
0xc8: {  	_ =	swait.ge [sflag:s0], $0x80  }
0xc9: {  	[sflag:s0] =	ssyncset.done $0x0  }
0xca: {  	[sflag:s0] =	ssyncadd.s32 $0xFFFFFF80  }
0xcb: {  	_ =	swait.ge [sflag:s23], $0x80  }
0xcc: {  	[sflag:s23] =	ssyncset.done $0x0  }
0xcd: {  	p0 =	sne.s32 s2, $0x1E000;
	[sflag:s23] =	ssyncadd.s32 $0xFFFFFF80  }
0xce: {  	s2 =	sadd.s32 $0x1000, s2;
	s25 =	smov.u32 s15;
	_ =	swait.ge [sflag:s0], $0x80  }
0xcf: {  	s17 =	smov.u32 s24;
	s15 =	sadd.s32 $0x8, s15;
	[sflag:s0] =	ssyncset.done $0x0  }
0xd0: {  	s24 =	sadd.s32 $0x8, s24;
	s18 =	sadd.s32 $0x1000, s16;
	[sflag:s0] =	ssyncadd.s32 $0xFFFFFF80  }
0xd1: {  	s19 =	sadd.s32 $0x1180, s16;
	s13 =	sadd.s32 $0x9080, s16;
	s21 =	sld [smem:s17+$0xFFFFFFF9]  }
0xd2: {  	s6 =	sadd.s32 $0x1300, s16;
	s28 =	sadd.s32 $0x9300, s16;
	s22 =	sld [smem:s25+$0xFFFFFFF9]  }
0xd3: {  	s10 =	sadd.s32 $0x1280, s16;
	s12 =	sadd.s32 $0x1200, s16;
	s30 =	sld [smem:s17+$0xFFFFFFFA]  }
0xd4: {  	s11 =	sadd.s32 $0x9200, s16;
	s7 =	sadd.s32 $0x9100, s16;
	s1 =	sld [smem:s25+$0xFFFFFFFB]  }
0xd5: {  	s14 =	sadd.s32 $0x1100, s16;
	s8 =	sld [smem:s25+$0xFFFFFFFA];
	s22 =	sshll.u32 s22, $0x4  }
0xd6: {  	s20 =	sld [smem:s17+$0x0];
	s31 =	sshll.u32 s21, $0x4;
	s22 =	sand.u32 $0x1FFFFFF0, s22  }
0xd7: {  	s30 =	sshll.u32 s30, $0x4;
	s1 =	sshll.u32 s1, $0x4;
	s22 =	sadd.s32 s3, s22  }
0xd8: {  	[tilespmem:s18], [sflag:$0x1] =	stream.linear.gather [hbm4b:s22+s29], $0x80, $0x38;
	[tilespmem:$0x10C00] =	vst v63  }
0xd9: {  	s31 =	sand.u32 $0x1FFFFFF0, s31;
	s18 =	sshll.u32 s8, $0x4;
	s22 =	sld [smem:s17+$0xFFFFFFFB]  }
0xda: {  	s8 =	sand.u32 $0x1FFFFFF0, s30;
	s5 =	sand.u32 $0x1FFFFFF0, s18;
	s18 =	sld [smem:s25+$0xFFFFFFFC]  }
0xdb: {  	s30 =	sadd.s32 s4, s31;
	s31 =	sadd.s32 s3, s5;
	s5 =	rddreg [dreg:$0x6]  }
0xdc: {  	[tilespmem:s5], [sflag:$0x2] =	stream.linear.gather [hbm4b:s30+s29], $0x80, $0x38;
	[tilespmem:$0x10C00] =	vst v63  }
0xdd: {  	s1 =	sand.u32 $0x1FFFFFF0, s1;
	s8 =	sadd.s32 s4, s8;
	s30 =	sld [smem:s25+$0x0]  }
0xde: {  	s5 =	sshll.u32 s20, $0x4;
	s20 =	rddreg [dreg:$0x8];
	s18 =	sshll.u32 s18, $0x4  }
0xdf: {  	[tilespmem:s20], [sflag:$0x1] =	stream.linear.gather [hbm4b:s31+s29], $0x80, $0x38;
	[tilespmem:$0x10C00] =	vst v63  }
0xe0: {  	s22 =	sshll.u32 s22, $0x4;
	s31 =	sand.u32 $0x1FFFFFF0, s18;
	s18 =	sld [smem:s17+$0xFFFFFFFD]  }
0xe1: {  	[tilespmem:s13], [sflag:$0x2] =	stream.linear.gather [hbm4b:s8+s29], $0x80, $0x38;
	[tilespmem:$0x10C00] =	vst v63  }
0xe2: {  	s1 =	sadd.s32 s3, s1;
	s22 =	sand.u32 $0x1FFFFFF0, s22;
	s13 =	sld [smem:s17+$0xFFFFFFFC]  }
0xe3: {  	s20 =	sshll.u32 s30, $0x4;
	s30 =	sadd.s32 s3, s31;
	s8 =	sld [smem:s17+$0xFFFFFFFF]  }
0xe4: {  	[tilespmem:s14], [sflag:$0x1] =	stream.linear.gather [hbm4b:s1+s29], $0x80, $0x38;
	[tilespmem:$0x10C00] =	vst v63  }
0xe5: {  	s14 =	sadd.s32 s4, s22;
	s22 =	sld [smem:s25+$0xFFFFFFFD];
	s31 =	sshll.u32 s13, $0x4  }
0xe6: {  	[tilespmem:s7], [sflag:$0x2] =	stream.linear.gather [hbm4b:s14+s29], $0x80, $0x38;
	[tilespmem:$0x10C00] =	vst v63  }
0xe7: {  	s26 =	sadd.s32 $0x1380, s16;
	s13 =	sand.u32 $0x1FFFFFF0, s31;
	s31 =	sld [smem:s17+$0xFFFFFFFE]  }
0xe8: {  	[tilespmem:s19], [sflag:$0x1] =	stream.linear.gather [hbm4b:s30+s29], $0x80, $0x38;
	[tilespmem:$0x10C00] =	vst v63  }
0xe9: {  	s21 =	sadd.s32 $0x9180, s16;
	s14 =	sshll.u32 s22, $0x4;
	s19 =	sld [smem:s25+$0xFFFFFFFE]  }
0xea: {  	s1 =	sadd.s32 s4, s13;
	s7 =	sand.u32 $0x1FFFFFF0, s14;
	s30 =	sshll.u32 s18, $0x4  }
0xeb: {  	[tilespmem:s21], [sflag:$0x2] =	stream.linear.gather [hbm4b:s1+s29], $0x80, $0x38;
	[tilespmem:$0x10C00] =	vst v63  }
0xec: {  	s22 =	sadd.s32 s3, s7;
	s13 =	sand.u32 $0x1FFFFFF0, s30;
	s17 =	sshll.u32 s19, $0x4  }
0xed: {  	[tilespmem:s12], [sflag:$0x1] =	stream.linear.gather [hbm4b:s22+s29], $0x80, $0x38;
	[tilespmem:$0x10C00] =	vst v63  }
0xee: {  	s18 =	sld [smem:s25+$0xFFFFFFFF];
	s1 =	sadd.s32 s4, s13;
	s7 =	sand.u32 $0x1FFFFFF0, s17  }
0xef: {  	[tilespmem:s11], [sflag:$0x2] =	stream.linear.gather [hbm4b:s1+s29], $0x80, $0x38;
	[tilespmem:$0x10C00] =	vst v63  }
0xf0: {  	s9 =	sadd.s32 $0x9280, s16;
	s14 =	sshll.u32 s31, $0x4;
	s19 =	sadd.s32 s3, s7  }
0xf1: {  	[tilespmem:s10], [sflag:$0x1] =	stream.linear.gather [hbm4b:s19+s29], $0x80, $0x38;
	[tilespmem:$0x10C00] =	vst v63  }
.Ltmp0:
0xf2: {  	s21 =	sand.u32 $0x1FFFFFF0, s14;
	s22 =	sshll.u32 s18, $0x4;
	(pc) =	sbr.rel @p0 .LBB2_2-.Ltmp0, $4  }
0xf3: {  	s8 =	sshll.u32 s8, $0x4;
	s25 =	sadd.s32 s4, s21;
	s30 =	sand.u32 $0x1FFFFFF0, s22  }
0xf4: {  	[tilespmem:s9], [sflag:$0x2] =	stream.linear.gather [hbm4b:s25+s29], $0x80, $0x38;
	[tilespmem:$0x10C00] =	vst v63  }
0xf5: {  	s31 =	sadd.s32 s3, s30;
	s10 =	sand.u32 $0x1FFFFFF0, s8;
	s9 =	sand.u32 $0x1FFFFFF0, s20  }
0xf6: {  	[tilespmem:s6], [sflag:$0x1] =	stream.linear.gather [hbm4b:s31+s29], $0x80, $0x38;
	[tilespmem:$0x10C00] =	vst v63  }
0xf7: {  	s1 =	sadd.s32 s4, s10  }
0xf8: {  	[tilespmem:s28], [sflag:$0x2] =	stream.linear.gather [hbm4b:s1+s29], $0x80, $0x38;
	[tilespmem:$0x10C00] =	vst v63  }
0xf9: {  	s12 =	sadd.s32 s3, s9;
	s2 =	sand.u32 $0x1FFFFFF0, s5  }
0xfa: {  	[tilespmem:s26], [sflag:$0x1] =	stream.linear.gather [hbm4b:s12+s29], $0x80, $0x38;
	[tilespmem:$0x10C00] =	vst v63  }
0xfb: {  	s13 =	sadd.s32 $0x9380, s16;
	s2 =	sadd.s32 s4, s2  }
0xfc: {  	[tilespmem:s13], [sflag:$0x2] =	stream.linear.gather [hbm4b:s2+s29], $0x80, $0x38;
	[tilespmem:$0x10C00] =	vst v63  }
0xfd: {  	_ =	swait.ge [sflag:s23], $0x80  }
0xfe: {  	[sflag:s23] =	ssyncset.done $0x0  }
0xff: {  	[sflag:s23] =	ssyncadd.s32 $0xFFFFFF80  }
0x100: {  	_ =	swait.ge [sflag:s0], $0x80  }
0x101: {  	[sflag:s0] =	ssyncset.done $0x0  }
0x102: {  	[sflag:s0] =	ssyncadd.s32 $0xFFFFFF80  }
0x103: {  	_ =	swait.ge [sflag:s23], $0x80  }
0x104: {  	[sflag:s23] =	ssyncset.done $0x0  }
0x105: {  	[sflag:s23] =	ssyncadd.s32 $0xFFFFFF80  }
0x106: {  	_ =	swait.ge [sflag:s0], $0x80  }
0x107: {  	[sflag:s0] =	ssyncset.done $0x0  }
0x108: {  	[sflag:s0] =	ssyncadd.s32 $0xFFFFFF80  }
0x109: {  	_ =	swait.ge [sflag:s23], $0x80  }
0x10a: {  	[sflag:s23] =	ssyncset.done $0x0  }
0x10b: {  	[sflag:s23] =	ssyncadd.s32 $0xFFFFFF80  }
0x10c: {  	_ =	swait.ge [sflag:s0], $0x80  }
0x10d: {  	[sflag:s0] =	ssyncset.done $0x0  }
0x10e: {  	[sflag:s0] =	ssyncadd.s32 $0xFFFFFF80  }
0x10f: {  	_ =	swait.ge [sflag:s23], $0x80  }
0x110: {  	[sflag:s23] =	ssyncset.done $0x0  }
0x111: {  	[sflag:s23] =	ssyncadd.s32 $0xFFFFFF80  }
0x112: {  	_ =	swait.ge [sflag:s0], $0x80  }
0x113: {  	[sflag:s0] =	ssyncset.done $0x0  }
0x114: {  	[sflag:s0] =	ssyncadd.s32 $0xFFFFFF80  }
0x115: {  	_ =	swait.ge [sflag:s23], $0x80  }
0x116: {  	[sflag:s23] =	ssyncset.done $0x0  }
0x117: {  	[sflag:s23] =	ssyncadd.s32 $0xFFFFFF80  }
0x118: {  	_ =	swait.ge [sflag:s0], $0x80  }
0x119: {  	[sflag:s0] =	ssyncset.done $0x0  }
0x11a: {  	[sflag:s0] =	ssyncadd.s32 $0xFFFFFF80  }
0x11b: {  	_ =	swait.ge [sflag:s23], $0x80  }
0x11c: {  	[sflag:s23] =	ssyncset.done $0x0  }
0x11d: {  	[sflag:s23] =	ssyncadd.s32 $0xFFFFFF80  }
0x11e: {  	_ =	swait.ge [sflag:s0], $0x80  }
0x11f: {  	[sflag:s0] =	ssyncset.done $0x0  }
0x120: {  	[sflag:s0] =	ssyncadd.s32 $0xFFFFFF80  }
0x121: {  	_ =	swait.ge [sflag:s23], $0x80  }
0x122: {  	[sflag:s23] =	ssyncset.done $0x0  }
0x123: {  	[sflag:s23] =	ssyncadd.s32 $0xFFFFFF80  }
0x124: {  	_ =	swait.ge [sflag:s0], $0x80  }
0x125: {  	[sflag:s0] =	ssyncset.done $0x0  }
0x126: {  	[sflag:s0] =	ssyncadd.s32 $0xFFFFFF80  }
0x127: {  	_ =	swait.ge [sflag:s23], $0x80  }
0x128: {  	[sflag:s23] =	ssyncset.done $0x0  }
0x129: {  	[sflag:s23] =	ssyncadd.s32 $0xFFFFFF80  }
0x12a: {  	_ =	swait.ge [sflag:s0], $0x80  }
0x12b: {  	[sflag:s0] =	ssyncset.done $0x0  }
0x12c: {  	[sflag:s0] =	ssyncadd.s32 $0xFFFFFF80  }
0x12d: {  	_ =	swait.ge [sflag:s23], $0x80  }
0x12e: {  	[sflag:s23] =	ssyncset.done $0x0  }
0x12f: {  	[sflag:s23] =	ssyncadd.s32 $0xFFFFFF80  }
0x130: {  	_ =	swait.ge [sflag:s0], $0x80  }
0x131: {  	[sflag:s0] =	ssyncset.done $0x0  }
0x132: {  	[sflag:s0] =	ssyncadd.s32 $0xFFFFFF80  }
0x133: {  	_ =	swait.ge [sflag:s23], $0x80  }
0x134: {  	[sflag:s23] =	ssyncset.done $0x0  }
0x135: {  	[sflag:s23] =	ssyncadd.s32 $0xFFFFFF80  }
0x136: {  	_ =	swait.ge [sflag:s0], $0x80  }
0x137: {  	[sflag:s0] =	ssyncset.done $0x0  }
0x138: {  	[sflag:s0] =	ssyncadd.s32 $0xFFFFFF80  }
0x139: {  	_ =	swait.ge [sflag:s23], $0x80  }
0x13a: {  	[sflag:s23] =	ssyncset.done $0x0  }
0x13b: {  	[sflag:s23] =	ssyncadd.s32 $0xFFFFFF80  }
0x13c: {  	_ =	swait.ge [sflag:s0], $0x80  }
0x13d: {  	[sflag:s0] =	ssyncset.done $0x0  }
0x13e: {  	[sflag:s0] =	ssyncadd.s32 $0xFFFFFF80  }
0x13f: {  	_ =	swait.ge [sflag:s23], $0x80  }
0x140: {  	[sflag:s23] =	ssyncset.done $0x0  }
0x141: {  	[sflag:s23] =	ssyncadd.s32 $0xFFFFFF80  }
0x142: {  	_ =	swait.ge [sflag:s0], $0x80  }
0x143: {  	[sflag:s0] =	ssyncset.done $0x0  }
0x144: {  	[sflag:s0] =	ssyncadd.s32 $0xFFFFFF80  }
0x145: {  	_ =	swait.ge [sflag:s23], $0x80  }
0x146: {  	[sflag:s23] =	ssyncset.done $0x0  }
0x147: {  	[sflag:s23] =	ssyncadd.s32 $0xFFFFFF80  }
0x148: {  	_ =	swait.ge [sflag:s0], $0x80  }
0x149: {  	[sflag:s0] =	ssyncset.done $0x0  }
0x14a: {  	[sflag:s0] =	ssyncadd.s32 $0xFFFFFF80  }
0x14b: {  	_ =	swait.ge [sflag:s23], $0x80  }
0x14c: {  	[sflag:s23] =	ssyncset.done $0x0  }
0x14d: {  	[sflag:s23] =	ssyncadd.s32 $0xFFFFFF80  }
0x14e: {  	_ =	swait.ge [sflag:s0], $0x80  }
0x14f: {  	[sflag:s0] =	ssyncset.done $0x0  }
0x150: {  	[sflag:s0] =	ssyncadd.s32 $0xFFFFFF80  }
0x151: {  	_ =	swait.ge [sflag:s23], $0x80  }
0x152: {  	[sflag:s23] =	ssyncset.done $0x0  }
0x153: {  	[sflag:s23] =	ssyncadd.s32 $0xFFFFFF80  }
0x154: {  	_ =	swait.ge [sflag:s0], $0x80  }
0x155: {  	[sflag:s0] =	ssyncset.done $0x0  }
0x156: {  	[sflag:s0] =	ssyncadd.s32 $0xFFFFFF80  }
0x157: {  	_ =	swait.ge [sflag:s23], $0x80  }
0x158: {  	[sflag:s23] =	ssyncset.done $0x0  }
0x159: {  	[sflag:s23] =	ssyncadd.s32 $0xFFFFFF80  }
0x15a: {  	_ =	swait.ge [sflag:s0], $0x80  }
0x15b: {  	s6 =	simm.s32 $0xC00;
	s15 =	simm.s32 $0x3;
	[sflag:s0] =	ssyncset.done $0x0  }
0x15c: {  	s2 =	simm.s32 $0x0;
	s14 =	rddreg [dreg:$0xe];
	[sflag:s0] =	ssyncadd.s32 $0xFFFFFF80  }
0x15d: {  	[hbm4b:s14+s2] =	stream.linear.scatter [tilespmem:s6], [sflag:$0x3], $0x8000, $0x38;
	[tilespmem:$0x10C00] =	vst v63  }
0x15e: {  	_ =	swait.ge [sflag:s15], $0x8000  }
0x15f: {  	[sflag:s15] =	ssyncset.done $0x0  }
0x160: {  	s7 =	simm.s32 $0x8C00;
	s16 =	rddreg [dreg:$0xf];
	[sflag:s15] =	ssyncadd.s32 $0xFFFF8000  }
0x161: {  	[hbm4b:s16+s2] =	stream.linear.scatter [tilespmem:s7], [sflag:$0x3], $0x8000, $0x38;
	[tilespmem:$0x10C00] =	vst v63  }
0x162: {  	_ =	swait.ge [sflag:s15], $0x8000  }
0x163: {  	[sflag:s15] =	ssyncset.done $0x0  }
0x164: {  	[sflag:s15] =	ssyncadd.s32 $0xFFFF8000  }
0x165: {  	s17 =	sld [smem:$0x100];
	_ =	sdelay $0x1  }
0x166: {  	s5 =	sld [smem:$0x300]  }
0x167: {  	s1 =	sshll.u32 s17, $0x4  }
0x168: {  	s1 =	sand.u32 $0x1FFFFFF0, s1  }
0x169: {  	s19 =	sld [smem:$0x101];
	s18 =	sshll.u32 s5, $0x4;
	s1 =	sadd.s32 s3, s1  }
0x16a: {  	[tilespmem:s6], [sflag:$0x1] =	stream.linear.gather [hbm4b:s1+s2], $0x80, $0x38;
	[tilespmem:$0x10C00] =	vst v63  }
0x16b: {  	s1 =	sand.u32 $0x1FFFFFF0, s18  }
0x16c: {  	s21 =	sld [smem:$0x301];
	s20 =	sshll.u32 s19, $0x4;
	s1 =	sadd.s32 s4, s1  }
0x16d: {  	[tilespmem:s7], [sflag:$0x2] =	stream.linear.gather [hbm4b:s1+s2], $0x80, $0x38;
	[tilespmem:$0x10C00] =	vst v63  }
0x16e: {  	s22 =	simm.s32 $0xC80;
	s1 =	sand.u32 $0x1FFFFFF0, s20  }
0x16f: {  	s25 =	sld [smem:$0x102];
	s24 =	sshll.u32 s21, $0x4;
	s1 =	sadd.s32 s3, s1  }
0x170: {  	[tilespmem:s22], [sflag:$0x1] =	stream.linear.gather [hbm4b:s1+s2], $0x80, $0x38;
	[tilespmem:$0x10C00] =	vst v63  }
0x171: {  	s26 =	simm.s32 $0x8C80;
	s1 =	sand.u32 $0x1FFFFFF0, s24  }
0x172: {  	s31 =	sld [smem:$0x302];
	s30 =	sshll.u32 s25, $0x4;
	s1 =	sadd.s32 s4, s1  }
0x173: {  	[tilespmem:s26], [sflag:$0x2] =	stream.linear.gather [hbm4b:s1+s2], $0x80, $0x38;
	[tilespmem:$0x10C00] =	vst v63  }
0x174: {  	s9 =	sld [smem:$0x103];
	s1 =	sand.u32 $0x1FFFFFF0, s30  }
0x175: {  	s8 =	sshll.u32 s31, $0x4;
	s7 =	simm.s32 $0xD00;
	s1 =	sadd.s32 s3, s1  }
0x176: {  	[tilespmem:s7], [sflag:$0x1] =	stream.linear.gather [hbm4b:s1+s2], $0x80, $0x38;
	[tilespmem:$0x10C00] =	vst v63  }
0x177: {  	s10 =	simm.s32 $0x8D00;
	s1 =	sand.u32 $0x1FFFFFF0, s8  }
0x178: {  	s12 =	sld [smem:$0x303];
	s11 =	sshll.u32 s9, $0x4;
	s1 =	sadd.s32 s4, s1  }
0x179: {  	[tilespmem:s10], [sflag:$0x2] =	stream.linear.gather [hbm4b:s1+s2], $0x80, $0x38;
	[tilespmem:$0x10C00] =	vst v63  }
0x17a: {  	s13 =	simm.s32 $0xD80;
	s1 =	sand.u32 $0x1FFFFFF0, s11  }
0x17b: {  	s15 =	sld [smem:$0x104];
	s14 =	sshll.u32 s12, $0x4;
	s1 =	sadd.s32 s3, s1  }
0x17c: {  	[tilespmem:s13], [sflag:$0x1] =	stream.linear.gather [hbm4b:s1+s2], $0x80, $0x38;
	[tilespmem:$0x10C00] =	vst v63  }
0x17d: {  	s16 =	simm.s32 $0x8D80;
	s1 =	sand.u32 $0x1FFFFFF0, s14  }
0x17e: {  	s17 =	sshll.u32 s15, $0x4;
	s18 =	sld [smem:$0x304];
	s1 =	sadd.s32 s4, s1  }
0x17f: {  	[tilespmem:s16], [sflag:$0x2] =	stream.linear.gather [hbm4b:s1+s2], $0x80, $0x38;
	[tilespmem:$0x10C00] =	vst v63  }
0x180: {  	s19 =	simm.s32 $0xE00;
	s1 =	sand.u32 $0x1FFFFFF0, s17  }
0x181: {  	s21 =	sld [smem:$0x105];
	s20 =	sshll.u32 s18, $0x4;
	s1 =	sadd.s32 s3, s1  }
0x182: {  	[tilespmem:s19], [sflag:$0x1] =	stream.linear.gather [hbm4b:s1+s2], $0x80, $0x38;
	[tilespmem:$0x10C00] =	vst v63  }
0x183: {  	s25 =	sld [smem:$0x305];
	s1 =	sand.u32 $0x1FFFFFF0, s20  }
0x184: {  	s22 =	simm.s32 $0x8E00;
	s24 =	sshll.u32 s21, $0x4;
	s1 =	sadd.s32 s4, s1  }
0x185: {  	[tilespmem:s22], [sflag:$0x2] =	stream.linear.gather [hbm4b:s1+s2], $0x80, $0x38;
	[tilespmem:$0x10C00] =	vst v63  }
0x186: {  	s31 =	sld [smem:$0x106];
	s1 =	sand.u32 $0x1FFFFFF0, s24  }
0x187: {  	s26 =	simm.s32 $0xE80;
	s30 =	sshll.u32 s25, $0x4;
	s1 =	sadd.s32 s3, s1  }
0x188: {  	[tilespmem:s26], [sflag:$0x1] =	stream.linear.gather [hbm4b:s1+s2], $0x80, $0x38;
	[tilespmem:$0x10C00] =	vst v63  }
0x189: {  	s9 =	sld [smem:$0x306];
	s1 =	sand.u32 $0x1FFFFFF0, s30  }
0x18a: {  	s7 =	simm.s32 $0x8E80;
	s8 =	sshll.u32 s31, $0x4;
	s1 =	sadd.s32 s4, s1  }
0x18b: {  	[tilespmem:s7], [sflag:$0x2] =	stream.linear.gather [hbm4b:s1+s2], $0x80, $0x38;
	[tilespmem:$0x10C00] =	vst v63  }
0x18c: {  	s12 =	sld [smem:$0x107];
	s1 =	sand.u32 $0x1FFFFFF0, s8  }
0x18d: {  	s10 =	simm.s32 $0xF00;
	s11 =	sshll.u32 s9, $0x4;
	s1 =	sadd.s32 s3, s1  }
0x18e: {  	[tilespmem:s10], [sflag:$0x1] =	stream.linear.gather [hbm4b:s1+s2], $0x80, $0x38;
	[tilespmem:$0x10C00] =	vst v63  }
0x18f: {  	s15 =	sld [smem:$0x307];
	s1 =	sand.u32 $0x1FFFFFF0, s11  }
0x190: {  	s13 =	simm.s32 $0x8F00;
	s14 =	sshll.u32 s12, $0x4;
	s1 =	sadd.s32 s4, s1  }
0x191: {  	[tilespmem:s13], [sflag:$0x2] =	stream.linear.gather [hbm4b:s1+s2], $0x80, $0x38;
	[tilespmem:$0x10C00] =	vst v63  }
0x192: {  	s1 =	sand.u32 $0x1FFFFFF0, s14  }
0x193: {  	s16 =	simm.s32 $0xF80;
	s17 =	sshll.u32 s15, $0x4;
	s1 =	sadd.s32 s3, s1  }
0x194: {  	[tilespmem:s16], [sflag:$0x1] =	stream.linear.gather [hbm4b:s1+s2], $0x80, $0x38;
	[tilespmem:$0x10C00] =	vst v63  }
0x195: {  	s1 =	sand.u32 $0x1FFFFFF0, s17  }
0x196: {  	s28 =	simm.s32 $0x9300;
	s18 =	simm.s32 $0x8F80;
	s1 =	sadd.s32 s4, s1  }
0x197: {  	[tilespmem:s18], [sflag:$0x2] =	stream.linear.gather [hbm4b:s1+s2], $0x80, $0x38;
	[tilespmem:$0x10C00] =	vst v63  }
0x198: {  	s31 =	simm.s32 $0x1180;
	s20 =	simm.s32 $0x1000;
	s1 =	sld [smem:$0x308]  }
0x199: {  	s24 =	simm.s32 $0x1080;
	s8 =	simm.s32 $0x9000;
	s19 =	sld [smem:$0x108]  }
0x19a: {  	s13 =	simm.s32 $0x9080;
	s14 =	simm.s32 $0x9100;
	s21 =	sld [smem:$0x309]  }
0x19b: {  	s16 =	simm.s32 $0x1100;
	s22 =	sld [smem:$0x109];
	s1 =	sshll.u32 s1, $0x4  }
0x19c: {  	s2 =	sshll.u32 s19, $0x4;
	s5 =	sld [smem:$0x30F];
	s1 =	sand.u32 $0x1FFFFFF0, s1  }
0x19d: {  	s2 =	sand.u32 $0x1FFFFFF0, s2;
	s11 =	sld [smem:$0x10A];
	s1 =	sadd.s32 s4, s1  }
0x19e: {  	s30 =	sshll.u32 s21, $0x4;
	s2 =	sadd.s32 s3, s2;
	s25 =	sshll.u32 s22, $0x4  }
0x19f: {  	[tilespmem:s20], [sflag:$0x1] =	stream.linear.gather [hbm4b:s2+s29], $0x80, $0x38;
	[tilespmem:$0x10C00] =	vst v63  }
0x1a0: {  	s22 =	simm.s32 $0x1200;
	s2 =	sand.u32 $0x1FFFFFF0, s25;
	s26 =	sld [smem:$0x30A]  }
0x1a1: {  	s2 =	sadd.s32 s3, s2;
	s15 =	sshll.u32 s11, $0x4;
	s12 =	sld [smem:$0x10B]  }
0x1a2: {  	[tilespmem:s8], [sflag:$0x2] =	stream.linear.gather [hbm4b:s1+s29], $0x80, $0x38;
	[tilespmem:$0x10C00] =	vst v63  }
0x1a3: {  	s1 =	sand.u32 $0x1FFFFFF0, s30;
	s17 =	sand.u32 $0x1FFFFFF0, s15;
	s6 =	sld [smem:$0x10F]  }
0x1a4: {  	[tilespmem:s24], [sflag:$0x1] =	stream.linear.gather [hbm4b:s2+s29], $0x80, $0x38;
	[tilespmem:$0x10C00] =	vst v63  }
0x1a5: {  	s1 =	sadd.s32 s4, s1;
	s7 =	sadd.s32 s3, s17;
	s9 =	sshll.u32 s26, $0x4  }
0x1a6: {  	[tilespmem:s13], [sflag:$0x2] =	stream.linear.gather [hbm4b:s1+s29], $0x80, $0x38;
	[tilespmem:$0x10C00] =	vst v63  }
0x1a7: {  	s9 =	sand.u32 $0x1FFFFFF0, s9;
	s19 =	sshll.u32 s12, $0x4;
	s18 =	sld [smem:$0x30B]  }
0x1a8: {  	[tilespmem:s16], [sflag:$0x1] =	stream.linear.gather [hbm4b:s7+s29], $0x80, $0x38;
	[tilespmem:$0x10C00] =	vst v63  }
0x1a9: {  	s20 =	sadd.s32 s4, s9;
	s1 =	sand.u32 $0x1FFFFFF0, s19;
	s21 =	sld [smem:$0x10C]  }
0x1aa: {  	[tilespmem:s14], [sflag:$0x2] =	stream.linear.gather [hbm4b:s20+s29], $0x80, $0x38;
	[tilespmem:$0x10C00] =	vst v63  }
0x1ab: {  	s5 =	sshll.u32 s5, $0x4;
	s1 =	sadd.s32 s3, s1;
	s11 =	sld [smem:$0x30E]  }
0x1ac: {  	[tilespmem:s31], [sflag:$0x1] =	stream.linear.gather [hbm4b:s1+s29], $0x80, $0x38;
	[tilespmem:$0x10C00] =	vst v63  }
0x1ad: {  	s24 =	simm.s32 $0x9180;
	s17 =	simm.s32 $0x1280;
	s10 =	sshll.u32 s18, $0x4  }
0x1ae: {  	s13 =	simm.s32 $0x9200;
	s30 =	sld [smem:$0x30C];
	s25 =	sand.u32 $0x1FFFFFF0, s10  }
0x1af: {  	s26 =	sshll.u32 s21, $0x4;
	s31 =	sld [smem:$0x10D];
	s21 =	simm.s32 $0x9280  }
0x1b0: {  	s1 =	sadd.s32 s4, s25;
	s2 =	sand.u32 $0x1FFFFFF0, s26;
	s25 =	simm.s32 $0x1300  }
0x1b1: {  	[tilespmem:s24], [sflag:$0x2] =	stream.linear.gather [hbm4b:s1+s29], $0x80, $0x38;
	[tilespmem:$0x10C00] =	vst v63  }
0x1b2: {  	s8 =	sadd.s32 s3, s2;
	s9 =	sshll.u32 s30, $0x4;
	s12 =	sld [smem:$0x30D]  }
0x1b3: {  	[tilespmem:s22], [sflag:$0x1] =	stream.linear.gather [hbm4b:s8+s29], $0x80, $0x38;
	[tilespmem:$0x10C00] =	vst v63  }
0x1b4: {  	s2 =	simm.s32 $0x1000;
	s30 =	sshll.u32 s6, $0x4;
	s14 =	sand.u32 $0x1FFFFFF0, s9  }
0x1b5: {  	s15 =	sshll.u32 s31, $0x4;
	s16 =	sld [smem:$0x10E];
	s7 =	sadd.s32 s4, s14  }
0x1b6: {  	[tilespmem:s13], [sflag:$0x2] =	stream.linear.gather [hbm4b:s7+s29], $0x80, $0x38;
	[tilespmem:$0x10C00] =	vst v63  }
0x1b7: {  	s31 =	sshll.u32 s11, $0x4;
	s18 =	sand.u32 $0x1FFFFFF0, s15;
	s19 =	sshll.u32 s12, $0x4  }
0x1b8: {  	s7 =	sadd.s32 s3, s18;
	s8 =	sand.u32 $0x1FFFFFF0, s19;
	s20 =	sshll.u32 s16, $0x4  }
0x1b9: {  	[tilespmem:s17], [sflag:$0x1] =	stream.linear.gather [hbm4b:s7+s29], $0x80, $0x38;
	[tilespmem:$0x10C00] =	vst v63  }
0x1ba: {  	s9 =	sand.u32 $0x1FFFFFF0, s30;
	s22 =	sadd.s32 s4, s8;
	s24 =	sand.u32 $0x1FFFFFF0, s20  }
0x1bb: {  	[tilespmem:s21], [sflag:$0x2] =	stream.linear.gather [hbm4b:s22+s29], $0x80, $0x38;
	[tilespmem:$0x10C00] =	vst v63  }
0x1bc: {  	s15 =	simm.s32 $0x117;
	s10 =	sand.u32 $0x1FFFFFF0, s31;
	s26 =	sadd.s32 s3, s24  }
0x1bd: {  	[tilespmem:s25], [sflag:$0x1] =	stream.linear.gather [hbm4b:s26+s29], $0x80, $0x38;
	[tilespmem:$0x10C00] =	vst v63  }
0x1be: {  	s16 =	simm.s32 $0x0;
	s24 =	simm.s32 $0x317;
	s26 =	simm.s32 $0x1380  }
.LBB2_4:
0x1bf: {  	s1 =	sadd.s32 s4, s10  }
0x1c0: {  	[tilespmem:s28], [sflag:$0x2] =	stream.linear.gather [hbm4b:s1+s29], $0x80, $0x38;
	[tilespmem:$0x10C00] =	vst v63  }
0x1c1: {  	s6 =	sadd.s32 s3, s9;
	s5 =	sand.u32 $0x1FFFFFF0, s5  }
0x1c2: {  	[tilespmem:s26], [sflag:$0x1] =	stream.linear.gather [hbm4b:s6+s29], $0x80, $0x38;
	[tilespmem:$0x10C00] =	vst v63  }
0x1c3: {  	s11 =	sadd.s32 $0x9380, s16;
	s5 =	sadd.s32 s4, s5  }
0x1c4: {  	[tilespmem:s11], [sflag:$0x2] =	stream.linear.gather [hbm4b:s5+s29], $0x80, $0x38;
	[tilespmem:$0x10C00] =	vst v63  }
0x1c5: {  	_ =	swait.ge [sflag:s23], $0x80  }
0x1c6: {  	[sflag:s23] =	ssyncset.done $0x0  }
0x1c7: {  	s12 =	smov.u32 s2;
	[sflag:s23] =	ssyncadd.s32 $0xFFFFFF80  }
0x1c8: {  	s16 =	sshra.s32 s12, $0x2;
	_ =	swait.ge [sflag:s0], $0x80  }
0x1c9: {  	s11 =	sadd.s32 $0x9000, s16;
	[sflag:s0] =	ssyncset.done $0x0  }
0x1ca: {  	[dreg:$0x7] =	wrdreg s11;
	[sflag:s0] =	ssyncadd.s32 $0xFFFFFF80  }
0x1cb: {  	_ =	swait.ge [sflag:s23], $0x80  }
0x1cc: {  	[sflag:s23] =	ssyncset.done $0x0  }
0x1cd: {  	[sflag:s23] =	ssyncadd.s32 $0xFFFFFF80  }
0x1ce: {  	_ =	swait.ge [sflag:s0], $0x80  }
0x1cf: {  	[sflag:s0] =	ssyncset.done $0x0  }
0x1d0: {  	[sflag:s0] =	ssyncadd.s32 $0xFFFFFF80  }
0x1d1: {  	_ =	swait.ge [sflag:s23], $0x80  }
0x1d2: {  	[sflag:s23] =	ssyncset.done $0x0  }
0x1d3: {  	[sflag:s23] =	ssyncadd.s32 $0xFFFFFF80  }
0x1d4: {  	_ =	swait.ge [sflag:s0], $0x80  }
0x1d5: {  	[sflag:s0] =	ssyncset.done $0x0  }
0x1d6: {  	[sflag:s0] =	ssyncadd.s32 $0xFFFFFF80  }
0x1d7: {  	_ =	swait.ge [sflag:s23], $0x80  }
0x1d8: {  	[sflag:s23] =	ssyncset.done $0x0  }
0x1d9: {  	[sflag:s23] =	ssyncadd.s32 $0xFFFFFF80  }
0x1da: {  	_ =	swait.ge [sflag:s0], $0x80  }
0x1db: {  	s12 =	sadd.s32 $0x1180, s16;
	[sflag:s0] =	ssyncset.done $0x0  }
0x1dc: {  	[dreg:$0x9] =	wrdreg s12;
	[sflag:s0] =	ssyncadd.s32 $0xFFFFFF80  }
0x1dd: {  	_ =	swait.ge [sflag:s23], $0x80  }
0x1de: {  	[sflag:s23] =	ssyncset.done $0x0  }
0x1df: {  	[sflag:s23] =	ssyncadd.s32 $0xFFFFFF80  }
0x1e0: {  	_ =	swait.ge [sflag:s0], $0x80  }
0x1e1: {  	[sflag:s0] =	ssyncset.done $0x0  }
0x1e2: {  	[sflag:s0] =	ssyncadd.s32 $0xFFFFFF80  }
0x1e3: {  	_ =	swait.ge [sflag:s23], $0x80  }
0x1e4: {  	[sflag:s23] =	ssyncset.done $0x0  }
0x1e5: {  	[sflag:s23] =	ssyncadd.s32 $0xFFFFFF80  }
0x1e6: {  	_ =	swait.ge [sflag:s0], $0x80  }
0x1e7: {  	[sflag:s0] =	ssyncset.done $0x0  }
0x1e8: {  	[sflag:s0] =	ssyncadd.s32 $0xFFFFFF80  }
0x1e9: {  	_ =	swait.ge [sflag:s23], $0x80  }
0x1ea: {  	[sflag:s23] =	ssyncset.done $0x0  }
0x1eb: {  	[sflag:s23] =	ssyncadd.s32 $0xFFFFFF80  }
0x1ec: {  	_ =	swait.ge [sflag:s0], $0x80  }
0x1ed: {  	[sflag:s0] =	ssyncset.done $0x0  }
0x1ee: {  	[sflag:s0] =	ssyncadd.s32 $0xFFFFFF80  }
0x1ef: {  	_ =	swait.ge [sflag:s23], $0x80  }
0x1f0: {  	p0 =	sne.s32 s2, $0x1E000;
	[sflag:s23] =	ssyncset.done $0x0  }
0x1f1: {  	s2 =	sadd.s32 $0x1000, s2;
	s25 =	smov.u32 s15;
	[sflag:s23] =	ssyncadd.s32 $0xFFFFFF80  }
0x1f2: {  	s17 =	smov.u32 s24;
	s15 =	sadd.s32 $0x8, s15;
	_ =	swait.ge [sflag:s0], $0x80  }
0x1f3: {  	s24 =	sadd.s32 $0x8, s24;
	s13 =	sadd.s32 $0x1000, s16;
	[sflag:s0] =	ssyncset.done $0x0  }
0x1f4: {  	s7 =	sadd.s32 $0x1080, s16;
	s1 =	sadd.s32 $0x9080, s16;
	[sflag:s0] =	ssyncadd.s32 $0xFFFFFF80  }
0x1f5: {  	s28 =	sadd.s32 $0x9300, s16;
	s10 =	sadd.s32 $0x1280, s16;
	s8 =	sld [smem:s17+$0xFFFFFFF9]  }
0x1f6: {  	s9 =	sadd.s32 $0x9280, s16;
	s20 =	sadd.s32 $0x9100, s16;
	s14 =	sld [smem:s25+$0xFFFFFFF9]  }
0x1f7: {  	s21 =	sadd.s32 $0x9180, s16;
	s30 =	sadd.s32 $0x1100, s16;
	s18 =	sld [smem:s17+$0xFFFFFFFA]  }
0x1f8: {  	s26 =	sadd.s32 $0x1380, s16;
	s6 =	sadd.s32 $0x1300, s16;
	s19 =	sld [smem:s25+$0xFFFFFFFB]  }
0x1f9: {  	s11 =	sadd.s32 $0x9200, s16;
	s12 =	sadd.s32 $0x1200, s16;
	s22 =	sld [smem:s25+$0xFFFFFFFA]  }
0x1fa: {  	s31 =	sld [smem:s17+$0x0];
	s8 =	sshll.u32 s8, $0x4;
	s14 =	sshll.u32 s14, $0x4  }
0x1fb: {  	s18 =	sshll.u32 s18, $0x4;
	s19 =	sshll.u32 s19, $0x4;
	s14 =	sand.u32 $0x1FFFFFF0, s14  }
0x1fc: {  	s8 =	sand.u32 $0x1FFFFFF0, s8;
	s19 =	sand.u32 $0x1FFFFFF0, s19;
	s14 =	sadd.s32 s3, s14  }
0x1fd: {  	[tilespmem:s13], [sflag:$0x1] =	stream.linear.gather [hbm4b:s14+s29], $0x80, $0x38;
	[tilespmem:$0x10C00] =	vst v63  }
0x1fe: {  	s13 =	sshll.u32 s22, $0x4;
	s14 =	sand.u32 $0x1FFFFFF0, s18;
	s18 =	sld [smem:s17+$0xFFFFFFFB]  }
0x1ff: {  	s8 =	sadd.s32 s4, s8;
	s29 =	sld [smem:s25+$0xFFFFFFFC];
	s5 =	sand.u32 $0x1FFFFFF0, s13  }
0x200: {  	s13 =	simm.s32 $0x0;
	s22 =	sadd.s32 s3, s5;
	s5 =	rddreg [dreg:$0x7]  }
0x201: {  	[tilespmem:s5], [sflag:$0x2] =	stream.linear.gather [hbm4b:s8+s13], $0x80, $0x38;
	[tilespmem:$0x10C00] =	vst v63  }
0x202: {  	s14 =	sadd.s32 s4, s14;
	s8 =	sshll.u32 s18, $0x4;
	s18 =	sld [smem:s25+$0x0]  }
0x203: {  	[tilespmem:s7], [sflag:$0x1] =	stream.linear.gather [hbm4b:s22+s13], $0x80, $0x38;
	[tilespmem:$0x10C00] =	vst v63  }
0x204: {  	s5 =	sshll.u32 s31, $0x4;
	s22 =	sshll.u32 s29, $0x4;
	s29 =	simm.s32 $0x0  }
0x205: {  	[tilespmem:s1], [sflag:$0x2] =	stream.linear.gather [hbm4b:s14+s29], $0x80, $0x38;
	[tilespmem:$0x10C00] =	vst v63  }
0x206: {  	s31 =	sadd.s32 s3, s19;
	s8 =	sand.u32 $0x1FFFFFF0, s8;
	s1 =	sld [smem:s17+$0xFFFFFFFC]  }
0x207: {  	s8 =	sadd.s32 s4, s8;
	s13 =	sld [smem:s25+$0xFFFFFFFD];
	s14 =	sand.u32 $0x1FFFFFF0, s22  }
0x208: {  	[tilespmem:s30], [sflag:$0x1] =	stream.linear.gather [hbm4b:s31+s29], $0x80, $0x38;
	[tilespmem:$0x10C00] =	vst v63  }
0x209: {  	s22 =	sadd.s32 s3, s14;
	s14 =	sld [smem:s17+$0xFFFFFFFD];
	s30 =	sshll.u32 s1, $0x4  }
0x20a: {  	[tilespmem:s20], [sflag:$0x2] =	stream.linear.gather [hbm4b:s8+s29], $0x80, $0x38;
	[tilespmem:$0x10C00] =	vst v63  }
0x20b: {  	s13 =	sshll.u32 s13, $0x4;
	s31 =	rddreg [dreg:$0x9];
	s7 =	sand.u32 $0x1FFFFFF0, s30  }
0x20c: {  	[tilespmem:s31], [sflag:$0x1] =	stream.linear.gather [hbm4b:s22+s29], $0x80, $0x38;
	[tilespmem:$0x10C00] =	vst v63  }
0x20d: {  	s20 =	sld [smem:s25+$0xFFFFFFFE];
	s1 =	sadd.s32 s4, s7;
	s7 =	sand.u32 $0x1FFFFFF0, s13  }
0x20e: {  	[tilespmem:s21], [sflag:$0x2] =	stream.linear.gather [hbm4b:s1+s29], $0x80, $0x38;
	[tilespmem:$0x10C00] =	vst v63  }
0x20f: {  	s19 =	sld [smem:s17+$0xFFFFFFFF];
	s30 =	sshll.u32 s14, $0x4;
	s22 =	sadd.s32 s3, s7  }
0x210: {  	[tilespmem:s12], [sflag:$0x1] =	stream.linear.gather [hbm4b:s22+s29], $0x80, $0x38;
	[tilespmem:$0x10C00] =	vst v63  }
0x211: {  	s31 =	sld [smem:s17+$0xFFFFFFFE];
	s13 =	sshll.u32 s20, $0x4;
	s12 =	sand.u32 $0x1FFFFFF0, s30  }
0x212: {  	s14 =	sld [smem:s25+$0xFFFFFFFF];
	s7 =	sand.u32 $0x1FFFFFF0, s13;
	s1 =	sadd.s32 s4, s12  }
0x213: {  	[tilespmem:s11], [sflag:$0x2] =	stream.linear.gather [hbm4b:s1+s29], $0x80, $0x38;
	[tilespmem:$0x10C00] =	vst v63  }
0x214: {  	s18 =	sshll.u32 s18, $0x4;
	s8 =	sshll.u32 s31, $0x4;
	s17 =	sadd.s32 s3, s7  }
0x215: {  	[tilespmem:s10], [sflag:$0x1] =	stream.linear.gather [hbm4b:s17+s29], $0x80, $0x38;
	[tilespmem:$0x10C00] =	vst v63  }
.Ltmp1:
0x216: {  	s21 =	sshll.u32 s14, $0x4;
	s20 =	sand.u32 $0x1FFFFFF0, s8;
	(pc) =	sbr.rel @p0 .LBB2_4-.Ltmp1, $4  }
0x217: {  	s25 =	sand.u32 $0x1FFFFFF0, s21;
	s30 =	sshll.u32 s19, $0x4;
	s22 =	sadd.s32 s4, s20  }
0x218: {  	[tilespmem:s9], [sflag:$0x2] =	stream.linear.gather [hbm4b:s22+s29], $0x80, $0x38;
	[tilespmem:$0x10C00] =	vst v63  }
0x219: {  	s31 =	sadd.s32 s3, s25;
	s10 =	sand.u32 $0x1FFFFFF0, s30;
	s9 =	sand.u32 $0x1FFFFFF0, s18  }
0x21a: {  	[tilespmem:s6], [sflag:$0x1] =	stream.linear.gather [hbm4b:s31+s29], $0x80, $0x38;
	[tilespmem:$0x10C00] =	vst v63  }
0x21b: {  	s1 =	sadd.s32 s4, s10  }
0x21c: {  	[tilespmem:s28], [sflag:$0x2] =	stream.linear.gather [hbm4b:s1+s29], $0x80, $0x38;
	[tilespmem:$0x10C00] =	vst v63  }
0x21d: {  	s24 =	sadd.s32 s3, s9;
	s2 =	sand.u32 $0x1FFFFFF0, s5  }
0x21e: {  	[tilespmem:s26], [sflag:$0x1] =	stream.linear.gather [hbm4b:s24+s29], $0x80, $0x38;
	[tilespmem:$0x10C00] =	vst v63  }
0x21f: {  	s25 =	sadd.s32 $0x9380, s16;
	s2 =	sadd.s32 s4, s2  }
0x220: {  	[tilespmem:s25], [sflag:$0x2] =	stream.linear.gather [hbm4b:s2+s29], $0x80, $0x38;
	[tilespmem:$0x10C00] =	vst v63  }
0x221: {  	_ =	swait.ge [sflag:s23], $0x80  }
0x222: {  	[sflag:s23] =	ssyncset.done $0x0  }
0x223: {  	[sflag:s23] =	ssyncadd.s32 $0xFFFFFF80  }
0x224: {  	_ =	swait.ge [sflag:s0], $0x80  }
0x225: {  	[sflag:s0] =	ssyncset.done $0x0  }
0x226: {  	[sflag:s0] =	ssyncadd.s32 $0xFFFFFF80  }
0x227: {  	_ =	swait.ge [sflag:s23], $0x80  }
0x228: {  	[sflag:s23] =	ssyncset.done $0x0  }
0x229: {  	[sflag:s23] =	ssyncadd.s32 $0xFFFFFF80  }
0x22a: {  	_ =	swait.ge [sflag:s0], $0x80  }
0x22b: {  	[sflag:s0] =	ssyncset.done $0x0  }
0x22c: {  	[sflag:s0] =	ssyncadd.s32 $0xFFFFFF80  }
0x22d: {  	_ =	swait.ge [sflag:s23], $0x80  }
0x22e: {  	[sflag:s23] =	ssyncset.done $0x0  }
0x22f: {  	[sflag:s23] =	ssyncadd.s32 $0xFFFFFF80  }
0x230: {  	_ =	swait.ge [sflag:s0], $0x80  }
0x231: {  	[sflag:s0] =	ssyncset.done $0x0  }
0x232: {  	[sflag:s0] =	ssyncadd.s32 $0xFFFFFF80  }
0x233: {  	_ =	swait.ge [sflag:s23], $0x80  }
0x234: {  	[sflag:s23] =	ssyncset.done $0x0  }
0x235: {  	[sflag:s23] =	ssyncadd.s32 $0xFFFFFF80  }
0x236: {  	_ =	swait.ge [sflag:s0], $0x80  }
0x237: {  	[sflag:s0] =	ssyncset.done $0x0  }
0x238: {  	[sflag:s0] =	ssyncadd.s32 $0xFFFFFF80  }
0x239: {  	_ =	swait.ge [sflag:s23], $0x80  }
0x23a: {  	[sflag:s23] =	ssyncset.done $0x0  }
0x23b: {  	[sflag:s23] =	ssyncadd.s32 $0xFFFFFF80  }
0x23c: {  	_ =	swait.ge [sflag:s0], $0x80  }
0x23d: {  	[sflag:s0] =	ssyncset.done $0x0  }
0x23e: {  	[sflag:s0] =	ssyncadd.s32 $0xFFFFFF80  }
0x23f: {  	_ =	swait.ge [sflag:s23], $0x80  }
0x240: {  	[sflag:s23] =	ssyncset.done $0x0  }
0x241: {  	[sflag:s23] =	ssyncadd.s32 $0xFFFFFF80  }
0x242: {  	_ =	swait.ge [sflag:s0], $0x80  }
0x243: {  	[sflag:s0] =	ssyncset.done $0x0  }
0x244: {  	[sflag:s0] =	ssyncadd.s32 $0xFFFFFF80  }
0x245: {  	_ =	swait.ge [sflag:s23], $0x80  }
0x246: {  	[sflag:s23] =	ssyncset.done $0x0  }
0x247: {  	[sflag:s23] =	ssyncadd.s32 $0xFFFFFF80  }
0x248: {  	_ =	swait.ge [sflag:s0], $0x80  }
0x249: {  	[sflag:s0] =	ssyncset.done $0x0  }
0x24a: {  	[sflag:s0] =	ssyncadd.s32 $0xFFFFFF80  }
0x24b: {  	_ =	swait.ge [sflag:s23], $0x80  }
0x24c: {  	[sflag:s23] =	ssyncset.done $0x0  }
0x24d: {  	[sflag:s23] =	ssyncadd.s32 $0xFFFFFF80  }
0x24e: {  	_ =	swait.ge [sflag:s0], $0x80  }
0x24f: {  	[sflag:s0] =	ssyncset.done $0x0  }
0x250: {  	[sflag:s0] =	ssyncadd.s32 $0xFFFFFF80  }
0x251: {  	_ =	swait.ge [sflag:s23], $0x80  }
0x252: {  	[sflag:s23] =	ssyncset.done $0x0  }
0x253: {  	[sflag:s23] =	ssyncadd.s32 $0xFFFFFF80  }
0x254: {  	_ =	swait.ge [sflag:s0], $0x80  }
0x255: {  	[sflag:s0] =	ssyncset.done $0x0  }
0x256: {  	[sflag:s0] =	ssyncadd.s32 $0xFFFFFF80  }
0x257: {  	_ =	swait.ge [sflag:s23], $0x80  }
0x258: {  	[sflag:s23] =	ssyncset.done $0x0  }
0x259: {  	[sflag:s23] =	ssyncadd.s32 $0xFFFFFF80  }
0x25a: {  	_ =	swait.ge [sflag:s0], $0x80  }
0x25b: {  	[sflag:s0] =	ssyncset.done $0x0  }
0x25c: {  	[sflag:s0] =	ssyncadd.s32 $0xFFFFFF80  }
0x25d: {  	_ =	swait.ge [sflag:s23], $0x80  }
0x25e: {  	[sflag:s23] =	ssyncset.done $0x0  }
0x25f: {  	[sflag:s23] =	ssyncadd.s32 $0xFFFFFF80  }
0x260: {  	_ =	swait.ge [sflag:s0], $0x80  }
0x261: {  	[sflag:s0] =	ssyncset.done $0x0  }
0x262: {  	[sflag:s0] =	ssyncadd.s32 $0xFFFFFF80  }
0x263: {  	_ =	swait.ge [sflag:s23], $0x80  }
0x264: {  	[sflag:s23] =	ssyncset.done $0x0  }
0x265: {  	[sflag:s23] =	ssyncadd.s32 $0xFFFFFF80  }
0x266: {  	_ =	swait.ge [sflag:s0], $0x80  }
0x267: {  	[sflag:s0] =	ssyncset.done $0x0  }
0x268: {  	[sflag:s0] =	ssyncadd.s32 $0xFFFFFF80  }
0x269: {  	_ =	swait.ge [sflag:s23], $0x80  }
0x26a: {  	[sflag:s23] =	ssyncset.done $0x0  }
0x26b: {  	[sflag:s23] =	ssyncadd.s32 $0xFFFFFF80  }
0x26c: {  	_ =	swait.ge [sflag:s0], $0x80  }
0x26d: {  	[sflag:s0] =	ssyncset.done $0x0  }
0x26e: {  	[sflag:s0] =	ssyncadd.s32 $0xFFFFFF80  }
0x26f: {  	_ =	swait.ge [sflag:s23], $0x80  }
0x270: {  	[sflag:s23] =	ssyncset.done $0x0  }
0x271: {  	[sflag:s23] =	ssyncadd.s32 $0xFFFFFF80  }
0x272: {  	_ =	swait.ge [sflag:s0], $0x80  }
0x273: {  	[sflag:s0] =	ssyncset.done $0x0  }
0x274: {  	[sflag:s0] =	ssyncadd.s32 $0xFFFFFF80  }
0x275: {  	_ =	swait.ge [sflag:s23], $0x80  }
0x276: {  	[sflag:s23] =	ssyncset.done $0x0  }
0x277: {  	[sflag:s23] =	ssyncadd.s32 $0xFFFFFF80  }
0x278: {  	_ =	swait.ge [sflag:s0], $0x80  }
0x279: {  	[sflag:s0] =	ssyncset.done $0x0  }
0x27a: {  	[sflag:s0] =	ssyncadd.s32 $0xFFFFFF80  }
0x27b: {  	_ =	swait.ge [sflag:s23], $0x80  }
0x27c: {  	[sflag:s23] =	ssyncset.done $0x0  }
0x27d: {  	[sflag:s23] =	ssyncadd.s32 $0xFFFFFF80  }
0x27e: {  	_ =	swait.ge [sflag:s0], $0x80  }
0x27f: {  	s9 =	simm.s32 $0xC00;
	[sflag:s0] =	ssyncset.done $0x0  }
0x280: {  	s5 =	simm.s32 $0x3;
	s26 =	rddreg [dreg:$0x10];
	[sflag:s0] =	ssyncadd.s32 $0xFFFFFF80  }
0x281: {  	[hbm4b:s26+s29] =	stream.linear.scatter [tilespmem:s9], [sflag:$0x3], $0x8000, $0x38;
	[tilespmem:$0x10C00] =	vst v63  }
0x282: {  	_ =	swait.ge [sflag:s5], $0x8000  }
0x283: {  	[sflag:s5] =	ssyncset.done $0x0  }
0x284: {  	s10 =	simm.s32 $0x8C00;
	s28 =	rddreg [dreg:$0x11];
	[sflag:s5] =	ssyncadd.s32 $0xFFFF8000  }
0x285: {  	[hbm4b:s28+s29] =	stream.linear.scatter [tilespmem:s10], [sflag:$0x3], $0x8000, $0x38;
	[tilespmem:$0x10C00] =	vst v63  }
0x286: {  	_ =	swait.ge [sflag:s5], $0x8000  }
0x287: {  	s30 =	rddreg [dreg:$0x19]  }
0x288: {  	s31 =	rddreg [dreg:$0x12];
	s2 =	sadd.s32 $0x1, s30  }
0x289: {  	p0 =	sne.s32 s2, s31  }
.Ltmp2:
0x28a: {  	_ = 	snop;
	(pc) =	sbr.rel @p0 .LBB2_1-.Ltmp2, $3  }
0x28b: {  	_ =	sdelay $0x1  }
0x28c: {  	[sflag:s5] =	ssyncset.done $0x0  }
0x28d: {  	[sflag:s5] =	ssyncadd.s32 $0xFFFF8000  }
0x28e: {  	_ =	sfence.sel $0x180000  }
0x28f: {  	[bflag:$0x0] =	sbarrier.arrive $0xFFFF  }
0x290: {  	_ =	strace $0x90000047  }
0x291: {  	s0 =	stileid.u32;
	[bflag:$0x2] =	sbarrier.arrive $0xFFFF  }
0x292: {  	p0 =	sne.s32 s0, $0x0;
	s0 =	rddreg [dreg:$0x5]  }
0x293: {  	s0 =	sadd.s32 @!p0 $0x100000, s0  }
0x294: {  	[sflag:s0] =	ssyncadd.tile.s32 @!p0 $0x1;
	_ =	shalt  }
.Lfunc_end2:
_tile_overlayer_lowered:
.L_overlay_start_2:
0x295: {  	(tag) =	ssettag $0x2  }
0x296: {  	s0 =	rddreg [dreg:$0x0];
	s2 =	stileid.u32  }
0x297: {  	s1 =	rddreg [dreg:$0x1];
	p0 =	sne.s32 s2, $0x0  }
0x298: {  	s3 =	rddreg [dreg:$0x2];
	[bflag:$0x3] =	sbarrier.arrive $0xFFFF;
	s2 =	simm.s32 @!p0 $0x1C03  }
0x299: {  	[timem:s3], [sflag:s2] =	dma.local @!p0 [hbm:s0], s1  }
0x29a: {  	s0 =	simm.s32 @!p0 $0x3  }
0x29b: {  	_ =	swait.ge @!p0 [sflag:s0], s1  }
0x29c: {  	s1 =	ssub.s32 @!p0 $0x0, s1;
	[sflag:s0] =	ssyncset.done @!p0 $0x0  }
0x29d: {  	[sflag:s0] =	ssyncadd.s32 @!p0 s1  }
0x29e: {  	[bflag:$0x3] =	sbarrier.arrive $0xFFFF  }
0x29f: {  	_ =	shalt  }

</sc_bundles>
